<compile_context>
chip_gen: v7x
topology: tpu7x:2x2x1
jax: 0.10.2.dev20260603
libtpu: 0.0.44.dev20260713+nightly
codegen_flags: <defaults>
</compile_context>

<pallas_src>
import jax
import jax.numpy as jnp
from jax import lax
from jax.experimental import pallas as pl
from jax.experimental.pallas import tpu as pltpu
from jax.experimental.pallas import tpu_sc as plsc

_RADIUS = 0.2
_NSAMPLE = 32
_B, _N, _NP, _C = 8, 4096, 1024, 64
_NCH = 3 + _C
_NW = 32
_QPW = (_B * _NP) // _NW
_TPB = _NP // _QPW
_GSZ = _QPW * _NSAMPLE
_CHSTRIDE = _NP * _NSAMPLE
_SELSTRIDE = _NSAMPLE
_UNROLL = 16
_CGRP = 4


def _sc_body(xyz_hbm, q_hbm, pts_hbm, out_hbm,
             xt, yt, zt, qv, idxs, sel, tblA, tblB, stg0, stg1, stg2, stg3,
             sem_in0, sem_in1, sem_out):
    wid = lax.axis_index("s") * 2 + lax.axis_index("c")
    b = wid // _TPB
    p0 = (wid % _TPB) * _QPW

    pltpu.sync_copy(xyz_hbm.at[b * 3 + 0], xt)
    pltpu.sync_copy(xyz_hbm.at[b * 3 + 1], yt)
    pltpu.sync_copy(xyz_hbm.at[b * 3 + 2], zt)
    for d in range(3):
        pltpu.sync_copy(q_hbm.at[b * 3 + d, pl.ds(p0, _QPW)],
                        qv.at[pl.ds(d * _QPW, _QPW)])

    lane = jnp.arange(16, dtype=jnp.int32)
    zeros16 = jnp.zeros((16,), jnp.int32)
    r2 = jnp.float32(_RADIUS * _RADIUS)

    def per_query(p, carry):
        qx = jnp.full((16,), qv[pl.ds(p, 16)][0], jnp.float32)
        qy = jnp.full((16,), qv[pl.ds(_QPW + p, 16)][0], jnp.float32)
        qz = jnp.full((16,), qv[pl.ds(2 * _QPW + p, 16)][0], jnp.float32)
        base = p * _NSAMPLE
        sbase = p * _SELSTRIDE
        sel[pl.ds(sbase, 16)] = zeros16

        def cond(jc):
            j, cnt = jc
            return (j < _N // 16) & (cnt < _NSAMPLE)

        def wstep(jc):
            j, cnt = jc
            masks = []
            for u in range(_UNROLL):
                off = (j + u) * 16
                dx = xt[pl.ds(off, 16)] - qx
                dy = yt[pl.ds(off, 16)] - qy
                dz = zt[pl.ds(off, 16)] - qz
                d2 = dx * dx + dy * dy + dz * dz
                masks.append(d2 < r2)
            pcs = [plsc.all_reduce_population_count(m)[0] for m in masks]
            offs = []
            for u in range(_UNROLL):
                offs.append(cnt)
                cnt = cnt + pcs[u]
            for u in range(_UNROLL):
                plsc.store_compressed(sel.at[pl.ds(sbase + offs[u], 16)],
                                      (j + u) * 16 + lane, mask=masks[u])
            return j + _UNROLL, cnt

        _, cnt = lax.while_loop(cond, wstep, (jnp.int32(0), jnp.int32(0)))

        first = jnp.full((16,), sel[pl.ds(sbase, 16)][0], jnp.int32)
        for k in range(2):
            have = (lane + 16 * k) < cnt
            iv = jnp.where(have, sel[pl.ds(sbase + 16 * k, 16)], first)
            idxs[pl.ds(base + 16 * k, 16)] = iv
            stg0[pl.ds(base + 16 * k, 16)] = plsc.load_gather(xt, [iv]) - qx
            stg1[pl.ds(base + 16 * k, 16)] = plsc.load_gather(yt, [iv]) - qy
            stg2[pl.ds(base + 16 * k, 16)] = plsc.load_gather(zt, [iv]) - qz
        return carry

    lax.fori_loop(0, _QPW, per_query, jnp.int32(0))

    out_base = (b * _NCH) * _CHSTRIDE + p0 * _NSAMPLE
    stg = [stg0, stg1, stg2, stg3]
    for d in range(3):
        pltpu.sync_copy(stg[d],
                        out_hbm.at[pl.ds(out_base + d * _CHSTRIDE, _GSZ)])

    tbl = [tblA, tblB]
    sem_in = [sem_in0, sem_in1]
    rsplat = [jnp.full((16,), r, jnp.int32) for r in range(_CGRP)]

    def in_grp(g):
        return pts_hbm.at[pl.ds(b * _C + _CGRP * g, _CGRP)]

    def out_slab(g, r):
        return out_hbm.at[pl.ds(out_base + (3 + _CGRP * g + r) * _CHSTRIDE,
                                _GSZ)]

    def gather_group(tref):
        def gg(i, cc):
            iv = idxs[pl.ds(i * 16, 16)]
            for r in range(_CGRP):
                stg[r][pl.ds(i * 16, 16)] = plsc.load_gather(tref,
                                                             [rsplat[r], iv])
            return cc
        lax.fori_loop(0, _GSZ // 16, gg, jnp.int32(0), unroll=8)

    _NG = _C // _CGRP
    pltpu.async_copy(in_grp(0), tblA, sem_in[0])
    pltpu.async_copy(in_grp(1), tblB, sem_in[1])

    pltpu.make_async_copy(in_grp(0), tblA, sem_in[0]).wait()
    gather_group(tblA)
    pltpu.async_copy(in_grp(2), tblA, sem_in[0])
    for r in range(_CGRP):
        pltpu.async_copy(stg[r], out_slab(0, r), sem_out)

    def grp_pair(cc, carry):
        for par in range(2):
            g = 2 * cc + par
            tref = tbl[par]
            pltpu.make_async_copy(in_grp(g), tref, sem_in[par]).wait()
            for r in range(_CGRP):
                pltpu.make_async_copy(stg[r], out_slab(g - 1, r),
                                      sem_out).wait()
            gather_group(tref)
            gn = jnp.minimum(g + 2, _NG - 2 + par)
            pltpu.async_copy(in_grp(gn), tref, sem_in[par])
            for r in range(_CGRP):
                pltpu.async_copy(stg[r], out_slab(g, r), sem_out)
        return carry

    pltpu.make_async_copy(in_grp(1), tblB, sem_in[1]).wait()
    for r in range(_CGRP):
        pltpu.make_async_copy(stg[r], out_slab(0, r), sem_out).wait()
    gather_group(tblB)
    pltpu.async_copy(in_grp(3), tblB, sem_in[1])
    for r in range(_CGRP):
        pltpu.async_copy(stg[r], out_slab(1, r), sem_out)

    lax.fori_loop(1, _NG // 2, grp_pair, jnp.int32(0))

    for r in range(_CGRP):
        pltpu.make_async_copy(stg[r], out_slab(_NG - 1, r), sem_out).wait()
    pltpu.make_async_copy(in_grp(_NG - 2), tblA, sem_in[0]).wait()
    pltpu.make_async_copy(in_grp(_NG - 1), tblB, sem_in[1]).wait()


@jax.jit
def kernel(xyz, new_xyz, points):
    xt = jnp.transpose(xyz, (0, 2, 1)).reshape(_B * 3, _N)
    qt = jnp.transpose(new_xyz, (0, 2, 1)).reshape(_B * 3, _NP)
    pts = points.reshape(_B * _C, _N)
    fn = pl.kernel(
        _sc_body,
        out_type=jax.ShapeDtypeStruct((_B * _NCH * _NP * _NSAMPLE,),
                                      jnp.float32),
        mesh=plsc.VectorSubcoreMesh(core_axis_name="c", subcore_axis_name="s"),
        compiler_params=pltpu.CompilerParams(needs_layout_passes=False),
        scratch_types=[
            pltpu.VMEM((_N,), jnp.float32),
            pltpu.VMEM((_N,), jnp.float32),
            pltpu.VMEM((_N,), jnp.float32),
            pltpu.VMEM((3 * _QPW + 16,), jnp.float32),
            pltpu.VMEM((_GSZ,), jnp.int32),
            pltpu.VMEM((_GSZ + 16 * _UNROLL + 64,), jnp.int32),
            pltpu.VMEM((_CGRP, _N), jnp.float32),
            pltpu.VMEM((_CGRP, _N), jnp.float32),
            pltpu.VMEM((_GSZ,), jnp.float32),
            pltpu.VMEM((_GSZ,), jnp.float32),
            pltpu.VMEM((_GSZ,), jnp.float32),
            pltpu.VMEM((_GSZ,), jnp.float32),
            pltpu.SemaphoreType.DMA,
            pltpu.SemaphoreType.DMA,
            pltpu.SemaphoreType.DMA,
        ],
    )
    out = fn(xt, qt, pts)
    return out.reshape(_B, _NCH, _NP, _NSAMPLE)

# --- scband reference (transcript-rebuilt; emitter-appended) ---
"""Pipeline reference for scband-query-and-group-52785148067965 (READ-ONLY COPY).

The authoritative reference and input builder live on the scoring server;
editing this copy changes nothing except your own understanding.
"""

import jax, jax.numpy as jnp
import numpy as np

RADIUS = 0.2
NSAMPLE = 32


def setup_inputs(seed: int = 0) -> dict:
    key = jax.random.key(seed)
    k1, k2, k3 = jax.random.split(key, 3)
    B, N, NP, C = 8, 4096, 1024, 64
    xyz = jax.random.uniform(k1, (B, N, 3), dtype=jnp.float32)
    new_xyz = jax.random.uniform(k2, (B, NP, 3), dtype=jnp.float32)
    points = jax.random.normal(k3, (B, C, N), dtype=jnp.float32)
    return {"xyz": xyz, "new_xyz": new_xyz, "points": points}


def ball_query(radius, nsample, xyz, new_xyz):
    # xyz: (B, N, 3), new_xyz: (B, NP, 3) -> idx (B, NP, nsample) int32
    B, N, _ = xyz.shape
    d2 = jnp.sum((new_xyz[:, :, None, :] - xyz[:, None, :, :]) ** 2, axis=-1)  # (B, NP, N)
    mask = d2 < (radius * radius)
    arange = jnp.arange(N, dtype=jnp.int32)
    key = jnp.where(mask, arange[None, None, :], jnp.int32(N))  # (B, NP, N)
    sorted_keys = jnp.sort(key, axis=-1)[..., :nsample]  # smallest indices first = order found
    first = sorted_keys[..., :1]
    first = jnp.where(first < N, first, jnp.int32(0))  # CUDA kernel zero-inits idx
    idx = jnp.where(sorted_keys < N, sorted_keys, first)
    return idx.astype(jnp.int32)


def group_points(points, idx):
    # points: (B, C, N), idx: (B, NP, NS) -> (B, C, NP, NS)
    return jax.vmap(lambda p, i: p[:, i])(points, idx)


def reference(xyz, new_xyz, points):
    idx = ball_query(RADIUS, NSAMPLE, xyz, new_xyz)  # (B, NP, NS)
    xyz_trans = jnp.transpose(xyz, (0, 2, 1))  # (B, 3, N)
    grouped_xyz = group_points(xyz_trans, idx)  # (B, 3, NP, NS)
    grouped_xyz = grouped_xyz - jnp.transpose(new_xyz, (0, 2, 1))[..., None]
    grouped_points = group_points(points, idx)  # (B, C, NP, NS)
    new_points = jnp.concatenate([grouped_xyz, grouped_points], axis=1)  # use_xyz=True
    return new_points

if __name__ == "__main__":
    import jax
    _d = setup_inputs()
    print(jax.jit(kernel)(*tuple(_d.values())))

</pallas_src>

<mosaic_0001>
#map = affine_map<(d0, d1) -> (0, 0)>
#map1 = affine_map<(d0, d1) -> (0)>
module attributes {stable_mosaic.version = 14 : i64} {
  func.func @_sc_body(%arg0: i32, %arg1: i32, %arg2: memref<24x4096xf32, #tpu.memory_space<hbm>>, %arg3: memref<24x1024xf32, #tpu.memory_space<hbm>>, %arg4: memref<512x4096xf32, #tpu.memory_space<hbm>>, %arg5: memref<17563648xf32, #tpu.memory_space<hbm>>, %arg6: memref<4096xf32, #tpu.memory_space<vmem>>, %arg7: memref<4096xf32, #tpu.memory_space<vmem>>, %arg8: memref<4096xf32, #tpu.memory_space<vmem>>, %arg9: memref<784xf32, #tpu.memory_space<vmem>>, %arg10: memref<8192xi32, #tpu.memory_space<vmem>>, %arg11: memref<8512xi32, #tpu.memory_space<vmem>>, %arg12: memref<4x4096xf32, #tpu.memory_space<vmem>>, %arg13: memref<4x4096xf32, #tpu.memory_space<vmem>>, %arg14: memref<8192xf32, #tpu.memory_space<vmem>>, %arg15: memref<8192xf32, #tpu.memory_space<vmem>>, %arg16: memref<8192xf32, #tpu.memory_space<vmem>>, %arg17: memref<8192xf32, #tpu.memory_space<vmem>>, %arg18: memref<!tpu.dma_semaphore, #tpu.memory_space<semaphore_mem>>, %arg19: memref<!tpu.dma_semaphore, #tpu.memory_space<semaphore_mem>>, %arg20: memref<!tpu.dma_semaphore, #tpu.memory_space<semaphore_mem>>) attributes {dimension_semantics = [#tpu.dimension_semantics<core_parallel>, #tpu.dimension_semantics<subcore_parallel>], iteration_bounds = array<i64: 2, 16>, scalar_prefetch = 0 : i64, scratch_operands = 15 : i64, tpu.core_type = #tpu.core_type<sc_vector_subcore>, window_params = [{transform_indices = #map}, {transform_indices = #map}, {transform_indices = #map}, {transform_indices = #map1}]} {
    %mul3A = arith.constant 2 : i32
    %mul3A_0 = arith.muli %arg1, %mul3A : i32
    %add3A = arith.addi %mul3A_0, %arg0 : i32
    %jit3A = arith.constant 4 : i32
    %div3A = arith.divsi %add3A, %jit3A : i32
    %sign3A = arith.constant 0 : i32
    %sign3A_1 = arith.cmpi sgt, %add3A, %sign3A : i32
    %sign3A_2 = arith.extui %sign3A_1 : i1 to i32
    %sign3A_3 = arith.constant 0 : i32
    %sign3A_4 = arith.cmpi slt, %add3A, %sign3A_3 : i32
    %sign3A_5 = arith.extui %sign3A_4 : i1 to i32
    %sign3A_6 = arith.subi %sign3A_2, %sign3A_5 : i32
    %sign3A_7 = arith.constant 0 : i32
    %sign3A_8 = arith.cmpi sgt, %jit3A, %sign3A_7 : i32
    %sign3A_9 = arith.extui %sign3A_8 : i1 to i32
    %sign3A_10 = arith.constant 0 : i32
    %sign3A_11 = arith.cmpi slt, %jit3A, %sign3A_10 : i32
    %sign3A_12 = arith.extui %sign3A_11 : i1 to i32
    %sign3A_13 = arith.subi %sign3A_9, %sign3A_12 : i32
    %ne3A = arith.cmpi ne, %sign3A_6, %sign3A_13 : i32
    %rem3A = arith.remsi %add3A, %jit3A : i32
    %ne3A_14 = arith.constant 0 : i32
    %ne3A_15 = arith.cmpi ne, %rem3A, %ne3A_14 : i32
    %and3A = arith.andi %ne3A, %ne3A_15 : i1
    %sub3A = arith.constant 1 : i32
    %sub3A_16 = arith.subi %div3A, %sub3A : i32
    %select_n3A = arith.select %and3A, %sub3A_16, %div3A : i32
    %jit3A_17 = arith.constant 4 : i32
    %eq3A = arith.constant 0 : i32
    %eq3A_18 = arith.cmpi eq, %jit3A_17, %eq3A : i32
    %jit3A_19 = arith.constant 1 : i32
    %select_n3A_20 = arith.select %eq3A_18, %jit3A_19, %jit3A_17 : i32
    %rem3A_21 = arith.remsi %add3A, %select_n3A_20 : i32
    %ne3A_22 = arith.constant 0 : i32
    %ne3A_23 = arith.cmpi ne, %rem3A_21, %ne3A_22 : i32
    %lt3A = arith.constant 0 : i32
    %lt3A_24 = arith.cmpi slt, %rem3A_21, %lt3A : i32
    %lt3A_25 = arith.constant 0 : i32
    %lt3A_26 = arith.cmpi slt, %select_n3A_20, %lt3A_25 : i32
    %ne3A_27 = arith.xori %lt3A_24, %lt3A_26 : i1
    %and3A_28 = arith.andi %ne3A_27, %ne3A_23 : i1
    %add3A_29 = arith.addi %rem3A_21, %select_n3A_20 : i32
    %select_n3A_30 = arith.select %and3A_28, %add3A_29, %rem3A_21 : i32
    %mul3A_31 = arith.constant 256 : i32
    %mul3A_32 = arith.muli %select_n3A_30, %mul3A_31 : i32
    %mul3A_33 = arith.constant 3 : i32
    %mul3A_34 = arith.muli %select_n3A, %mul3A_33 : i32
    %add3A_35 = arith.constant 0 : i32
    %add3A_36 = arith.addi %mul3A_34, %add3A_35 : i32
    "tpu.region"() ({
      %run_scoped3A = tpu.sem_alloc : memref<!tpu.dma_semaphore, #tpu.memory_space<semaphore_mem>>
      %dma_start3A_229 = arith.constant 0 : i32
      %dma_start3A_230 = tpu.memref_slice %arg2[%add3A_36, %dma_start3A_229] : memref<24x4096xf32, #tpu.memory_space<hbm>> -> memref<1x4096xf32, #tpu.memory_space<hbm>>
      %dma_start3A_231 = tpu.memref_squeeze %dma_start3A_230 : memref<1x4096xf32, #tpu.memory_space<hbm>> -> memref<4096xf32, #tpu.memory_space<hbm>>
      %dma_start3A_232 = arith.constant 0 : i32
      %dma_start3A_233 = tpu.memref_slice %arg2[%add3A_36, %dma_start3A_232] : memref<24x4096xf32, #tpu.memory_space<hbm>> -> memref<1x4096xf32, #tpu.memory_space<hbm>>
      %dma_start3A_234 = tpu.memref_squeeze %dma_start3A_233 : memref<1x4096xf32, #tpu.memory_space<hbm>> -> memref<4096xf32, #tpu.memory_space<hbm>>
      tpu.enqueue_dma source(%dma_start3A_234 : memref<4096xf32, #tpu.memory_space<hbm>>) target(%arg6 : memref<4096xf32, #tpu.memory_space<vmem>>) target_semaphore(%run_scoped3A : memref<!tpu.dma_semaphore, #tpu.memory_space<semaphore_mem>>)
      %dma_wait3A_235 = arith.constant 0 : i32
      %dma_wait3A_236 = tpu.memref_slice %arg2[%add3A_36, %dma_wait3A_235] : memref<24x4096xf32, #tpu.memory_space<hbm>> -> memref<1x4096xf32, #tpu.memory_space<hbm>>
      %dma_wait3A_237 = tpu.memref_squeeze %dma_wait3A_236 : memref<1x4096xf32, #tpu.memory_space<hbm>> -> memref<4096xf32, #tpu.memory_space<hbm>>
      %dma_wait3A_238 = arith.constant 0 : i32
      %dma_wait3A_239 = tpu.memref_slice %arg2[%add3A_36, %dma_wait3A_238] : memref<24x4096xf32, #tpu.memory_space<hbm>> -> memref<1x4096xf32, #tpu.memory_space<hbm>>
      %dma_wait3A_240 = tpu.memref_squeeze %dma_wait3A_239 : memref<1x4096xf32, #tpu.memory_space<hbm>> -> memref<4096xf32, #tpu.memory_space<hbm>>
      tpu.wait_dma2 semaphore(%run_scoped3A : memref<!tpu.dma_semaphore, #tpu.memory_space<semaphore_mem>>) src(%dma_wait3A_240 : memref<4096xf32, #tpu.memory_space<hbm>>) dst(%arg6 : memref<4096xf32, #tpu.memory_space<vmem>>)
      tpu.yield
    }) : () -> ()
    %mul3A_37 = arith.constant 3 : i32
    %mul3A_38 = arith.muli %select_n3A, %mul3A_37 : i32
    %add3A_39 = arith.constant 1 : i32
    %add3A_40 = arith.addi %mul3A_38, %add3A_39 : i32
    "tpu.region"() ({
      %run_scoped3A = tpu.sem_alloc : memref<!tpu.dma_semaphore, #tpu.memory_space<semaphore_mem>>
      %dma_start3A_229 = arith.constant 0 : i32
      %dma_start3A_230 = tpu.memref_slice %arg2[%add3A_40, %dma_start3A_229] : memref<24x4096xf32, #tpu.memory_space<hbm>> -> memref<1x4096xf32, #tpu.memory_space<hbm>>
      %dma_start3A_231 = tpu.memref_squeeze %dma_start3A_230 : memref<1x4096xf32, #tpu.memory_space<hbm>> -> memref<4096xf32, #tpu.memory_space<hbm>>
      %dma_start3A_232 = arith.constant 0 : i32
      %dma_start3A_233 = tpu.memref_slice %arg2[%add3A_40, %dma_start3A_232] : memref<24x4096xf32, #tpu.memory_space<hbm>> -> memref<1x4096xf32, #tpu.memory_space<hbm>>
      %dma_start3A_234 = tpu.memref_squeeze %dma_start3A_233 : memref<1x4096xf32, #tpu.memory_space<hbm>> -> memref<4096xf32, #tpu.memory_space<hbm>>
      tpu.enqueue_dma source(%dma_start3A_234 : memref<4096xf32, #tpu.memory_space<hbm>>) target(%arg7 : memref<4096xf32, #tpu.memory_space<vmem>>) target_semaphore(%run_scoped3A : memref<!tpu.dma_semaphore, #tpu.memory_space<semaphore_mem>>)
      %dma_wait3A_235 = arith.constant 0 : i32
      %dma_wait3A_236 = tpu.memref_slice %arg2[%add3A_40, %dma_wait3A_235] : memref<24x4096xf32, #tpu.memory_space<hbm>> -> memref<1x4096xf32, #tpu.memory_space<hbm>>
      %dma_wait3A_237 = tpu.memref_squeeze %dma_wait3A_236 : memref<1x4096xf32, #tpu.memory_space<hbm>> -> memref<4096xf32, #tpu.memory_space<hbm>>
      %dma_wait3A_238 = arith.constant 0 : i32
      %dma_wait3A_239 = tpu.memref_slice %arg2[%add3A_40, %dma_wait3A_238] : memref<24x4096xf32, #tpu.memory_space<hbm>> -> memref<1x4096xf32, #tpu.memory_space<hbm>>
      %dma_wait3A_240 = tpu.memref_squeeze %dma_wait3A_239 : memref<1x4096xf32, #tpu.memory_space<hbm>> -> memref<4096xf32, #tpu.memory_space<hbm>>
      tpu.wait_dma2 semaphore(%run_scoped3A : memref<!tpu.dma_semaphore, #tpu.memory_space<semaphore_mem>>) src(%dma_wait3A_240 : memref<4096xf32, #tpu.memory_space<hbm>>) dst(%arg7 : memref<4096xf32, #tpu.memory_space<vmem>>)
      tpu.yield
    }) : () -> ()
    %mul3A_41 = arith.constant 3 : i32
    %mul3A_42 = arith.muli %select_n3A, %mul3A_41 : i32
    %add3A_43 = arith.constant 2 : i32
    %add3A_44 = arith.addi %mul3A_42, %add3A_43 : i32
    "tpu.region"() ({
      %run_scoped3A = tpu.sem_alloc : memref<!tpu.dma_semaphore, #tpu.memory_space<semaphore_mem>>
      %dma_start3A_229 = arith.constant 0 : i32
      %dma_start3A_230 = tpu.memref_slice %arg2[%add3A_44, %dma_start3A_229] : memref<24x4096xf32, #tpu.memory_space<hbm>> -> memref<1x4096xf32, #tpu.memory_space<hbm>>
      %dma_start3A_231 = tpu.memref_squeeze %dma_start3A_230 : memref<1x4096xf32, #tpu.memory_space<hbm>> -> memref<4096xf32, #tpu.memory_space<hbm>>
      %dma_start3A_232 = arith.constant 0 : i32
      %dma_start3A_233 = tpu.memref_slice %arg2[%add3A_44, %dma_start3A_232] : memref<24x4096xf32, #tpu.memory_space<hbm>> -> memref<1x4096xf32, #tpu.memory_space<hbm>>
      %dma_start3A_234 = tpu.memref_squeeze %dma_start3A_233 : memref<1x4096xf32, #tpu.memory_space<hbm>> -> memref<4096xf32, #tpu.memory_space<hbm>>
      tpu.enqueue_dma source(%dma_start3A_234 : memref<4096xf32, #tpu.memory_space<hbm>>) target(%arg8 : memref<4096xf32, #tpu.memory_space<vmem>>) target_semaphore(%run_scoped3A : memref<!tpu.dma_semaphore, #tpu.memory_space<semaphore_mem>>)
      %dma_wait3A_235 = arith.constant 0 : i32
      %dma_wait3A_236 = tpu.memref_slice %arg2[%add3A_44, %dma_wait3A_235] : memref<24x4096xf32, #tpu.memory_space<hbm>> -> memref<1x4096xf32, #tpu.memory_space<hbm>>
      %dma_wait3A_237 = tpu.memref_squeeze %dma_wait3A_236 : memref<1x4096xf32, #tpu.memory_space<hbm>> -> memref<4096xf32, #tpu.memory_space<hbm>>
      %dma_wait3A_238 = arith.constant 0 : i32
      %dma_wait3A_239 = tpu.memref_slice %arg2[%add3A_44, %dma_wait3A_238] : memref<24x4096xf32, #tpu.memory_space<hbm>> -> memref<1x4096xf32, #tpu.memory_space<hbm>>
      %dma_wait3A_240 = tpu.memref_squeeze %dma_wait3A_239 : memref<1x4096xf32, #tpu.memory_space<hbm>> -> memref<4096xf32, #tpu.memory_space<hbm>>
      tpu.wait_dma2 semaphore(%run_scoped3A : memref<!tpu.dma_semaphore, #tpu.memory_space<semaphore_mem>>) src(%dma_wait3A_240 : memref<4096xf32, #tpu.memory_space<hbm>>) dst(%arg8 : memref<4096xf32, #tpu.memory_space<vmem>>)
      tpu.yield
    }) : () -> ()
    %mul3A_45 = arith.constant 3 : i32
    %mul3A_46 = arith.muli %select_n3A, %mul3A_45 : i32
    %add3A_47 = arith.constant 0 : i32
    %add3A_48 = arith.addi %mul3A_46, %add3A_47 : i32
    "tpu.region"() ({
      %run_scoped3A = tpu.sem_alloc : memref<!tpu.dma_semaphore, #tpu.memory_space<semaphore_mem>>
      %dma_start3A_229 = arith.constant 0 : i32
      %dma_start3A_230 = tpu.memref_slice %arg9[%dma_start3A_229] : memref<784xf32, #tpu.memory_space<vmem>> -> memref<256xf32, #tpu.memory_space<vmem>>
      %dma_start3A_231 = tpu.memref_slice %arg3[%add3A_48, %mul3A_32] : memref<24x1024xf32, #tpu.memory_space<hbm>> -> memref<1x256xf32, #tpu.memory_space<hbm>>
      %dma_start3A_232 = tpu.memref_squeeze %dma_start3A_231 : memref<1x256xf32, #tpu.memory_space<hbm>> -> memref<256xf32, #tpu.memory_space<hbm>>
      %dma_start3A_233 = arith.constant 0 : i32
      %dma_start3A_234 = tpu.memref_slice %arg9[%dma_start3A_233] : memref<784xf32, #tpu.memory_space<vmem>> -> memref<256xf32, #tpu.memory_space<vmem>>
      %dma_start3A_235 = tpu.memref_slice %arg3[%add3A_48, %mul3A_32] : memref<24x1024xf32, #tpu.memory_space<hbm>> -> memref<1x256xf32, #tpu.memory_space<hbm>>
      %dma_start3A_236 = tpu.memref_squeeze %dma_start3A_235 : memref<1x256xf32, #tpu.memory_space<hbm>> -> memref<256xf32, #tpu.memory_space<hbm>>
      tpu.enqueue_dma source(%dma_start3A_236 : memref<256xf32, #tpu.memory_space<hbm>>) target(%dma_start3A_234 : memref<256xf32, #tpu.memory_space<vmem>>) target_semaphore(%run_scoped3A : memref<!tpu.dma_semaphore, #tpu.memory_space<semaphore_mem>>)
      %dma_wait3A_237 = arith.constant 0 : i32
      %dma_wait3A_238 = tpu.memref_slice %arg9[%dma_wait3A_237] : memref<784xf32, #tpu.memory_space<vmem>> -> memref<256xf32, #tpu.memory_space<vmem>>
      %dma_wait3A_239 = tpu.memref_slice %arg3[%add3A_48, %mul3A_32] : memref<24x1024xf32, #tpu.memory_space<hbm>> -> memref<1x256xf32, #tpu.memory_space<hbm>>
      %dma_wait3A_240 = tpu.memref_squeeze %dma_wait3A_239 : memref<1x256xf32, #tpu.memory_space<hbm>> -> memref<256xf32, #tpu.memory_space<hbm>>
      %dma_wait3A_241 = arith.constant 0 : i32
      %dma_wait3A_242 = tpu.memref_slice %arg9[%dma_wait3A_241] : memref<784xf32, #tpu.memory_space<vmem>> -> memref<256xf32, #tpu.memory_space<vmem>>
      %dma_wait3A_243 = tpu.memref_slice %arg3[%add3A_48, %mul3A_32] : memref<24x1024xf32, #tpu.memory_space<hbm>> -> memref<1x256xf32, #tpu.memory_space<hbm>>
      %dma_wait3A_244 = tpu.memref_squeeze %dma_wait3A_243 : memref<1x256xf32, #tpu.memory_space<hbm>> -> memref<256xf32, #tpu.memory_space<hbm>>
      tpu.wait_dma2 semaphore(%run_scoped3A : memref<!tpu.dma_semaphore, #tpu.memory_space<semaphore_mem>>) src(%dma_wait3A_244 : memref<256xf32, #tpu.memory_space<hbm>>) dst(%dma_wait3A_242 : memref<256xf32, #tpu.memory_space<vmem>>)
      tpu.yield
    }) : () -> ()
    %mul3A_49 = arith.constant 3 : i32
    %mul3A_50 = arith.muli %select_n3A, %mul3A_49 : i32
    %add3A_51 = arith.constant 1 : i32
    %add3A_52 = arith.addi %mul3A_50, %add3A_51 : i32
    "tpu.region"() ({
      %run_scoped3A = tpu.sem_alloc : memref<!tpu.dma_semaphore, #tpu.memory_space<semaphore_mem>>
      %dma_start3A_229 = arith.constant 256 : i32
      %dma_start3A_230 = tpu.memref_slice %arg9[%dma_start3A_229] : memref<784xf32, #tpu.memory_space<vmem>> -> memref<256xf32, #tpu.memory_space<vmem>>
      %dma_start3A_231 = tpu.memref_slice %arg3[%add3A_52, %mul3A_32] : memref<24x1024xf32, #tpu.memory_space<hbm>> -> memref<1x256xf32, #tpu.memory_space<hbm>>
      %dma_start3A_232 = tpu.memref_squeeze %dma_start3A_231 : memref<1x256xf32, #tpu.memory_space<hbm>> -> memref<256xf32, #tpu.memory_space<hbm>>
      %dma_start3A_233 = arith.constant 256 : i32
      %dma_start3A_234 = tpu.memref_slice %arg9[%dma_start3A_233] : memref<784xf32, #tpu.memory_space<vmem>> -> memref<256xf32, #tpu.memory_space<vmem>>
      %dma_start3A_235 = tpu.memref_slice %arg3[%add3A_52, %mul3A_32] : memref<24x1024xf32, #tpu.memory_space<hbm>> -> memref<1x256xf32, #tpu.memory_space<hbm>>
      %dma_start3A_236 = tpu.memref_squeeze %dma_start3A_235 : memref<1x256xf32, #tpu.memory_space<hbm>> -> memref<256xf32, #tpu.memory_space<hbm>>
      tpu.enqueue_dma source(%dma_start3A_236 : memref<256xf32, #tpu.memory_space<hbm>>) target(%dma_start3A_234 : memref<256xf32, #tpu.memory_space<vmem>>) target_semaphore(%run_scoped3A : memref<!tpu.dma_semaphore, #tpu.memory_space<semaphore_mem>>)
      %dma_wait3A_237 = arith.constant 256 : i32
      %dma_wait3A_238 = tpu.memref_slice %arg9[%dma_wait3A_237] : memref<784xf32, #tpu.memory_space<vmem>> -> memref<256xf32, #tpu.memory_space<vmem>>
      %dma_wait3A_239 = tpu.memref_slice %arg3[%add3A_52, %mul3A_32] : memref<24x1024xf32, #tpu.memory_space<hbm>> -> memref<1x256xf32, #tpu.memory_space<hbm>>
      %dma_wait3A_240 = tpu.memref_squeeze %dma_wait3A_239 : memref<1x256xf32, #tpu.memory_space<hbm>> -> memref<256xf32, #tpu.memory_space<hbm>>
      %dma_wait3A_241 = arith.constant 256 : i32
      %dma_wait3A_242 = tpu.memref_slice %arg9[%dma_wait3A_241] : memref<784xf32, #tpu.memory_space<vmem>> -> memref<256xf32, #tpu.memory_space<vmem>>
      %dma_wait3A_243 = tpu.memref_slice %arg3[%add3A_52, %mul3A_32] : memref<24x1024xf32, #tpu.memory_space<hbm>> -> memref<1x256xf32, #tpu.memory_space<hbm>>
      %dma_wait3A_244 = tpu.memref_squeeze %dma_wait3A_243 : memref<1x256xf32, #tpu.memory_space<hbm>> -> memref<256xf32, #tpu.memory_space<hbm>>
      tpu.wait_dma2 semaphore(%run_scoped3A : memref<!tpu.dma_semaphore, #tpu.memory_space<semaphore_mem>>) src(%dma_wait3A_244 : memref<256xf32, #tpu.memory_space<hbm>>) dst(%dma_wait3A_242 : memref<256xf32, #tpu.memory_space<vmem>>)
      tpu.yield
    }) : () -> ()
    %mul3A_53 = arith.constant 3 : i32
    %mul3A_54 = arith.muli %select_n3A, %mul3A_53 : i32
    %add3A_55 = arith.constant 2 : i32
    %add3A_56 = arith.addi %mul3A_54, %add3A_55 : i32
    "tpu.region"() ({
      %run_scoped3A = tpu.sem_alloc : memref<!tpu.dma_semaphore, #tpu.memory_space<semaphore_mem>>
      %dma_start3A_229 = arith.constant 512 : i32
      %dma_start3A_230 = tpu.memref_slice %arg9[%dma_start3A_229] : memref<784xf32, #tpu.memory_space<vmem>> -> memref<256xf32, #tpu.memory_space<vmem>>
      %dma_start3A_231 = tpu.memref_slice %arg3[%add3A_56, %mul3A_32] : memref<24x1024xf32, #tpu.memory_space<hbm>> -> memref<1x256xf32, #tpu.memory_space<hbm>>
      %dma_start3A_232 = tpu.memref_squeeze %dma_start3A_231 : memref<1x256xf32, #tpu.memory_space<hbm>> -> memref<256xf32, #tpu.memory_space<hbm>>
      %dma_start3A_233 = arith.constant 512 : i32
      %dma_start3A_234 = tpu.memref_slice %arg9[%dma_start3A_233] : memref<784xf32, #tpu.memory_space<vmem>> -> memref<256xf32, #tpu.memory_space<vmem>>
      %dma_start3A_235 = tpu.memref_slice %arg3[%add3A_56, %mul3A_32] : memref<24x1024xf32, #tpu.memory_space<hbm>> -> memref<1x256xf32, #tpu.memory_space<hbm>>
      %dma_start3A_236 = tpu.memref_squeeze %dma_start3A_235 : memref<1x256xf32, #tpu.memory_space<hbm>> -> memref<256xf32, #tpu.memory_space<hbm>>
      tpu.enqueue_dma source(%dma_start3A_236 : memref<256xf32, #tpu.memory_space<hbm>>) target(%dma_start3A_234 : memref<256xf32, #tpu.memory_space<vmem>>) target_semaphore(%run_scoped3A : memref<!tpu.dma_semaphore, #tpu.memory_space<semaphore_mem>>)
      %dma_wait3A_237 = arith.constant 512 : i32
      %dma_wait3A_238 = tpu.memref_slice %arg9[%dma_wait3A_237] : memref<784xf32, #tpu.memory_space<vmem>> -> memref<256xf32, #tpu.memory_space<vmem>>
      %dma_wait3A_239 = tpu.memref_slice %arg3[%add3A_56, %mul3A_32] : memref<24x1024xf32, #tpu.memory_space<hbm>> -> memref<1x256xf32, #tpu.memory_space<hbm>>
      %dma_wait3A_240 = tpu.memref_squeeze %dma_wait3A_239 : memref<1x256xf32, #tpu.memory_space<hbm>> -> memref<256xf32, #tpu.memory_space<hbm>>
      %dma_wait3A_241 = arith.constant 512 : i32
      %dma_wait3A_242 = tpu.memref_slice %arg9[%dma_wait3A_241] : memref<784xf32, #tpu.memory_space<vmem>> -> memref<256xf32, #tpu.memory_space<vmem>>
      %dma_wait3A_243 = tpu.memref_slice %arg3[%add3A_56, %mul3A_32] : memref<24x1024xf32, #tpu.memory_space<hbm>> -> memref<1x256xf32, #tpu.memory_space<hbm>>
      %dma_wait3A_244 = tpu.memref_squeeze %dma_wait3A_243 : memref<1x256xf32, #tpu.memory_space<hbm>> -> memref<256xf32, #tpu.memory_space<hbm>>
      tpu.wait_dma2 semaphore(%run_scoped3A : memref<!tpu.dma_semaphore, #tpu.memory_space<semaphore_mem>>) src(%dma_wait3A_244 : memref<256xf32, #tpu.memory_space<hbm>>) dst(%dma_wait3A_242 : memref<256xf32, #tpu.memory_space<vmem>>)
      tpu.yield
    }) : () -> ()
    %iota3A = tpu.iota {dimensions = array<i32: 0>} : vector<16xi32>
    %broadcast_in_dim3A = arith.constant 0 : i32
    %broadcast_in_dim3A_57 = vector.broadcast %broadcast_in_dim3A : i32 to vector<16xi32>
    %scan3A = arith.constant 0 : i32
    %scan3A_58 = arith.constant 4.000000e-02 : f32
    %scan3A_59 = arith.constant 0 : i32
    %scan3A_60 = arith.constant 256 : i32
    %scan3A_61 = arith.addi %scan3A_59, %scan3A_60 : i32
    %scan3A_62 = arith.constant 1 : i32
    scf.for %scan3A_229 = %scan3A_59 to %scan3A_61 step %scan3A_62  : i32 {
      %get3A = arith.index_cast %scan3A_229 : i32 to index
      %get3A_230 = tpu.vector_load %arg9[%get3A] {strides = array<i32>} : memref<784xf32, #tpu.memory_space<vmem>>, vector<16xf32>,
      %slice3A = vector.extract_strided_slice %get3A_230 {offsets = [0], sizes = [1], strides = [1]} : vector<16xf32> to vector<1xf32>
      %squeeze3A = vector.extract %slice3A[0] : f32 from vector<1xf32>
      %broadcast_in_dim3A_231 = vector.broadcast %squeeze3A : f32 to vector<16xf32>
      %add3A_232 = arith.constant 256 : i32
      %add3A_233 = arith.addi %add3A_232, %scan3A_229 : i32
      %get3A_234 = arith.index_cast %add3A_233 : i32 to index
      %get3A_235 = tpu.vector_load %arg9[%get3A_234] {strides = array<i32>} : memref<784xf32, #tpu.memory_space<vmem>>, vector<16xf32>,
      %slice3A_236 = vector.extract_strided_slice %get3A_235 {offsets = [0], sizes = [1], strides = [1]} : vector<16xf32> to vector<1xf32>
      %squeeze3A_237 = vector.extract %slice3A_236[0] : f32 from vector<1xf32>
      %broadcast_in_dim3A_238 = vector.broadcast %squeeze3A_237 : f32 to vector<16xf32>
      %add3A_239 = arith.constant 512 : i32
      %add3A_240 = arith.addi %add3A_239, %scan3A_229 : i32
      %get3A_241 = arith.index_cast %add3A_240 : i32 to index
      %get3A_242 = tpu.vector_load %arg9[%get3A_241] {strides = array<i32>} : memref<784xf32, #tpu.memory_space<vmem>>, vector<16xf32>,
      %slice3A_243 = vector.extract_strided_slice %get3A_242 {offsets = [0], sizes = [1], strides = [1]} : vector<16xf32> to vector<1xf32>
      %squeeze3A_244 = vector.extract %slice3A_243[0] : f32 from vector<1xf32>
      %broadcast_in_dim3A_245 = vector.broadcast %squeeze3A_244 : f32 to vector<16xf32>
      %mul3A_246 = arith.constant 32 : i32
      %mul3A_247 = arith.muli %scan3A_229, %mul3A_246 : i32
      %mul3A_248 = arith.constant 32 : i32
      %mul3A_249 = arith.muli %scan3A_229, %mul3A_248 : i32
      %swap3A = arith.index_cast %mul3A_249 : i32 to index
      %swap3A_250 = tpu.vector_load %arg11[%swap3A] {strides = array<i32>} : memref<8512xi32, #tpu.memory_space<vmem>>, vector<16xi32>,
      tpu.vector_store %arg11[%swap3A], %broadcast_in_dim3A_57 {strides = array<i32>} : memref<8512xi32, #tpu.memory_space<vmem>>, vector<16xi32>,
      %while3A = arith.constant 0 : i32
      %while3A_251 = arith.constant 0 : i32
      %while3A_252:2 = scf.while (%while3A_321 = %while3A, %while3A_322 = %while3A_251) : (i32, i32) -> (i32, i32) {
        %lt3A_323 = arith.constant 256 : i32
        %lt3A_324 = arith.cmpi slt, %while3A_321, %lt3A_323 : i32
        %lt3A_325 = arith.constant 32 : i32
        %lt3A_326 = arith.cmpi slt, %while3A_322, %lt3A_325 : i32
        %and3A_327 = arith.andi %lt3A_324, %lt3A_326 : i1
        scf.condition(%and3A_327) %while3A_321, %while3A_322 : i32, i32
      } do {
      ^bb0(%while3A_321: i32, %while3A_322: i32):
        %add3A_323 = arith.constant 0 : i32
        %add3A_324 = arith.addi %while3A_321, %add3A_323 : i32
        %mul3A_325 = arith.constant 16 : i32
        %mul3A_326 = arith.muli %add3A_324, %mul3A_325 : i32
        %get3A_327 = arith.index_cast %mul3A_326 : i32 to index
        %get3A_328 = tpu.vector_load %arg6[%get3A_327] {strides = array<i32>} : memref<4096xf32, #tpu.memory_space<vmem>>, vector<16xf32>,
        %sub3A_329 = arith.subf %get3A_328, %broadcast_in_dim3A_231 : vector<16xf32>
        %get3A_330 = arith.index_cast %mul3A_326 : i32 to index
        %get3A_331 = tpu.vector_load %arg7[%get3A_330] {strides = array<i32>} : memref<4096xf32, #tpu.memory_space<vmem>>, vector<16xf32>,
        %sub3A_332 = arith.subf %get3A_331, %broadcast_in_dim3A_238 : vector<16xf32>
        %get3A_333 = arith.index_cast %mul3A_326 : i32 to index
        %get3A_334 = tpu.vector_load %arg8[%get3A_333] {strides = array<i32>} : memref<4096xf32, #tpu.memory_space<vmem>>, vector<16xf32>,
        %sub3A_335 = arith.subf %get3A_334, %broadcast_in_dim3A_245 : vector<16xf32>
        %mul3A_336 = arith.mulf %sub3A_329, %sub3A_329 : vector<16xf32>
        %mul3A_337 = arith.mulf %sub3A_332, %sub3A_332 : vector<16xf32>
        %add3A_338 = arith.addf %mul3A_336, %mul3A_337 : vector<16xf32>
        %mul3A_339 = arith.mulf %sub3A_335, %sub3A_335 : vector<16xf32>
        %add3A_340 = arith.addf %add3A_338, %mul3A_339 : vector<16xf32>
        %lt3A_341 = vector.broadcast %scan3A_58 : f32 to vector<16xf32>
        %lt3A_342 = arith.cmpf olt, %add3A_340, %lt3A_341 : vector<16xf32>
        %add3A_343 = arith.constant 1 : i32
        %add3A_344 = arith.addi %while3A_321, %add3A_343 : i32
        %mul3A_345 = arith.constant 16 : i32
        %mul3A_346 = arith.muli %add3A_344, %mul3A_345 : i32
        %get3A_347 = arith.index_cast %mul3A_346 : i32 to index
        %get3A_348 = tpu.vector_load %arg6[%get3A_347] {strides = array<i32>} : memref<4096xf32, #tpu.memory_space<vmem>>, vector<16xf32>,
        %sub3A_349 = arith.subf %get3A_348, %broadcast_in_dim3A_231 : vector<16xf32>
        %get3A_350 = arith.index_cast %mul3A_346 : i32 to index
        %get3A_351 = tpu.vector_load %arg7[%get3A_350] {strides = array<i32>} : memref<4096xf32, #tpu.memory_space<vmem>>, vector<16xf32>,
        %sub3A_352 = arith.subf %get3A_351, %broadcast_in_dim3A_238 : vector<16xf32>
        %get3A_353 = arith.index_cast %mul3A_346 : i32 to index
        %get3A_354 = tpu.vector_load %arg8[%get3A_353] {strides = array<i32>} : memref<4096xf32, #tpu.memory_space<vmem>>, vector<16xf32>,
        %sub3A_355 = arith.subf %get3A_354, %broadcast_in_dim3A_245 : vector<16xf32>
        %mul3A_356 = arith.mulf %sub3A_349, %sub3A_349 : vector<16xf32>
        %mul3A_357 = arith.mulf %sub3A_352, %sub3A_352 : vector<16xf32>
        %add3A_358 = arith.addf %mul3A_356, %mul3A_357 : vector<16xf32>
        %mul3A_359 = arith.mulf %sub3A_355, %sub3A_355 : vector<16xf32>
        %add3A_360 = arith.addf %add3A_358, %mul3A_359 : vector<16xf32>
        %lt3A_361 = vector.broadcast %scan3A_58 : f32 to vector<16xf32>
        %lt3A_362 = arith.cmpf olt, %add3A_360, %lt3A_361 : vector<16xf32>
        %add3A_363 = arith.constant 2 : i32
        %add3A_364 = arith.addi %while3A_321, %add3A_363 : i32
        %mul3A_365 = arith.constant 16 : i32
        %mul3A_366 = arith.muli %add3A_364, %mul3A_365 : i32
        %get3A_367 = arith.index_cast %mul3A_366 : i32 to index
        %get3A_368 = tpu.vector_load %arg6[%get3A_367] {strides = array<i32>} : memref<4096xf32, #tpu.memory_space<vmem>>, vector<16xf32>,
        %sub3A_369 = arith.subf %get3A_368, %broadcast_in_dim3A_231 : vector<16xf32>
        %get3A_370 = arith.index_cast %mul3A_366 : i32 to index
        %get3A_371 = tpu.vector_load %arg7[%get3A_370] {strides = array<i32>} : memref<4096xf32, #tpu.memory_space<vmem>>, vector<16xf32>,
        %sub3A_372 = arith.subf %get3A_371, %broadcast_in_dim3A_238 : vector<16xf32>
        %get3A_373 = arith.index_cast %mul3A_366 : i32 to index
        %get3A_374 = tpu.vector_load %arg8[%get3A_373] {strides = array<i32>} : memref<4096xf32, #tpu.memory_space<vmem>>, vector<16xf32>,
        %sub3A_375 = arith.subf %get3A_374, %broadcast_in_dim3A_245 : vector<16xf32>
        %mul3A_376 = arith.mulf %sub3A_369, %sub3A_369 : vector<16xf32>
        %mul3A_377 = arith.mulf %sub3A_372, %sub3A_372 : vector<16xf32>
        %add3A_378 = arith.addf %mul3A_376, %mul3A_377 : vector<16xf32>
        %mul3A_379 = arith.mulf %sub3A_375, %sub3A_375 : vector<16xf32>
        %add3A_380 = arith.addf %add3A_378, %mul3A_379 : vector<16xf32>
        %lt3A_381 = vector.broadcast %scan3A_58 : f32 to vector<16xf32>
        %lt3A_382 = arith.cmpf olt, %add3A_380, %lt3A_381 : vector<16xf32>
        %add3A_383 = arith.constant 3 : i32
        %add3A_384 = arith.addi %while3A_321, %add3A_383 : i32
        %mul3A_385 = arith.constant 16 : i32
        %mul3A_386 = arith.muli %add3A_384, %mul3A_385 : i32
        %get3A_387 = arith.index_cast %mul3A_386 : i32 to index
        %get3A_388 = tpu.vector_load %arg6[%get3A_387] {strides = array<i32>} : memref<4096xf32, #tpu.memory_space<vmem>>, vector<16xf32>,
        %sub3A_389 = arith.subf %get3A_388, %broadcast_in_dim3A_231 : vector<16xf32>
        %get3A_390 = arith.index_cast %mul3A_386 : i32 to index
        %get3A_391 = tpu.vector_load %arg7[%get3A_390] {strides = array<i32>} : memref<4096xf32, #tpu.memory_space<vmem>>, vector<16xf32>,
        %sub3A_392 = arith.subf %get3A_391, %broadcast_in_dim3A_238 : vector<16xf32>
        %get3A_393 = arith.index_cast %mul3A_386 : i32 to index
        %get3A_394 = tpu.vector_load %arg8[%get3A_393] {strides = array<i32>} : memref<4096xf32, #tpu.memory_space<vmem>>, vector<16xf32>,
        %sub3A_395 = arith.subf %get3A_394, %broadcast_in_dim3A_245 : vector<16xf32>
        %mul3A_396 = arith.mulf %sub3A_389, %sub3A_389 : vector<16xf32>
        %mul3A_397 = arith.mulf %sub3A_392, %sub3A_392 : vector<16xf32>
        %add3A_398 = arith.addf %mul3A_396, %mul3A_397 : vector<16xf32>
        %mul3A_399 = arith.mulf %sub3A_395, %sub3A_395 : vector<16xf32>
        %add3A_400 = arith.addf %add3A_398, %mul3A_399 : vector<16xf32>
        %lt3A_401 = vector.broadcast %scan3A_58 : f32 to vector<16xf32>
        %lt3A_402 = arith.cmpf olt, %add3A_400, %lt3A_401 : vector<16xf32>
        %add3A_403 = arith.constant 4 : i32
        %add3A_404 = arith.addi %while3A_321, %add3A_403 : i32
        %mul3A_405 = arith.constant 16 : i32
        %mul3A_406 = arith.muli %add3A_404, %mul3A_405 : i32
        %get3A_407 = arith.index_cast %mul3A_406 : i32 to index
        %get3A_408 = tpu.vector_load %arg6[%get3A_407] {strides = array<i32>} : memref<4096xf32, #tpu.memory_space<vmem>>, vector<16xf32>,
        %sub3A_409 = arith.subf %get3A_408, %broadcast_in_dim3A_231 : vector<16xf32>
        %get3A_410 = arith.index_cast %mul3A_406 : i32 to index
        %get3A_411 = tpu.vector_load %arg7[%get3A_410] {strides = array<i32>} : memref<4096xf32, #tpu.memory_space<vmem>>, vector<16xf32>,
        %sub3A_412 = arith.subf %get3A_411, %broadcast_in_dim3A_238 : vector<16xf32>
        %get3A_413 = arith.index_cast %mul3A_406 : i32 to index
        %get3A_414 = tpu.vector_load %arg8[%get3A_413] {strides = array<i32>} : memref<4096xf32, #tpu.memory_space<vmem>>, vector<16xf32>,
        %sub3A_415 = arith.subf %get3A_414, %broadcast_in_dim3A_245 : vector<16xf32>
        %mul3A_416 = arith.mulf %sub3A_409, %sub3A_409 : vector<16xf32>
        %mul3A_417 = arith.mulf %sub3A_412, %sub3A_412 : vector<16xf32>
        %add3A_418 = arith.addf %mul3A_416, %mul3A_417 : vector<16xf32>
        %mul3A_419 = arith.mulf %sub3A_415, %sub3A_415 : vector<16xf32>
        %add3A_420 = arith.addf %add3A_418, %mul3A_419 : vector<16xf32>
        %lt3A_421 = vector.broadcast %scan3A_58 : f32 to vector<16xf32>
        %lt3A_422 = arith.cmpf olt, %add3A_420, %lt3A_421 : vector<16xf32>
        %add3A_423 = arith.constant 5 : i32
        %add3A_424 = arith.addi %while3A_321, %add3A_423 : i32
        %mul3A_425 = arith.constant 16 : i32
        %mul3A_426 = arith.muli %add3A_424, %mul3A_425 : i32
        %get3A_427 = arith.index_cast %mul3A_426 : i32 to index
        %get3A_428 = tpu.vector_load %arg6[%get3A_427] {strides = array<i32>} : memref<4096xf32, #tpu.memory_space<vmem>>, vector<16xf32>,
        %sub3A_429 = arith.subf %get3A_428, %broadcast_in_dim3A_231 : vector<16xf32>
        %get3A_430 = arith.index_cast %mul3A_426 : i32 to index
        %get3A_431 = tpu.vector_load %arg7[%get3A_430] {strides = array<i32>} : memref<4096xf32, #tpu.memory_space<vmem>>, vector<16xf32>,
        %sub3A_432 = arith.subf %get3A_431, %broadcast_in_dim3A_238 : vector<16xf32>
        %get3A_433 = arith.index_cast %mul3A_426 : i32 to index
        %get3A_434 = tpu.vector_load %arg8[%get3A_433] {strides = array<i32>} : memref<4096xf32, #tpu.memory_space<vmem>>, vector<16xf32>,
        %sub3A_435 = arith.subf %get3A_434, %broadcast_in_dim3A_245 : vector<16xf32>
        %mul3A_436 = arith.mulf %sub3A_429, %sub3A_429 : vector<16xf32>
        %mul3A_437 = arith.mulf %sub3A_432, %sub3A_432 : vector<16xf32>
        %add3A_438 = arith.addf %mul3A_436, %mul3A_437 : vector<16xf32>
        %mul3A_439 = arith.mulf %sub3A_435, %sub3A_435 : vector<16xf32>
        %add3A_440 = arith.addf %add3A_438, %mul3A_439 : vector<16xf32>
        %lt3A_441 = vector.broadcast %scan3A_58 : f32 to vector<16xf32>
        %lt3A_442 = arith.cmpf olt, %add3A_440, %lt3A_441 : vector<16xf32>
        %add3A_443 = arith.constant 6 : i32
        %add3A_444 = arith.addi %while3A_321, %add3A_443 : i32
        %mul3A_445 = arith.constant 16 : i32
        %mul3A_446 = arith.muli %add3A_444, %mul3A_445 : i32
        %get3A_447 = arith.index_cast %mul3A_446 : i32 to index
        %get3A_448 = tpu.vector_load %arg6[%get3A_447] {strides = array<i32>} : memref<4096xf32, #tpu.memory_space<vmem>>, vector<16xf32>,
        %sub3A_449 = arith.subf %get3A_448, %broadcast_in_dim3A_231 : vector<16xf32>
        %get3A_450 = arith.index_cast %mul3A_446 : i32 to index
        %get3A_451 = tpu.vector_load %arg7[%get3A_450] {strides = array<i32>} : memref<4096xf32, #tpu.memory_space<vmem>>, vector<16xf32>,
        %sub3A_452 = arith.subf %get3A_451, %broadcast_in_dim3A_238 : vector<16xf32>
        %get3A_453 = arith.index_cast %mul3A_446 : i32 to index
        %get3A_454 = tpu.vector_load %arg8[%get3A_453] {strides = array<i32>} : memref<4096xf32, #tpu.memory_space<vmem>>, vector<16xf32>,
        %sub3A_455 = arith.subf %get3A_454, %broadcast_in_dim3A_245 : vector<16xf32>
        %mul3A_456 = arith.mulf %sub3A_449, %sub3A_449 : vector<16xf32>
        %mul3A_457 = arith.mulf %sub3A_452, %sub3A_452 : vector<16xf32>
        %add3A_458 = arith.addf %mul3A_456, %mul3A_457 : vector<16xf32>
        %mul3A_459 = arith.mulf %sub3A_455, %sub3A_455 : vector<16xf32>
        %add3A_460 = arith.addf %add3A_458, %mul3A_459 : vector<16xf32>
        %lt3A_461 = vector.broadcast %scan3A_58 : f32 to vector<16xf32>
        %lt3A_462 = arith.cmpf olt, %add3A_460, %lt3A_461 : vector<16xf32>
        %add3A_463 = arith.constant 7 : i32
        %add3A_464 = arith.addi %while3A_321, %add3A_463 : i32
        %mul3A_465 = arith.constant 16 : i32
        %mul3A_466 = arith.muli %add3A_464, %mul3A_465 : i32
        %get3A_467 = arith.index_cast %mul3A_466 : i32 to index
        %get3A_468 = tpu.vector_load %arg6[%get3A_467] {strides = array<i32>} : memref<4096xf32, #tpu.memory_space<vmem>>, vector<16xf32>,
        %sub3A_469 = arith.subf %get3A_468, %broadcast_in_dim3A_231 : vector<16xf32>
        %get3A_470 = arith.index_cast %mul3A_466 : i32 to index
        %get3A_471 = tpu.vector_load %arg7[%get3A_470] {strides = array<i32>} : memref<4096xf32, #tpu.memory_space<vmem>>, vector<16xf32>,
        %sub3A_472 = arith.subf %get3A_471, %broadcast_in_dim3A_238 : vector<16xf32>
        %get3A_473 = arith.index_cast %mul3A_466 : i32 to index
        %get3A_474 = tpu.vector_load %arg8[%get3A_473] {strides = array<i32>} : memref<4096xf32, #tpu.memory_space<vmem>>, vector<16xf32>,
        %sub3A_475 = arith.subf %get3A_474, %broadcast_in_dim3A_245 : vector<16xf32>
        %mul3A_476 = arith.mulf %sub3A_469, %sub3A_469 : vector<16xf32>
        %mul3A_477 = arith.mulf %sub3A_472, %sub3A_472 : vector<16xf32>
        %add3A_478 = arith.addf %mul3A_476, %mul3A_477 : vector<16xf32>
        %mul3A_479 = arith.mulf %sub3A_475, %sub3A_475 : vector<16xf32>
        %add3A_480 = arith.addf %add3A_478, %mul3A_479 : vector<16xf32>
        %lt3A_481 = vector.broadcast %scan3A_58 : f32 to vector<16xf32>
        %lt3A_482 = arith.cmpf olt, %add3A_480, %lt3A_481 : vector<16xf32>
        %add3A_483 = arith.constant 8 : i32
        %add3A_484 = arith.addi %while3A_321, %add3A_483 : i32
        %mul3A_485 = arith.constant 16 : i32
        %mul3A_486 = arith.muli %add3A_484, %mul3A_485 : i32
        %get3A_487 = arith.index_cast %mul3A_486 : i32 to index
        %get3A_488 = tpu.vector_load %arg6[%get3A_487] {strides = array<i32>} : memref<4096xf32, #tpu.memory_space<vmem>>, vector<16xf32>,
        %sub3A_489 = arith.subf %get3A_488, %broadcast_in_dim3A_231 : vector<16xf32>
        %get3A_490 = arith.index_cast %mul3A_486 : i32 to index
        %get3A_491 = tpu.vector_load %arg7[%get3A_490] {strides = array<i32>} : memref<4096xf32, #tpu.memory_space<vmem>>, vector<16xf32>,
        %sub3A_492 = arith.subf %get3A_491, %broadcast_in_dim3A_238 : vector<16xf32>
        %get3A_493 = arith.index_cast %mul3A_486 : i32 to index
        %get3A_494 = tpu.vector_load %arg8[%get3A_493] {strides = array<i32>} : memref<4096xf32, #tpu.memory_space<vmem>>, vector<16xf32>,
        %sub3A_495 = arith.subf %get3A_494, %broadcast_in_dim3A_245 : vector<16xf32>
        %mul3A_496 = arith.mulf %sub3A_489, %sub3A_489 : vector<16xf32>
        %mul3A_497 = arith.mulf %sub3A_492, %sub3A_492 : vector<16xf32>
        %add3A_498 = arith.addf %mul3A_496, %mul3A_497 : vector<16xf32>
        %mul3A_499 = arith.mulf %sub3A_495, %sub3A_495 : vector<16xf32>
        %add3A_500 = arith.addf %add3A_498, %mul3A_499 : vector<16xf32>
        %lt3A_501 = vector.broadcast %scan3A_58 : f32 to vector<16xf32>
        %lt3A_502 = arith.cmpf olt, %add3A_500, %lt3A_501 : vector<16xf32>
        %add3A_503 = arith.constant 9 : i32
        %add3A_504 = arith.addi %while3A_321, %add3A_503 : i32
        %mul3A_505 = arith.constant 16 : i32
        %mul3A_506 = arith.muli %add3A_504, %mul3A_505 : i32
        %get3A_507 = arith.index_cast %mul3A_506 : i32 to index
        %get3A_508 = tpu.vector_load %arg6[%get3A_507] {strides = array<i32>} : memref<4096xf32, #tpu.memory_space<vmem>>, vector<16xf32>,
        %sub3A_509 = arith.subf %get3A_508, %broadcast_in_dim3A_231 : vector<16xf32>
        %get3A_510 = arith.index_cast %mul3A_506 : i32 to index
        %get3A_511 = tpu.vector_load %arg7[%get3A_510] {strides = array<i32>} : memref<4096xf32, #tpu.memory_space<vmem>>, vector<16xf32>,
        %sub3A_512 = arith.subf %get3A_511, %broadcast_in_dim3A_238 : vector<16xf32>
        %get3A_513 = arith.index_cast %mul3A_506 : i32 to index
        %get3A_514 = tpu.vector_load %arg8[%get3A_513] {strides = array<i32>} : memref<4096xf32, #tpu.memory_space<vmem>>, vector<16xf32>,
        %sub3A_515 = arith.subf %get3A_514, %broadcast_in_dim3A_245 : vector<16xf32>
        %mul3A_516 = arith.mulf %sub3A_509, %sub3A_509 : vector<16xf32>
        %mul3A_517 = arith.mulf %sub3A_512, %sub3A_512 : vector<16xf32>
        %add3A_518 = arith.addf %mul3A_516, %mul3A_517 : vector<16xf32>
        %mul3A_519 = arith.mulf %sub3A_515, %sub3A_515 : vector<16xf32>
        %add3A_520 = arith.addf %add3A_518, %mul3A_519 : vector<16xf32>
        %lt3A_521 = vector.broadcast %scan3A_58 : f32 to vector<16xf32>
        %lt3A_522 = arith.cmpf olt, %add3A_520, %lt3A_521 : vector<16xf32>
        %add3A_523 = arith.constant 10 : i32
        %add3A_524 = arith.addi %while3A_321, %add3A_523 : i32
        %mul3A_525 = arith.constant 16 : i32
        %mul3A_526 = arith.muli %add3A_524, %mul3A_525 : i32
        %get3A_527 = arith.index_cast %mul3A_526 : i32 to index
        %get3A_528 = tpu.vector_load %arg6[%get3A_527] {strides = array<i32>} : memref<4096xf32, #tpu.memory_space<vmem>>, vector<16xf32>,
        %sub3A_529 = arith.subf %get3A_528, %broadcast_in_dim3A_231 : vector<16xf32>
        %get3A_530 = arith.index_cast %mul3A_526 : i32 to index
        %get3A_531 = tpu.vector_load %arg7[%get3A_530] {strides = array<i32>} : memref<4096xf32, #tpu.memory_space<vmem>>, vector<16xf32>,
        %sub3A_532 = arith.subf %get3A_531, %broadcast_in_dim3A_238 : vector<16xf32>
        %get3A_533 = arith.index_cast %mul3A_526 : i32 to index
        %get3A_534 = tpu.vector_load %arg8[%get3A_533] {strides = array<i32>} : memref<4096xf32, #tpu.memory_space<vmem>>, vector<16xf32>,
        %sub3A_535 = arith.subf %get3A_534, %broadcast_in_dim3A_245 : vector<16xf32>
        %mul3A_536 = arith.mulf %sub3A_529, %sub3A_529 : vector<16xf32>
        %mul3A_537 = arith.mulf %sub3A_532, %sub3A_532 : vector<16xf32>
        %add3A_538 = arith.addf %mul3A_536, %mul3A_537 : vector<16xf32>
        %mul3A_539 = arith.mulf %sub3A_535, %sub3A_535 : vector<16xf32>
        %add3A_540 = arith.addf %add3A_538, %mul3A_539 : vector<16xf32>
        %lt3A_541 = vector.broadcast %scan3A_58 : f32 to vector<16xf32>
        %lt3A_542 = arith.cmpf olt, %add3A_540, %lt3A_541 : vector<16xf32>
        %add3A_543 = arith.constant 11 : i32
        %add3A_544 = arith.addi %while3A_321, %add3A_543 : i32
        %mul3A_545 = arith.constant 16 : i32
        %mul3A_546 = arith.muli %add3A_544, %mul3A_545 : i32
        %get3A_547 = arith.index_cast %mul3A_546 : i32 to index
        %get3A_548 = tpu.vector_load %arg6[%get3A_547] {strides = array<i32>} : memref<4096xf32, #tpu.memory_space<vmem>>, vector<16xf32>,
        %sub3A_549 = arith.subf %get3A_548, %broadcast_in_dim3A_231 : vector<16xf32>
        %get3A_550 = arith.index_cast %mul3A_546 : i32 to index
        %get3A_551 = tpu.vector_load %arg7[%get3A_550] {strides = array<i32>} : memref<4096xf32, #tpu.memory_space<vmem>>, vector<16xf32>,
        %sub3A_552 = arith.subf %get3A_551, %broadcast_in_dim3A_238 : vector<16xf32>
        %get3A_553 = arith.index_cast %mul3A_546 : i32 to index
        %get3A_554 = tpu.vector_load %arg8[%get3A_553] {strides = array<i32>} : memref<4096xf32, #tpu.memory_space<vmem>>, vector<16xf32>,
        %sub3A_555 = arith.subf %get3A_554, %broadcast_in_dim3A_245 : vector<16xf32>
        %mul3A_556 = arith.mulf %sub3A_549, %sub3A_549 : vector<16xf32>
        %mul3A_557 = arith.mulf %sub3A_552, %sub3A_552 : vector<16xf32>
        %add3A_558 = arith.addf %mul3A_556, %mul3A_557 : vector<16xf32>
        %mul3A_559 = arith.mulf %sub3A_555, %sub3A_555 : vector<16xf32>
        %add3A_560 = arith.addf %add3A_558, %mul3A_559 : vector<16xf32>
        %lt3A_561 = vector.broadcast %scan3A_58 : f32 to vector<16xf32>
        %lt3A_562 = arith.cmpf olt, %add3A_560, %lt3A_561 : vector<16xf32>
        %add3A_563 = arith.constant 12 : i32
        %add3A_564 = arith.addi %while3A_321, %add3A_563 : i32
        %mul3A_565 = arith.constant 16 : i32
        %mul3A_566 = arith.muli %add3A_564, %mul3A_565 : i32
        %get3A_567 = arith.index_cast %mul3A_566 : i32 to index
        %get3A_568 = tpu.vector_load %arg6[%get3A_567] {strides = array<i32>} : memref<4096xf32, #tpu.memory_space<vmem>>, vector<16xf32>,
        %sub3A_569 = arith.subf %get3A_568, %broadcast_in_dim3A_231 : vector<16xf32>
        %get3A_570 = arith.index_cast %mul3A_566 : i32 to index
        %get3A_571 = tpu.vector_load %arg7[%get3A_570] {strides = array<i32>} : memref<4096xf32, #tpu.memory_space<vmem>>, vector<16xf32>,
        %sub3A_572 = arith.subf %get3A_571, %broadcast_in_dim3A_238 : vector<16xf32>
        %get3A_573 = arith.index_cast %mul3A_566 : i32 to index
        %get3A_574 = tpu.vector_load %arg8[%get3A_573] {strides = array<i32>} : memref<4096xf32, #tpu.memory_space<vmem>>, vector<16xf32>,
        %sub3A_575 = arith.subf %get3A_574, %broadcast_in_dim3A_245 : vector<16xf32>
        %mul3A_576 = arith.mulf %sub3A_569, %sub3A_569 : vector<16xf32>
        %mul3A_577 = arith.mulf %sub3A_572, %sub3A_572 : vector<16xf32>
        %add3A_578 = arith.addf %mul3A_576, %mul3A_577 : vector<16xf32>
        %mul3A_579 = arith.mulf %sub3A_575, %sub3A_575 : vector<16xf32>
        %add3A_580 = arith.addf %add3A_578, %mul3A_579 : vector<16xf32>
        %lt3A_581 = vector.broadcast %scan3A_58 : f32 to vector<16xf32>
        %lt3A_582 = arith.cmpf olt, %add3A_580, %lt3A_581 : vector<16xf32>
        %add3A_583 = arith.constant 13 : i32
        %add3A_584 = arith.addi %while3A_321, %add3A_583 : i32
        %mul3A_585 = arith.constant 16 : i32
        %mul3A_586 = arith.muli %add3A_584, %mul3A_585 : i32
        %get3A_587 = arith.index_cast %mul3A_586 : i32 to index
        %get3A_588 = tpu.vector_load %arg6[%get3A_587] {strides = array<i32>} : memref<4096xf32, #tpu.memory_space<vmem>>, vector<16xf32>,
        %sub3A_589 = arith.subf %get3A_588, %broadcast_in_dim3A_231 : vector<16xf32>
        %get3A_590 = arith.index_cast %mul3A_586 : i32 to index
        %get3A_591 = tpu.vector_load %arg7[%get3A_590] {strides = array<i32>} : memref<4096xf32, #tpu.memory_space<vmem>>, vector<16xf32>,
        %sub3A_592 = arith.subf %get3A_591, %broadcast_in_dim3A_238 : vector<16xf32>
        %get3A_593 = arith.index_cast %mul3A_586 : i32 to index
        %get3A_594 = tpu.vector_load %arg8[%get3A_593] {strides = array<i32>} : memref<4096xf32, #tpu.memory_space<vmem>>, vector<16xf32>,
        %sub3A_595 = arith.subf %get3A_594, %broadcast_in_dim3A_245 : vector<16xf32>
        %mul3A_596 = arith.mulf %sub3A_589, %sub3A_589 : vector<16xf32>
        %mul3A_597 = arith.mulf %sub3A_592, %sub3A_592 : vector<16xf32>
        %add3A_598 = arith.addf %mul3A_596, %mul3A_597 : vector<16xf32>
        %mul3A_599 = arith.mulf %sub3A_595, %sub3A_595 : vector<16xf32>
        %add3A_600 = arith.addf %add3A_598, %mul3A_599 : vector<16xf32>
        %lt3A_601 = vector.broadcast %scan3A_58 : f32 to vector<16xf32>
        %lt3A_602 = arith.cmpf olt, %add3A_600, %lt3A_601 : vector<16xf32>
        %add3A_603 = arith.constant 14 : i32
        %add3A_604 = arith.addi %while3A_321, %add3A_603 : i32
        %mul3A_605 = arith.constant 16 : i32
        %mul3A_606 = arith.muli %add3A_604, %mul3A_605 : i32
        %get3A_607 = arith.index_cast %mul3A_606 : i32 to index
        %get3A_608 = tpu.vector_load %arg6[%get3A_607] {strides = array<i32>} : memref<4096xf32, #tpu.memory_space<vmem>>, vector<16xf32>,
        %sub3A_609 = arith.subf %get3A_608, %broadcast_in_dim3A_231 : vector<16xf32>
        %get3A_610 = arith.index_cast %mul3A_606 : i32 to index
        %get3A_611 = tpu.vector_load %arg7[%get3A_610] {strides = array<i32>} : memref<4096xf32, #tpu.memory_space<vmem>>, vector<16xf32>,
        %sub3A_612 = arith.subf %get3A_611, %broadcast_in_dim3A_238 : vector<16xf32>
        %get3A_613 = arith.index_cast %mul3A_606 : i32 to index
        %get3A_614 = tpu.vector_load %arg8[%get3A_613] {strides = array<i32>} : memref<4096xf32, #tpu.memory_space<vmem>>, vector<16xf32>,
        %sub3A_615 = arith.subf %get3A_614, %broadcast_in_dim3A_245 : vector<16xf32>
        %mul3A_616 = arith.mulf %sub3A_609, %sub3A_609 : vector<16xf32>
        %mul3A_617 = arith.mulf %sub3A_612, %sub3A_612 : vector<16xf32>
        %add3A_618 = arith.addf %mul3A_616, %mul3A_617 : vector<16xf32>
        %mul3A_619 = arith.mulf %sub3A_615, %sub3A_615 : vector<16xf32>
        %add3A_620 = arith.addf %add3A_618, %mul3A_619 : vector<16xf32>
        %lt3A_621 = vector.broadcast %scan3A_58 : f32 to vector<16xf32>
        %lt3A_622 = arith.cmpf olt, %add3A_620, %lt3A_621 : vector<16xf32>
        %add3A_623 = arith.constant 15 : i32
        %add3A_624 = arith.addi %while3A_321, %add3A_623 : i32
        %mul3A_625 = arith.constant 16 : i32
        %mul3A_626 = arith.muli %add3A_624, %mul3A_625 : i32
        %get3A_627 = arith.index_cast %mul3A_626 : i32 to index
        %get3A_628 = tpu.vector_load %arg6[%get3A_627] {strides = array<i32>} : memref<4096xf32, #tpu.memory_space<vmem>>, vector<16xf32>,
        %sub3A_629 = arith.subf %get3A_628, %broadcast_in_dim3A_231 : vector<16xf32>
        %get3A_630 = arith.index_cast %mul3A_626 : i32 to index
        %get3A_631 = tpu.vector_load %arg7[%get3A_630] {strides = array<i32>} : memref<4096xf32, #tpu.memory_space<vmem>>, vector<16xf32>,
        %sub3A_632 = arith.subf %get3A_631, %broadcast_in_dim3A_238 : vector<16xf32>
        %get3A_633 = arith.index_cast %mul3A_626 : i32 to index
        %get3A_634 = tpu.vector_load %arg8[%get3A_633] {strides = array<i32>} : memref<4096xf32, #tpu.memory_space<vmem>>, vector<16xf32>,
        %sub3A_635 = arith.subf %get3A_634, %broadcast_in_dim3A_245 : vector<16xf32>
        %mul3A_636 = arith.mulf %sub3A_629, %sub3A_629 : vector<16xf32>
        %mul3A_637 = arith.mulf %sub3A_632, %sub3A_632 : vector<16xf32>
        %add3A_638 = arith.addf %mul3A_636, %mul3A_637 : vector<16xf32>
        %mul3A_639 = arith.mulf %sub3A_635, %sub3A_635 : vector<16xf32>
        %add3A_640 = arith.addf %add3A_638, %mul3A_639 : vector<16xf32>
        %lt3A_641 = vector.broadcast %scan3A_58 : f32 to vector<16xf32>
        %lt3A_642 = arith.cmpf olt, %add3A_640, %lt3A_641 : vector<16xf32>
        %all_reduce_population_count3A = tpu.all_reduce %lt3A_342 {dim = 0 : i64, kind = #tpu.reduction_kind<sum>} : vector<16xi1> -> vector<16xi32>
        %slice3A_643 = vector.extract_strided_slice %all_reduce_population_count3A {offsets = [0], sizes = [1], strides = [1]} : vector<16xi32> to vector<1xi32>
        %squeeze3A_644 = vector.extract %slice3A_643[0] : i32 from vector<1xi32>
        %all_reduce_population_count3A_645 = tpu.all_reduce %lt3A_362 {dim = 0 : i64, kind = #tpu.reduction_kind<sum>} : vector<16xi1> -> vector<16xi32>
        %slice3A_646 = vector.extract_strided_slice %all_reduce_population_count3A_645 {offsets = [0], sizes = [1], strides = [1]} : vector<16xi32> to vector<1xi32>
        %squeeze3A_647 = vector.extract %slice3A_646[0] : i32 from vector<1xi32>
        %all_reduce_population_count3A_648 = tpu.all_reduce %lt3A_382 {dim = 0 : i64, kind = #tpu.reduction_kind<sum>} : vector<16xi1> -> vector<16xi32>
        %slice3A_649 = vector.extract_strided_slice %all_reduce_population_count3A_648 {offsets = [0], sizes = [1], strides = [1]} : vector<16xi32> to vector<1xi32>
        %squeeze3A_650 = vector.extract %slice3A_649[0] : i32 from vector<1xi32>
        %all_reduce_population_count3A_651 = tpu.all_reduce %lt3A_402 {dim = 0 : i64, kind = #tpu.reduction_kind<sum>} : vector<16xi1> -> vector<16xi32>
        %slice3A_652 = vector.extract_strided_slice %all_reduce_population_count3A_651 {offsets = [0], sizes = [1], strides = [1]} : vector<16xi32> to vector<1xi32>
        %squeeze3A_653 = vector.extract %slice3A_652[0] : i32 from vector<1xi32>
        %all_reduce_population_count3A_654 = tpu.all_reduce %lt3A_422 {dim = 0 : i64, kind = #tpu.reduction_kind<sum>} : vector<16xi1> -> vector<16xi32>
        %slice3A_655 = vector.extract_strided_slice %all_reduce_population_count3A_654 {offsets = [0], sizes = [1], strides = [1]} : vector<16xi32> to vector<1xi32>
        %squeeze3A_656 = vector.extract %slice3A_655[0] : i32 from vector<1xi32>
        %all_reduce_population_count3A_657 = tpu.all_reduce %lt3A_442 {dim = 0 : i64, kind = #tpu.reduction_kind<sum>} : vector<16xi1> -> vector<16xi32>
        %slice3A_658 = vector.extract_strided_slice %all_reduce_population_count3A_657 {offsets = [0], sizes = [1], strides = [1]} : vector<16xi32> to vector<1xi32>
        %squeeze3A_659 = vector.extract %slice3A_658[0] : i32 from vector<1xi32>
        %all_reduce_population_count3A_660 = tpu.all_reduce %lt3A_462 {dim = 0 : i64, kind = #tpu.reduction_kind<sum>} : vector<16xi1> -> vector<16xi32>
        %slice3A_661 = vector.extract_strided_slice %all_reduce_population_count3A_660 {offsets = [0], sizes = [1], strides = [1]} : vector<16xi32> to vector<1xi32>
        %squeeze3A_662 = vector.extract %slice3A_661[0] : i32 from vector<1xi32>
        %all_reduce_population_count3A_663 = tpu.all_reduce %lt3A_482 {dim = 0 : i64, kind = #tpu.reduction_kind<sum>} : vector<16xi1> -> vector<16xi32>
        %slice3A_664 = vector.extract_strided_slice %all_reduce_population_count3A_663 {offsets = [0], sizes = [1], strides = [1]} : vector<16xi32> to vector<1xi32>
        %squeeze3A_665 = vector.extract %slice3A_664[0] : i32 from vector<1xi32>
        %all_reduce_population_count3A_666 = tpu.all_reduce %lt3A_502 {dim = 0 : i64, kind = #tpu.reduction_kind<sum>} : vector<16xi1> -> vector<16xi32>
        %slice3A_667 = vector.extract_strided_slice %all_reduce_population_count3A_666 {offsets = [0], sizes = [1], strides = [1]} : vector<16xi32> to vector<1xi32>
        %squeeze3A_668 = vector.extract %slice3A_667[0] : i32 from vector<1xi32>
        %all_reduce_population_count3A_669 = tpu.all_reduce %lt3A_522 {dim = 0 : i64, kind = #tpu.reduction_kind<sum>} : vector<16xi1> -> vector<16xi32>
        %slice3A_670 = vector.extract_strided_slice %all_reduce_population_count3A_669 {offsets = [0], sizes = [1], strides = [1]} : vector<16xi32> to vector<1xi32>
        %squeeze3A_671 = vector.extract %slice3A_670[0] : i32 from vector<1xi32>
        %all_reduce_population_count3A_672 = tpu.all_reduce %lt3A_542 {dim = 0 : i64, kind = #tpu.reduction_kind<sum>} : vector<16xi1> -> vector<16xi32>
        %slice3A_673 = vector.extract_strided_slice %all_reduce_population_count3A_672 {offsets = [0], sizes = [1], strides = [1]} : vector<16xi32> to vector<1xi32>
        %squeeze3A_674 = vector.extract %slice3A_673[0] : i32 from vector<1xi32>
        %all_reduce_population_count3A_675 = tpu.all_reduce %lt3A_562 {dim = 0 : i64, kind = #tpu.reduction_kind<sum>} : vector<16xi1> -> vector<16xi32>
        %slice3A_676 = vector.extract_strided_slice %all_reduce_population_count3A_675 {offsets = [0], sizes = [1], strides = [1]} : vector<16xi32> to vector<1xi32>
        %squeeze3A_677 = vector.extract %slice3A_676[0] : i32 from vector<1xi32>
        %all_reduce_population_count3A_678 = tpu.all_reduce %lt3A_582 {dim = 0 : i64, kind = #tpu.reduction_kind<sum>} : vector<16xi1> -> vector<16xi32>
        %slice3A_679 = vector.extract_strided_slice %all_reduce_population_count3A_678 {offsets = [0], sizes = [1], strides = [1]} : vector<16xi32> to vector<1xi32>
        %squeeze3A_680 = vector.extract %slice3A_679[0] : i32 from vector<1xi32>
        %all_reduce_population_count3A_681 = tpu.all_reduce %lt3A_602 {dim = 0 : i64, kind = #tpu.reduction_kind<sum>} : vector<16xi1> -> vector<16xi32>
        %slice3A_682 = vector.extract_strided_slice %all_reduce_population_count3A_681 {offsets = [0], sizes = [1], strides = [1]} : vector<16xi32> to vector<1xi32>
        %squeeze3A_683 = vector.extract %slice3A_682[0] : i32 from vector<1xi32>
        %all_reduce_population_count3A_684 = tpu.all_reduce %lt3A_622 {dim = 0 : i64, kind = #tpu.reduction_kind<sum>} : vector<16xi1> -> vector<16xi32>
        %slice3A_685 = vector.extract_strided_slice %all_reduce_population_count3A_684 {offsets = [0], sizes = [1], strides = [1]} : vector<16xi32> to vector<1xi32>
        %squeeze3A_686 = vector.extract %slice3A_685[0] : i32 from vector<1xi32>
        %all_reduce_population_count3A_687 = tpu.all_reduce %lt3A_642 {dim = 0 : i64, kind = #tpu.reduction_kind<sum>} : vector<16xi1> -> vector<16xi32>
        %slice3A_688 = vector.extract_strided_slice %all_reduce_population_count3A_687 {offsets = [0], sizes = [1], strides = [1]} : vector<16xi32> to vector<1xi32>
        %squeeze3A_689 = vector.extract %slice3A_688[0] : i32 from vector<1xi32>
        %add3A_690 = arith.addi %while3A_322, %squeeze3A_644 : i32
        %add3A_691 = arith.addi %add3A_690, %squeeze3A_647 : i32
        %add3A_692 = arith.addi %add3A_691, %squeeze3A_650 : i32
        %add3A_693 = arith.addi %add3A_692, %squeeze3A_653 : i32
        %add3A_694 = arith.addi %add3A_693, %squeeze3A_656 : i32
        %add3A_695 = arith.addi %add3A_694, %squeeze3A_659 : i32
        %add3A_696 = arith.addi %add3A_695, %squeeze3A_662 : i32
        %add3A_697 = arith.addi %add3A_696, %squeeze3A_665 : i32
        %add3A_698 = arith.addi %add3A_697, %squeeze3A_668 : i32
        %add3A_699 = arith.addi %add3A_698, %squeeze3A_671 : i32
        %add3A_700 = arith.addi %add3A_699, %squeeze3A_674 : i32
        %add3A_701 = arith.addi %add3A_700, %squeeze3A_677 : i32
        %add3A_702 = arith.addi %add3A_701, %squeeze3A_680 : i32
        %add3A_703 = arith.addi %add3A_702, %squeeze3A_683 : i32
        %add3A_704 = arith.addi %add3A_703, %squeeze3A_686 : i32
        %add3A_705 = arith.addi %add3A_704, %squeeze3A_689 : i32
        %add3A_706 = arith.addi %mul3A_249, %while3A_322 : i32
        %add3A_707 = arith.constant 0 : i32
        %add3A_708 = arith.addi %while3A_321, %add3A_707 : i32
        %mul3A_709 = arith.constant 16 : i32
        %mul3A_710 = arith.muli %add3A_708, %mul3A_709 : i32
        %add3A_711 = vector.broadcast %mul3A_710 : i32 to vector<16xi32>
        %add3A_712 = arith.addi %add3A_711, %iota3A : vector<16xi32>
        %swap3A_713 = arith.index_cast %add3A_706 : i32 to index
        %swap3A_714 = tpu.vector_load %arg11[%swap3A_713] masked %lt3A_342 {strides = array<i32>} : memref<8512xi32, #tpu.memory_space<vmem>>, vector<16xi32>, vector<16xi1>
        tpu.vector_store %arg11[%swap3A_713], %add3A_712 masked %lt3A_342 {strides = array<i32>} : memref<8512xi32, #tpu.memory_space<vmem>>, vector<16xi32>, vector<16xi1>
        %add3A_715 = arith.addi %mul3A_249, %add3A_690 : i32
        %add3A_716 = arith.constant 1 : i32
        %add3A_717 = arith.addi %while3A_321, %add3A_716 : i32
        %mul3A_718 = arith.constant 16 : i32
        %mul3A_719 = arith.muli %add3A_717, %mul3A_718 : i32
        %add3A_720 = vector.broadcast %mul3A_719 : i32 to vector<16xi32>
        %add3A_721 = arith.addi %add3A_720, %iota3A : vector<16xi32>
        %swap3A_722 = arith.index_cast %add3A_715 : i32 to index
        %swap3A_723 = tpu.vector_load %arg11[%swap3A_722] masked %lt3A_362 {strides = array<i32>} : memref<8512xi32, #tpu.memory_space<vmem>>, vector<16xi32>, vector<16xi1>
        tpu.vector_store %arg11[%swap3A_722], %add3A_721 masked %lt3A_362 {strides = array<i32>} : memref<8512xi32, #tpu.memory_space<vmem>>, vector<16xi32>, vector<16xi1>
        %add3A_724 = arith.addi %mul3A_249, %add3A_691 : i32
        %add3A_725 = arith.constant 2 : i32
        %add3A_726 = arith.addi %while3A_321, %add3A_725 : i32
        %mul3A_727 = arith.constant 16 : i32
        %mul3A_728 = arith.muli %add3A_726, %mul3A_727 : i32
        %add3A_729 = vector.broadcast %mul3A_728 : i32 to vector<16xi32>
        %add3A_730 = arith.addi %add3A_729, %iota3A : vector<16xi32>
        %swap3A_731 = arith.index_cast %add3A_724 : i32 to index
        %swap3A_732 = tpu.vector_load %arg11[%swap3A_731] masked %lt3A_382 {strides = array<i32>} : memref<8512xi32, #tpu.memory_space<vmem>>, vector<16xi32>, vector<16xi1>
        tpu.vector_store %arg11[%swap3A_731], %add3A_730 masked %lt3A_382 {strides = array<i32>} : memref<8512xi32, #tpu.memory_space<vmem>>, vector<16xi32>, vector<16xi1>
        %add3A_733 = arith.addi %mul3A_249, %add3A_692 : i32
        %add3A_734 = arith.constant 3 : i32
        %add3A_735 = arith.addi %while3A_321, %add3A_734 : i32
        %mul3A_736 = arith.constant 16 : i32
        %mul3A_737 = arith.muli %add3A_735, %mul3A_736 : i32
        %add3A_738 = vector.broadcast %mul3A_737 : i32 to vector<16xi32>
        %add3A_739 = arith.addi %add3A_738, %iota3A : vector<16xi32>
        %swap3A_740 = arith.index_cast %add3A_733 : i32 to index
        %swap3A_741 = tpu.vector_load %arg11[%swap3A_740] masked %lt3A_402 {strides = array<i32>} : memref<8512xi32, #tpu.memory_space<vmem>>, vector<16xi32>, vector<16xi1>
        tpu.vector_store %arg11[%swap3A_740], %add3A_739 masked %lt3A_402 {strides = array<i32>} : memref<8512xi32, #tpu.memory_space<vmem>>, vector<16xi32>, vector<16xi1>
        %add3A_742 = arith.addi %mul3A_249, %add3A_693 : i32
        %add3A_743 = arith.constant 4 : i32
        %add3A_744 = arith.addi %while3A_321, %add3A_743 : i32
        %mul3A_745 = arith.constant 16 : i32
        %mul3A_746 = arith.muli %add3A_744, %mul3A_745 : i32
        %add3A_747 = vector.broadcast %mul3A_746 : i32 to vector<16xi32>
        %add3A_748 = arith.addi %add3A_747, %iota3A : vector<16xi32>
        %swap3A_749 = arith.index_cast %add3A_742 : i32 to index
        %swap3A_750 = tpu.vector_load %arg11[%swap3A_749] masked %lt3A_422 {strides = array<i32>} : memref<8512xi32, #tpu.memory_space<vmem>>, vector<16xi32>, vector<16xi1>
        tpu.vector_store %arg11[%swap3A_749], %add3A_748 masked %lt3A_422 {strides = array<i32>} : memref<8512xi32, #tpu.memory_space<vmem>>, vector<16xi32>, vector<16xi1>
        %add3A_751 = arith.addi %mul3A_249, %add3A_694 : i32
        %add3A_752 = arith.constant 5 : i32
        %add3A_753 = arith.addi %while3A_321, %add3A_752 : i32
        %mul3A_754 = arith.constant 16 : i32
        %mul3A_755 = arith.muli %add3A_753, %mul3A_754 : i32
        %add3A_756 = vector.broadcast %mul3A_755 : i32 to vector<16xi32>
        %add3A_757 = arith.addi %add3A_756, %iota3A : vector<16xi32>
        %swap3A_758 = arith.index_cast %add3A_751 : i32 to index
        %swap3A_759 = tpu.vector_load %arg11[%swap3A_758] masked %lt3A_442 {strides = array<i32>} : memref<8512xi32, #tpu.memory_space<vmem>>, vector<16xi32>, vector<16xi1>
        tpu.vector_store %arg11[%swap3A_758], %add3A_757 masked %lt3A_442 {strides = array<i32>} : memref<8512xi32, #tpu.memory_space<vmem>>, vector<16xi32>, vector<16xi1>
        %add3A_760 = arith.addi %mul3A_249, %add3A_695 : i32
        %add3A_761 = arith.constant 6 : i32
        %add3A_762 = arith.addi %while3A_321, %add3A_761 : i32
        %mul3A_763 = arith.constant 16 : i32
        %mul3A_764 = arith.muli %add3A_762, %mul3A_763 : i32
        %add3A_765 = vector.broadcast %mul3A_764 : i32 to vector<16xi32>
        %add3A_766 = arith.addi %add3A_765, %iota3A : vector<16xi32>
        %swap3A_767 = arith.index_cast %add3A_760 : i32 to index
        %swap3A_768 = tpu.vector_load %arg11[%swap3A_767] masked %lt3A_462 {strides = array<i32>} : memref<8512xi32, #tpu.memory_space<vmem>>, vector<16xi32>, vector<16xi1>
        tpu.vector_store %arg11[%swap3A_767], %add3A_766 masked %lt3A_462 {strides = array<i32>} : memref<8512xi32, #tpu.memory_space<vmem>>, vector<16xi32>, vector<16xi1>
        %add3A_769 = arith.addi %mul3A_249, %add3A_696 : i32
        %add3A_770 = arith.constant 7 : i32
        %add3A_771 = arith.addi %while3A_321, %add3A_770 : i32
        %mul3A_772 = arith.constant 16 : i32
        %mul3A_773 = arith.muli %add3A_771, %mul3A_772 : i32
        %add3A_774 = vector.broadcast %mul3A_773 : i32 to vector<16xi32>
        %add3A_775 = arith.addi %add3A_774, %iota3A : vector<16xi32>
        %swap3A_776 = arith.index_cast %add3A_769 : i32 to index
        %swap3A_777 = tpu.vector_load %arg11[%swap3A_776] masked %lt3A_482 {strides = array<i32>} : memref<8512xi32, #tpu.memory_space<vmem>>, vector<16xi32>, vector<16xi1>
        tpu.vector_store %arg11[%swap3A_776], %add3A_775 masked %lt3A_482 {strides = array<i32>} : memref<8512xi32, #tpu.memory_space<vmem>>, vector<16xi32>, vector<16xi1>
        %add3A_778 = arith.addi %mul3A_249, %add3A_697 : i32
        %add3A_779 = arith.constant 8 : i32
        %add3A_780 = arith.addi %while3A_321, %add3A_779 : i32
        %mul3A_781 = arith.constant 16 : i32
        %mul3A_782 = arith.muli %add3A_780, %mul3A_781 : i32
        %add3A_783 = vector.broadcast %mul3A_782 : i32 to vector<16xi32>
        %add3A_784 = arith.addi %add3A_783, %iota3A : vector<16xi32>
        %swap3A_785 = arith.index_cast %add3A_778 : i32 to index
        %swap3A_786 = tpu.vector_load %arg11[%swap3A_785] masked %lt3A_502 {strides = array<i32>} : memref<8512xi32, #tpu.memory_space<vmem>>, vector<16xi32>, vector<16xi1>
        tpu.vector_store %arg11[%swap3A_785], %add3A_784 masked %lt3A_502 {strides = array<i32>} : memref<8512xi32, #tpu.memory_space<vmem>>, vector<16xi32>, vector<16xi1>
        %add3A_787 = arith.addi %mul3A_249, %add3A_698 : i32
        %add3A_788 = arith.constant 9 : i32
        %add3A_789 = arith.addi %while3A_321, %add3A_788 : i32
        %mul3A_790 = arith.constant 16 : i32
        %mul3A_791 = arith.muli %add3A_789, %mul3A_790 : i32
        %add3A_792 = vector.broadcast %mul3A_791 : i32 to vector<16xi32>
        %add3A_793 = arith.addi %add3A_792, %iota3A : vector<16xi32>
        %swap3A_794 = arith.index_cast %add3A_787 : i32 to index
        %swap3A_795 = tpu.vector_load %arg11[%swap3A_794] masked %lt3A_522 {strides = array<i32>} : memref<8512xi32, #tpu.memory_space<vmem>>, vector<16xi32>, vector<16xi1>
        tpu.vector_store %arg11[%swap3A_794], %add3A_793 masked %lt3A_522 {strides = array<i32>} : memref<8512xi32, #tpu.memory_space<vmem>>, vector<16xi32>, vector<16xi1>
        %add3A_796 = arith.addi %mul3A_249, %add3A_699 : i32
        %add3A_797 = arith.constant 10 : i32
        %add3A_798 = arith.addi %while3A_321, %add3A_797 : i32
        %mul3A_799 = arith.constant 16 : i32
        %mul3A_800 = arith.muli %add3A_798, %mul3A_799 : i32
        %add3A_801 = vector.broadcast %mul3A_800 : i32 to vector<16xi32>
        %add3A_802 = arith.addi %add3A_801, %iota3A : vector<16xi32>
        %swap3A_803 = arith.index_cast %add3A_796 : i32 to index
        %swap3A_804 = tpu.vector_load %arg11[%swap3A_803] masked %lt3A_542 {strides = array<i32>} : memref<8512xi32, #tpu.memory_space<vmem>>, vector<16xi32>, vector<16xi1>
        tpu.vector_store %arg11[%swap3A_803], %add3A_802 masked %lt3A_542 {strides = array<i32>} : memref<8512xi32, #tpu.memory_space<vmem>>, vector<16xi32>, vector<16xi1>
        %add3A_805 = arith.addi %mul3A_249, %add3A_700 : i32
        %add3A_806 = arith.constant 11 : i32
        %add3A_807 = arith.addi %while3A_321, %add3A_806 : i32
        %mul3A_808 = arith.constant 16 : i32
        %mul3A_809 = arith.muli %add3A_807, %mul3A_808 : i32
        %add3A_810 = vector.broadcast %mul3A_809 : i32 to vector<16xi32>
        %add3A_811 = arith.addi %add3A_810, %iota3A : vector<16xi32>
        %swap3A_812 = arith.index_cast %add3A_805 : i32 to index
        %swap3A_813 = tpu.vector_load %arg11[%swap3A_812] masked %lt3A_562 {strides = array<i32>} : memref<8512xi32, #tpu.memory_space<vmem>>, vector<16xi32>, vector<16xi1>
        tpu.vector_store %arg11[%swap3A_812], %add3A_811 masked %lt3A_562 {strides = array<i32>} : memref<8512xi32, #tpu.memory_space<vmem>>, vector<16xi32>, vector<16xi1>
        %add3A_814 = arith.addi %mul3A_249, %add3A_701 : i32
        %add3A_815 = arith.constant 12 : i32
        %add3A_816 = arith.addi %while3A_321, %add3A_815 : i32
        %mul3A_817 = arith.constant 16 : i32
        %mul3A_818 = arith.muli %add3A_816, %mul3A_817 : i32
        %add3A_819 = vector.broadcast %mul3A_818 : i32 to vector<16xi32>
        %add3A_820 = arith.addi %add3A_819, %iota3A : vector<16xi32>
        %swap3A_821 = arith.index_cast %add3A_814 : i32 to index
        %swap3A_822 = tpu.vector_load %arg11[%swap3A_821] masked %lt3A_582 {strides = array<i32>} : memref<8512xi32, #tpu.memory_space<vmem>>, vector<16xi32>, vector<16xi1>
        tpu.vector_store %arg11[%swap3A_821], %add3A_820 masked %lt3A_582 {strides = array<i32>} : memref<8512xi32, #tpu.memory_space<vmem>>, vector<16xi32>, vector<16xi1>
        %add3A_823 = arith.addi %mul3A_249, %add3A_702 : i32
        %add3A_824 = arith.constant 13 : i32
        %add3A_825 = arith.addi %while3A_321, %add3A_824 : i32
        %mul3A_826 = arith.constant 16 : i32
        %mul3A_827 = arith.muli %add3A_825, %mul3A_826 : i32
        %add3A_828 = vector.broadcast %mul3A_827 : i32 to vector<16xi32>
        %add3A_829 = arith.addi %add3A_828, %iota3A : vector<16xi32>
        %swap3A_830 = arith.index_cast %add3A_823 : i32 to index
        %swap3A_831 = tpu.vector_load %arg11[%swap3A_830] masked %lt3A_602 {strides = array<i32>} : memref<8512xi32, #tpu.memory_space<vmem>>, vector<16xi32>, vector<16xi1>
        tpu.vector_store %arg11[%swap3A_830], %add3A_829 masked %lt3A_602 {strides = array<i32>} : memref<8512xi32, #tpu.memory_space<vmem>>, vector<16xi32>, vector<16xi1>
        %add3A_832 = arith.addi %mul3A_249, %add3A_703 : i32
        %add3A_833 = arith.constant 14 : i32
        %add3A_834 = arith.addi %while3A_321, %add3A_833 : i32
        %mul3A_835 = arith.constant 16 : i32
        %mul3A_836 = arith.muli %add3A_834, %mul3A_835 : i32
        %add3A_837 = vector.broadcast %mul3A_836 : i32 to vector<16xi32>
        %add3A_838 = arith.addi %add3A_837, %iota3A : vector<16xi32>
        %swap3A_839 = arith.index_cast %add3A_832 : i32 to index
        %swap3A_840 = tpu.vector_load %arg11[%swap3A_839] masked %lt3A_622 {strides = array<i32>} : memref<8512xi32, #tpu.memory_space<vmem>>, vector<16xi32>, vector<16xi1>
        tpu.vector_store %arg11[%swap3A_839], %add3A_838 masked %lt3A_622 {strides = array<i32>} : memref<8512xi32, #tpu.memory_space<vmem>>, vector<16xi32>, vector<16xi1>
        %add3A_841 = arith.addi %mul3A_249, %add3A_704 : i32
        %add3A_842 = arith.constant 15 : i32
        %add3A_843 = arith.addi %while3A_321, %add3A_842 : i32
        %mul3A_844 = arith.constant 16 : i32
        %mul3A_845 = arith.muli %add3A_843, %mul3A_844 : i32
        %add3A_846 = vector.broadcast %mul3A_845 : i32 to vector<16xi32>
        %add3A_847 = arith.addi %add3A_846, %iota3A : vector<16xi32>
        %swap3A_848 = arith.index_cast %add3A_841 : i32 to index
        %swap3A_849 = tpu.vector_load %arg11[%swap3A_848] masked %lt3A_642 {strides = array<i32>} : memref<8512xi32, #tpu.memory_space<vmem>>, vector<16xi32>, vector<16xi1>
        tpu.vector_store %arg11[%swap3A_848], %add3A_847 masked %lt3A_642 {strides = array<i32>} : memref<8512xi32, #tpu.memory_space<vmem>>, vector<16xi32>, vector<16xi1>
        %add3A_850 = arith.constant 16 : i32
        %add3A_851 = arith.addi %while3A_321, %add3A_850 : i32
        scf.yield %add3A_851, %add3A_705 : i32, i32
      }
      %get3A_253 = arith.index_cast %mul3A_249 : i32 to index
      %get3A_254 = tpu.vector_load %arg11[%get3A_253] {strides = array<i32>} : memref<8512xi32, #tpu.memory_space<vmem>>, vector<16xi32>,
      %slice3A_255 = vector.extract_strided_slice %get3A_254 {offsets = [0], sizes = [1], strides = [1]} : vector<16xi32> to vector<1xi32>
      %squeeze3A_256 = vector.extract %slice3A_255[0] : i32 from vector<1xi32>
      %broadcast_in_dim3A_257 = vector.broadcast %squeeze3A_256 : i32 to vector<16xi32>
      %add3A_258 = arith.constant 0 : i32
      %add3A_259 = vector.broadcast %add3A_258 : i32 to vector<16xi32>
      %add3A_260 = arith.addi %iota3A, %add3A_259 : vector<16xi32>
      %lt3A_261 = vector.broadcast %while3A_252#1 : i32 to vector<16xi32>
      %lt3A_262 = arith.cmpi slt, %add3A_260, %lt3A_261 : vector<16xi32>
      %add3A_263 = arith.constant 0 : i32
      %add3A_264 = arith.addi %mul3A_249, %add3A_263 : i32
      %get3A_265 = arith.index_cast %add3A_264 : i32 to index
      %get3A_266 = tpu.vector_load %arg11[%get3A_265] {strides = array<i32>} : memref<8512xi32, #tpu.memory_space<vmem>>, vector<16xi32>,
      %select_n3A_267 = arith.select %lt3A_262, %get3A_266, %broadcast_in_dim3A_257 : vector<16xi1>, vector<16xi32>
      %add3A_268 = arith.constant 0 : i32
      %add3A_269 = arith.addi %mul3A_247, %add3A_268 : i32
      %swap3A_270 = arith.index_cast %add3A_269 : i32 to index
      %swap3A_271 = tpu.vector_load %arg10[%swap3A_270] {strides = array<i32>} : memref<8192xi32, #tpu.memory_space<vmem>>, vector<16xi32>,
      tpu.vector_store %arg10[%swap3A_270], %select_n3A_267 {strides = array<i32>} : memref<8192xi32, #tpu.memory_space<vmem>>, vector<16xi32>,
      %gather3A = tpu.vector_load_idx %arg6[%select_n3A_267] : memref<4096xf32, #tpu.memory_space<vmem>>[vector<16xi32>], vector<16xf32>,
      %sub3A_272 = arith.subf %gather3A, %broadcast_in_dim3A_231 : vector<16xf32>
      %add3A_273 = arith.constant 0 : i32
      %add3A_274 = arith.addi %mul3A_247, %add3A_273 : i32
      %swap3A_275 = arith.index_cast %add3A_274 : i32 to index
      %swap3A_276 = tpu.vector_load %arg14[%swap3A_275] {strides = array<i32>} : memref<8192xf32, #tpu.memory_space<vmem>>, vector<16xf32>,
      tpu.vector_store %arg14[%swap3A_275], %sub3A_272 {strides = array<i32>} : memref<8192xf32, #tpu.memory_space<vmem>>, vector<16xf32>,
      %gather3A_277 = tpu.vector_load_idx %arg7[%select_n3A_267] : memref<4096xf32, #tpu.memory_space<vmem>>[vector<16xi32>], vector<16xf32>,
      %sub3A_278 = arith.subf %gather3A_277, %broadcast_in_dim3A_238 : vector<16xf32>
      %add3A_279 = arith.constant 0 : i32
      %add3A_280 = arith.addi %mul3A_247, %add3A_279 : i32
      %swap3A_281 = arith.index_cast %add3A_280 : i32 to index
      %swap3A_282 = tpu.vector_load %arg15[%swap3A_281] {strides = array<i32>} : memref<8192xf32, #tpu.memory_space<vmem>>, vector<16xf32>,
      tpu.vector_store %arg15[%swap3A_281], %sub3A_278 {strides = array<i32>} : memref<8192xf32, #tpu.memory_space<vmem>>, vector<16xf32>,
      %gather3A_283 = tpu.vector_load_idx %arg8[%select_n3A_267] : memref<4096xf32, #tpu.memory_space<vmem>>[vector<16xi32>], vector<16xf32>,
      %sub3A_284 = arith.subf %gather3A_283, %broadcast_in_dim3A_245 : vector<16xf32>
      %add3A_285 = arith.constant 0 : i32
      %add3A_286 = arith.addi %mul3A_247, %add3A_285 : i32
      %swap3A_287 = arith.index_cast %add3A_286 : i32 to index
      %swap3A_288 = tpu.vector_load %arg16[%swap3A_287] {strides = array<i32>} : memref<8192xf32, #tpu.memory_space<vmem>>, vector<16xf32>,
      tpu.vector_store %arg16[%swap3A_287], %sub3A_284 {strides = array<i32>} : memref<8192xf32, #tpu.memory_space<vmem>>, vector<16xf32>,
      %add3A_289 = arith.constant 16 : i32
      %add3A_290 = vector.broadcast %add3A_289 : i32 to vector<16xi32>
      %add3A_291 = arith.addi %iota3A, %add3A_290 : vector<16xi32>
      %lt3A_292 = vector.broadcast %while3A_252#1 : i32 to vector<16xi32>
      %lt3A_293 = arith.cmpi slt, %add3A_291, %lt3A_292 : vector<16xi32>
      %add3A_294 = arith.constant 16 : i32
      %add3A_295 = arith.addi %mul3A_249, %add3A_294 : i32
      %get3A_296 = arith.index_cast %add3A_295 : i32 to index
      %get3A_297 = tpu.vector_load %arg11[%get3A_296] {strides = array<i32>} : memref<8512xi32, #tpu.memory_space<vmem>>, vector<16xi32>,
      %select_n3A_298 = arith.select %lt3A_293, %get3A_297, %broadcast_in_dim3A_257 : vector<16xi1>, vector<16xi32>
      %add3A_299 = arith.constant 16 : i32
      %add3A_300 = arith.addi %mul3A_247, %add3A_299 : i32
      %swap3A_301 = arith.index_cast %add3A_300 : i32 to index
      %swap3A_302 = tpu.vector_load %arg10[%swap3A_301] {strides = array<i32>} : memref<8192xi32, #tpu.memory_space<vmem>>, vector<16xi32>,
      tpu.vector_store %arg10[%swap3A_301], %select_n3A_298 {strides = array<i32>} : memref<8192xi32, #tpu.memory_space<vmem>>, vector<16xi32>,
      %gather3A_303 = tpu.vector_load_idx %arg6[%select_n3A_298] : memref<4096xf32, #tpu.memory_space<vmem>>[vector<16xi32>], vector<16xf32>,
      %sub3A_304 = arith.subf %gather3A_303, %broadcast_in_dim3A_231 : vector<16xf32>
      %add3A_305 = arith.constant 16 : i32
      %add3A_306 = arith.addi %mul3A_247, %add3A_305 : i32
      %swap3A_307 = arith.index_cast %add3A_306 : i32 to index
      %swap3A_308 = tpu.vector_load %arg14[%swap3A_307] {strides = array<i32>} : memref<8192xf32, #tpu.memory_space<vmem>>, vector<16xf32>,
      tpu.vector_store %arg14[%swap3A_307], %sub3A_304 {strides = array<i32>} : memref<8192xf32, #tpu.memory_space<vmem>>, vector<16xf32>,
      %gather3A_309 = tpu.vector_load_idx %arg7[%select_n3A_298] : memref<4096xf32, #tpu.memory_space<vmem>>[vector<16xi32>], vector<16xf32>,
      %sub3A_310 = arith.subf %gather3A_309, %broadcast_in_dim3A_238 : vector<16xf32>
      %add3A_311 = arith.constant 16 : i32
      %add3A_312 = arith.addi %mul3A_247, %add3A_311 : i32
      %swap3A_313 = arith.index_cast %add3A_312 : i32 to index
      %swap3A_314 = tpu.vector_load %arg15[%swap3A_313] {strides = array<i32>} : memref<8192xf32, #tpu.memory_space<vmem>>, vector<16xf32>,
      tpu.vector_store %arg15[%swap3A_313], %sub3A_310 {strides = array<i32>} : memref<8192xf32, #tpu.memory_space<vmem>>, vector<16xf32>,
      %gather3A_315 = tpu.vector_load_idx %arg8[%select_n3A_298] : memref<4096xf32, #tpu.memory_space<vmem>>[vector<16xi32>], vector<16xf32>,
      %sub3A_316 = arith.subf %gather3A_315, %broadcast_in_dim3A_245 : vector<16xf32>
      %add3A_317 = arith.constant 16 : i32
      %add3A_318 = arith.addi %mul3A_247, %add3A_317 : i32
      %swap3A_319 = arith.index_cast %add3A_318 : i32 to index
      %swap3A_320 = tpu.vector_load %arg16[%swap3A_319] {strides = array<i32>} : memref<8192xf32, #tpu.memory_space<vmem>>, vector<16xf32>,
      tpu.vector_store %arg16[%swap3A_319], %sub3A_316 {strides = array<i32>} : memref<8192xf32, #tpu.memory_space<vmem>>, vector<16xf32>,
    }
    %scan3A_63 = arith.constant 256 : i32
    %mul3A_64 = arith.constant 67 : i32
    %mul3A_65 = arith.muli %select_n3A, %mul3A_64 : i32
    %mul3A_66 = arith.constant 32768 : i32
    %mul3A_67 = arith.muli %mul3A_65, %mul3A_66 : i32
    %mul3A_68 = arith.constant 32 : i32
    %mul3A_69 = arith.muli %mul3A_32, %mul3A_68 : i32
    %add3A_70 = arith.addi %mul3A_67, %mul3A_69 : i32
    %add3A_71 = arith.constant 0 : i32
    %add3A_72 = arith.addi %add3A_70, %add3A_71 : i32
    "tpu.region"() ({
      %run_scoped3A = tpu.sem_alloc : memref<!tpu.dma_semaphore, #tpu.memory_space<semaphore_mem>>
      %dma_start3A_229 = tpu.memref_slice %arg5[%add3A_72] : memref<17563648xf32, #tpu.memory_space<hbm>> -> memref<8192xf32, #tpu.memory_space<hbm>>
      %dma_start3A_230 = tpu.memref_slice %arg5[%add3A_72] : memref<17563648xf32, #tpu.memory_space<hbm>> -> memref<8192xf32, #tpu.memory_space<hbm>>
      tpu.enqueue_dma source(%arg14 : memref<8192xf32, #tpu.memory_space<vmem>>) target(%dma_start3A_230 : memref<8192xf32, #tpu.memory_space<hbm>>) target_semaphore(%run_scoped3A : memref<!tpu.dma_semaphore, #tpu.memory_space<semaphore_mem>>)
      %dma_wait3A_231 = tpu.memref_slice %arg5[%add3A_72] : memref<17563648xf32, #tpu.memory_space<hbm>> -> memref<8192xf32, #tpu.memory_space<hbm>>
      %dma_wait3A_232 = tpu.memref_slice %arg5[%add3A_72] : memref<17563648xf32, #tpu.memory_space<hbm>> -> memref<8192xf32, #tpu.memory_space<hbm>>
      tpu.wait_dma2 semaphore(%run_scoped3A : memref<!tpu.dma_semaphore, #tpu.memory_space<semaphore_mem>>) src(%arg14 : memref<8192xf32, #tpu.memory_space<vmem>>) dst(%dma_wait3A_232 : memref<8192xf32, #tpu.memory_space<hbm>>)
      tpu.yield
    }) : () -> ()
    %add3A_73 = arith.constant 32768 : i32
    %add3A_74 = arith.addi %add3A_70, %add3A_73 : i32
    "tpu.region"() ({
      %run_scoped3A = tpu.sem_alloc : memref<!tpu.dma_semaphore, #tpu.memory_space<semaphore_mem>>
      %dma_start3A_229 = tpu.memref_slice %arg5[%add3A_74] : memref<17563648xf32, #tpu.memory_space<hbm>> -> memref<8192xf32, #tpu.memory_space<hbm>>
      %dma_start3A_230 = tpu.memref_slice %arg5[%add3A_74] : memref<17563648xf32, #tpu.memory_space<hbm>> -> memref<8192xf32, #tpu.memory_space<hbm>>
      tpu.enqueue_dma source(%arg15 : memref<8192xf32, #tpu.memory_space<vmem>>) target(%dma_start3A_230 : memref<8192xf32, #tpu.memory_space<hbm>>) target_semaphore(%run_scoped3A : memref<!tpu.dma_semaphore, #tpu.memory_space<semaphore_mem>>)
      %dma_wait3A_231 = tpu.memref_slice %arg5[%add3A_74] : memref<17563648xf32, #tpu.memory_space<hbm>> -> memref<8192xf32, #tpu.memory_space<hbm>>
      %dma_wait3A_232 = tpu.memref_slice %arg5[%add3A_74] : memref<17563648xf32, #tpu.memory_space<hbm>> -> memref<8192xf32, #tpu.memory_space<hbm>>
      tpu.wait_dma2 semaphore(%run_scoped3A : memref<!tpu.dma_semaphore, #tpu.memory_space<semaphore_mem>>) src(%arg15 : memref<8192xf32, #tpu.memory_space<vmem>>) dst(%dma_wait3A_232 : memref<8192xf32, #tpu.memory_space<hbm>>)
      tpu.yield
    }) : () -> ()
    %add3A_75 = arith.constant 65536 : i32
    %add3A_76 = arith.addi %add3A_70, %add3A_75 : i32
    "tpu.region"() ({
      %run_scoped3A = tpu.sem_alloc : memref<!tpu.dma_semaphore, #tpu.memory_space<semaphore_mem>>
      %dma_start3A_229 = tpu.memref_slice %arg5[%add3A_76] : memref<17563648xf32, #tpu.memory_space<hbm>> -> memref<8192xf32, #tpu.memory_space<hbm>>
      %dma_start3A_230 = tpu.memref_slice %arg5[%add3A_76] : memref<17563648xf32, #tpu.memory_space<hbm>> -> memref<8192xf32, #tpu.memory_space<hbm>>
      tpu.enqueue_dma source(%arg16 : memref<8192xf32, #tpu.memory_space<vmem>>) target(%dma_start3A_230 : memref<8192xf32, #tpu.memory_space<hbm>>) target_semaphore(%run_scoped3A : memref<!tpu.dma_semaphore, #tpu.memory_space<semaphore_mem>>)
      %dma_wait3A_231 = tpu.memref_slice %arg5[%add3A_76] : memref<17563648xf32, #tpu.memory_space<hbm>> -> memref<8192xf32, #tpu.memory_space<hbm>>
      %dma_wait3A_232 = tpu.memref_slice %arg5[%add3A_76] : memref<17563648xf32, #tpu.memory_space<hbm>> -> memref<8192xf32, #tpu.memory_space<hbm>>
      tpu.wait_dma2 semaphore(%run_scoped3A : memref<!tpu.dma_semaphore, #tpu.memory_space<semaphore_mem>>) src(%arg16 : memref<8192xf32, #tpu.memory_space<vmem>>) dst(%dma_wait3A_232 : memref<8192xf32, #tpu.memory_space<hbm>>)
      tpu.yield
    }) : () -> ()
    %broadcast_in_dim3A_77 = arith.constant 0 : i32
    %broadcast_in_dim3A_78 = vector.broadcast %broadcast_in_dim3A_77 : i32 to vector<16xi32>
    %broadcast_in_dim3A_79 = arith.constant 1 : i32
    %broadcast_in_dim3A_80 = vector.broadcast %broadcast_in_dim3A_79 : i32 to vector<16xi32>
    %broadcast_in_dim3A_81 = arith.constant 2 : i32
    %broadcast_in_dim3A_82 = vector.broadcast %broadcast_in_dim3A_81 : i32 to vector<16xi32>
    %broadcast_in_dim3A_83 = arith.constant 3 : i32
    %broadcast_in_dim3A_84 = vector.broadcast %broadcast_in_dim3A_83 : i32 to vector<16xi32>
    %mul3A_85 = arith.constant 64 : i32
    %mul3A_86 = arith.muli %select_n3A, %mul3A_85 : i32
    %add3A_87 = arith.constant 0 : i32
    %add3A_88 = arith.addi %mul3A_86, %add3A_87 : i32
    %dma_start3A = arith.constant 0 : i32
    %dma_start3A_89 = tpu.memref_slice %arg4[%add3A_88, %dma_start3A] : memref<512x4096xf32, #tpu.memory_space<hbm>> -> memref<4x4096xf32, #tpu.memory_space<hbm>>
    %dma_start3A_90 = arith.constant 0 : i32
    %dma_start3A_91 = tpu.memref_slice %arg4[%add3A_88, %dma_start3A_90] : memref<512x4096xf32, #tpu.memory_space<hbm>> -> memref<4x4096xf32, #tpu.memory_space<hbm>>
    tpu.enqueue_dma source(%dma_start3A_91 : memref<4x4096xf32, #tpu.memory_space<hbm>>) target(%arg12 : memref<4x4096xf32, #tpu.memory_space<vmem>>) target_semaphore(%arg18 : memref<!tpu.dma_semaphore, #tpu.memory_space<semaphore_mem>>)
    %mul3A_92 = arith.constant 64 : i32
    %mul3A_93 = arith.muli %select_n3A, %mul3A_92 : i32
    %add3A_94 = arith.constant 4 : i32
    %add3A_95 = arith.addi %mul3A_93, %add3A_94 : i32
    %dma_start3A_96 = arith.constant 0 : i32
    %dma_start3A_97 = tpu.memref_slice %arg4[%add3A_95, %dma_start3A_96] : memref<512x4096xf32, #tpu.memory_space<hbm>> -> memref<4x4096xf32, #tpu.memory_space<hbm>>
    %dma_start3A_98 = arith.constant 0 : i32
    %dma_start3A_99 = tpu.memref_slice %arg4[%add3A_95, %dma_start3A_98] : memref<512x4096xf32, #tpu.memory_space<hbm>> -> memref<4x4096xf32, #tpu.memory_space<hbm>>
    tpu.enqueue_dma source(%dma_start3A_99 : memref<4x4096xf32, #tpu.memory_space<hbm>>) target(%arg13 : memref<4x4096xf32, #tpu.memory_space<vmem>>) target_semaphore(%arg19 : memref<!tpu.dma_semaphore, #tpu.memory_space<semaphore_mem>>)
    %mul3A_100 = arith.constant 64 : i32
    %mul3A_101 = arith.muli %select_n3A, %mul3A_100 : i32
    %add3A_102 = arith.constant 0 : i32
    %add3A_103 = arith.addi %mul3A_101, %add3A_102 : i32
    %dma_wait3A = arith.constant 0 : i32
    %dma_wait3A_104 = tpu.memref_slice %arg4[%add3A_103, %dma_wait3A] : memref<512x4096xf32, #tpu.memory_space<hbm>> -> memref<4x4096xf32, #tpu.memory_space<hbm>>
    %dma_wait3A_105 = arith.constant 0 : i32
    %dma_wait3A_106 = tpu.memref_slice %arg4[%add3A_103, %dma_wait3A_105] : memref<512x4096xf32, #tpu.memory_space<hbm>> -> memref<4x4096xf32, #tpu.memory_space<hbm>>
    tpu.wait_dma2 semaphore(%arg18 : memref<!tpu.dma_semaphore, #tpu.memory_space<semaphore_mem>>) src(%dma_wait3A_106 : memref<4x4096xf32, #tpu.memory_space<hbm>>) dst(%arg12 : memref<4x4096xf32, #tpu.memory_space<vmem>>)
    %scan3A_107 = arith.constant 0 : i32
    %scan3A_108 = arith.constant 0 : i32
    %scan3A_109 = arith.constant 512 : i32
    %scan3A_110 = arith.addi %scan3A_108, %scan3A_109 : i32
    %scan3A_111 = arith.constant 8 : i32
    scf.for %scan3A_229 = %scan3A_108 to %scan3A_110 step %scan3A_111  : i32 {
      %mul3A_230 = arith.constant 16 : i32
      %mul3A_231 = arith.muli %scan3A_229, %mul3A_230 : i32
      %get3A = arith.index_cast %mul3A_231 : i32 to index
      %get3A_232 = tpu.vector_load %arg10[%get3A] {strides = array<i32>} : memref<8192xi32, #tpu.memory_space<vmem>>, vector<16xi32>,
      %gather3A = tpu.vector_load_idx %arg12[%broadcast_in_dim3A_78, %get3A_232] : memref<4x4096xf32, #tpu.memory_space<vmem>>[vector<16xi32>, vector<16xi32>], vector<16xf32>,
      %mul3A_233 = arith.constant 16 : i32
      %mul3A_234 = arith.muli %scan3A_229, %mul3A_233 : i32
      %swap3A = arith.index_cast %mul3A_234 : i32 to index
      %swap3A_235 = tpu.vector_load %arg14[%swap3A] {strides = array<i32>} : memref<8192xf32, #tpu.memory_space<vmem>>, vector<16xf32>,
      tpu.vector_store %arg14[%swap3A], %gather3A {strides = array<i32>} : memref<8192xf32, #tpu.memory_space<vmem>>, vector<16xf32>,
      %gather3A_236 = tpu.vector_load_idx %arg12[%broadcast_in_dim3A_80, %get3A_232] : memref<4x4096xf32, #tpu.memory_space<vmem>>[vector<16xi32>, vector<16xi32>], vector<16xf32>,
      %mul3A_237 = arith.constant 16 : i32
      %mul3A_238 = arith.muli %scan3A_229, %mul3A_237 : i32
      %swap3A_239 = arith.index_cast %mul3A_238 : i32 to index
      %swap3A_240 = tpu.vector_load %arg15[%swap3A_239] {strides = array<i32>} : memref<8192xf32, #tpu.memory_space<vmem>>, vector<16xf32>,
      tpu.vector_store %arg15[%swap3A_239], %gather3A_236 {strides = array<i32>} : memref<8192xf32, #tpu.memory_space<vmem>>, vector<16xf32>,
      %gather3A_241 = tpu.vector_load_idx %arg12[%broadcast_in_dim3A_82, %get3A_232] : memref<4x4096xf32, #tpu.memory_space<vmem>>[vector<16xi32>, vector<16xi32>], vector<16xf32>,
      %mul3A_242 = arith.constant 16 : i32
      %mul3A_243 = arith.muli %scan3A_229, %mul3A_242 : i32
      %swap3A_244 = arith.index_cast %mul3A_243 : i32 to index
      %swap3A_245 = tpu.vector_load %arg16[%swap3A_244] {strides = array<i32>} : memref<8192xf32, #tpu.memory_space<vmem>>, vector<16xf32>,
      tpu.vector_store %arg16[%swap3A_244], %gather3A_241 {strides = array<i32>} : memref<8192xf32, #tpu.memory_space<vmem>>, vector<16xf32>,
      %gather3A_246 = tpu.vector_load_idx %arg12[%broadcast_in_dim3A_84, %get3A_232] : memref<4x4096xf32, #tpu.memory_space<vmem>>[vector<16xi32>, vector<16xi32>], vector<16xf32>,
      %mul3A_247 = arith.constant 16 : i32
      %mul3A_248 = arith.muli %scan3A_229, %mul3A_247 : i32
      %swap3A_249 = arith.index_cast %mul3A_248 : i32 to index
      %swap3A_250 = tpu.vector_load %arg17[%swap3A_249] {strides = array<i32>} : memref<8192xf32, #tpu.memory_space<vmem>>, vector<16xf32>,
      tpu.vector_store %arg17[%swap3A_249], %gather3A_246 {strides = array<i32>} : memref<8192xf32, #tpu.memory_space<vmem>>, vector<16xf32>,
      %scan3A_251 = arith.constant 1 : i32
      %scan3A_252 = arith.addi %scan3A_229, %scan3A_251 : i32
      %mul3A_253 = arith.constant 16 : i32
      %mul3A_254 = arith.muli %scan3A_252, %mul3A_253 : i32
      %get3A_255 = arith.index_cast %mul3A_254 : i32 to index
      %get3A_256 = tpu.vector_load %arg10[%get3A_255] {strides = array<i32>} : memref<8192xi32, #tpu.memory_space<vmem>>, vector<16xi32>,
      %gather3A_257 = tpu.vector_load_idx %arg12[%broadcast_in_dim3A_78, %get3A_256] : memref<4x4096xf32, #tpu.memory_space<vmem>>[vector<16xi32>, vector<16xi32>], vector<16xf32>,
      %mul3A_258 = arith.constant 16 : i32
      %mul3A_259 = arith.muli %scan3A_252, %mul3A_258 : i32
      %swap3A_260 = arith.index_cast %mul3A_259 : i32 to index
      %swap3A_261 = tpu.vector_load %arg14[%swap3A_260] {strides = array<i32>} : memref<8192xf32, #tpu.memory_space<vmem>>, vector<16xf32>,
      tpu.vector_store %arg14[%swap3A_260], %gather3A_257 {strides = array<i32>} : memref<8192xf32, #tpu.memory_space<vmem>>, vector<16xf32>,
      %gather3A_262 = tpu.vector_load_idx %arg12[%broadcast_in_dim3A_80, %get3A_256] : memref<4x4096xf32, #tpu.memory_space<vmem>>[vector<16xi32>, vector<16xi32>], vector<16xf32>,
      %mul3A_263 = arith.constant 16 : i32
      %mul3A_264 = arith.muli %scan3A_252, %mul3A_263 : i32
      %swap3A_265 = arith.index_cast %mul3A_264 : i32 to index
      %swap3A_266 = tpu.vector_load %arg15[%swap3A_265] {strides = array<i32>} : memref<8192xf32, #tpu.memory_space<vmem>>, vector<16xf32>,
      tpu.vector_store %arg15[%swap3A_265], %gather3A_262 {strides = array<i32>} : memref<8192xf32, #tpu.memory_space<vmem>>, vector<16xf32>,
      %gather3A_267 = tpu.vector_load_idx %arg12[%broadcast_in_dim3A_82, %get3A_256] : memref<4x4096xf32, #tpu.memory_space<vmem>>[vector<16xi32>, vector<16xi32>], vector<16xf32>,
      %mul3A_268 = arith.constant 16 : i32
      %mul3A_269 = arith.muli %scan3A_252, %mul3A_268 : i32
      %swap3A_270 = arith.index_cast %mul3A_269 : i32 to index
      %swap3A_271 = tpu.vector_load %arg16[%swap3A_270] {strides = array<i32>} : memref<8192xf32, #tpu.memory_space<vmem>>, vector<16xf32>,
      tpu.vector_store %arg16[%swap3A_270], %gather3A_267 {strides = array<i32>} : memref<8192xf32, #tpu.memory_space<vmem>>, vector<16xf32>,
      %gather3A_272 = tpu.vector_load_idx %arg12[%broadcast_in_dim3A_84, %get3A_256] : memref<4x4096xf32, #tpu.memory_space<vmem>>[vector<16xi32>, vector<16xi32>], vector<16xf32>,
      %mul3A_273 = arith.constant 16 : i32
      %mul3A_274 = arith.muli %scan3A_252, %mul3A_273 : i32
      %swap3A_275 = arith.index_cast %mul3A_274 : i32 to index
      %swap3A_276 = tpu.vector_load %arg17[%swap3A_275] {strides = array<i32>} : memref<8192xf32, #tpu.memory_space<vmem>>, vector<16xf32>,
      tpu.vector_store %arg17[%swap3A_275], %gather3A_272 {strides = array<i32>} : memref<8192xf32, #tpu.memory_space<vmem>>, vector<16xf32>,
      %scan3A_277 = arith.constant 2 : i32
      %scan3A_278 = arith.addi %scan3A_229, %scan3A_277 : i32
      %mul3A_279 = arith.constant 16 : i32
      %mul3A_280 = arith.muli %scan3A_278, %mul3A_279 : i32
      %get3A_281 = arith.index_cast %mul3A_280 : i32 to index
      %get3A_282 = tpu.vector_load %arg10[%get3A_281] {strides = array<i32>} : memref<8192xi32, #tpu.memory_space<vmem>>, vector<16xi32>,
      %gather3A_283 = tpu.vector_load_idx %arg12[%broadcast_in_dim3A_78, %get3A_282] : memref<4x4096xf32, #tpu.memory_space<vmem>>[vector<16xi32>, vector<16xi32>], vector<16xf32>,
      %mul3A_284 = arith.constant 16 : i32
      %mul3A_285 = arith.muli %scan3A_278, %mul3A_284 : i32
      %swap3A_286 = arith.index_cast %mul3A_285 : i32 to index
      %swap3A_287 = tpu.vector_load %arg14[%swap3A_286] {strides = array<i32>} : memref<8192xf32, #tpu.memory_space<vmem>>, vector<16xf32>,
      tpu.vector_store %arg14[%swap3A_286], %gather3A_283 {strides = array<i32>} : memref<8192xf32, #tpu.memory_space<vmem>>, vector<16xf32>,
      %gather3A_288 = tpu.vector_load_idx %arg12[%broadcast_in_dim3A_80, %get3A_282] : memref<4x4096xf32, #tpu.memory_space<vmem>>[vector<16xi32>, vector<16xi32>], vector<16xf32>,
      %mul3A_289 = arith.constant 16 : i32
      %mul3A_290 = arith.muli %scan3A_278, %mul3A_289 : i32
      %swap3A_291 = arith.index_cast %mul3A_290 : i32 to index
      %swap3A_292 = tpu.vector_load %arg15[%swap3A_291] {strides = array<i32>} : memref<8192xf32, #tpu.memory_space<vmem>>, vector<16xf32>,
      tpu.vector_store %arg15[%swap3A_291], %gather3A_288 {strides = array<i32>} : memref<8192xf32, #tpu.memory_space<vmem>>, vector<16xf32>,
      %gather3A_293 = tpu.vector_load_idx %arg12[%broadcast_in_dim3A_82, %get3A_282] : memref<4x4096xf32, #tpu.memory_space<vmem>>[vector<16xi32>, vector<16xi32>], vector<16xf32>,
      %mul3A_294 = arith.constant 16 : i32
      %mul3A_295 = arith.muli %scan3A_278, %mul3A_294 : i32
      %swap3A_296 = arith.index_cast %mul3A_295 : i32 to index
      %swap3A_297 = tpu.vector_load %arg16[%swap3A_296] {strides = array<i32>} : memref<8192xf32, #tpu.memory_space<vmem>>, vector<16xf32>,
      tpu.vector_store %arg16[%swap3A_296], %gather3A_293 {strides = array<i32>} : memref<8192xf32, #tpu.memory_space<vmem>>, vector<16xf32>,
      %gather3A_298 = tpu.vector_load_idx %arg12[%broadcast_in_dim3A_84, %get3A_282] : memref<4x4096xf32, #tpu.memory_space<vmem>>[vector<16xi32>, vector<16xi32>], vector<16xf32>,
      %mul3A_299 = arith.constant 16 : i32
      %mul3A_300 = arith.muli %scan3A_278, %mul3A_299 : i32
      %swap3A_301 = arith.index_cast %mul3A_300 : i32 to index
      %swap3A_302 = tpu.vector_load %arg17[%swap3A_301] {strides = array<i32>} : memref<8192xf32, #tpu.memory_space<vmem>>, vector<16xf32>,
      tpu.vector_store %arg17[%swap3A_301], %gather3A_298 {strides = array<i32>} : memref<8192xf32, #tpu.memory_space<vmem>>, vector<16xf32>,
      %scan3A_303 = arith.constant 3 : i32
      %scan3A_304 = arith.addi %scan3A_229, %scan3A_303 : i32
      %mul3A_305 = arith.constant 16 : i32
      %mul3A_306 = arith.muli %scan3A_304, %mul3A_305 : i32
      %get3A_307 = arith.index_cast %mul3A_306 : i32 to index
      %get3A_308 = tpu.vector_load %arg10[%get3A_307] {strides = array<i32>} : memref<8192xi32, #tpu.memory_space<vmem>>, vector<16xi32>,
      %gather3A_309 = tpu.vector_load_idx %arg12[%broadcast_in_dim3A_78, %get3A_308] : memref<4x4096xf32, #tpu.memory_space<vmem>>[vector<16xi32>, vector<16xi32>], vector<16xf32>,
      %mul3A_310 = arith.constant 16 : i32
      %mul3A_311 = arith.muli %scan3A_304, %mul3A_310 : i32
      %swap3A_312 = arith.index_cast %mul3A_311 : i32 to index
      %swap3A_313 = tpu.vector_load %arg14[%swap3A_312] {strides = array<i32>} : memref<8192xf32, #tpu.memory_space<vmem>>, vector<16xf32>,
      tpu.vector_store %arg14[%swap3A_312], %gather3A_309 {strides = array<i32>} : memref<8192xf32, #tpu.memory_space<vmem>>, vector<16xf32>,
      %gather3A_314 = tpu.vector_load_idx %arg12[%broadcast_in_dim3A_80, %get3A_308] : memref<4x4096xf32, #tpu.memory_space<vmem>>[vector<16xi32>, vector<16xi32>], vector<16xf32>,
      %mul3A_315 = arith.constant 16 : i32
      %mul3A_316 = arith.muli %scan3A_304, %mul3A_315 : i32
      %swap3A_317 = arith.index_cast %mul3A_316 : i32 to index
      %swap3A_318 = tpu.vector_load %arg15[%swap3A_317] {strides = array<i32>} : memref<8192xf32, #tpu.memory_space<vmem>>, vector<16xf32>,
      tpu.vector_store %arg15[%swap3A_317], %gather3A_314 {strides = array<i32>} : memref<8192xf32, #tpu.memory_space<vmem>>, vector<16xf32>,
      %gather3A_319 = tpu.vector_load_idx %arg12[%broadcast_in_dim3A_82, %get3A_308] : memref<4x4096xf32, #tpu.memory_space<vmem>>[vector<16xi32>, vector<16xi32>], vector<16xf32>,
      %mul3A_320 = arith.constant 16 : i32
      %mul3A_321 = arith.muli %scan3A_304, %mul3A_320 : i32
      %swap3A_322 = arith.index_cast %mul3A_321 : i32 to index
      %swap3A_323 = tpu.vector_load %arg16[%swap3A_322] {strides = array<i32>} : memref<8192xf32, #tpu.memory_space<vmem>>, vector<16xf32>,
      tpu.vector_store %arg16[%swap3A_322], %gather3A_319 {strides = array<i32>} : memref<8192xf32, #tpu.memory_space<vmem>>, vector<16xf32>,
      %gather3A_324 = tpu.vector_load_idx %arg12[%broadcast_in_dim3A_84, %get3A_308] : memref<4x4096xf32, #tpu.memory_space<vmem>>[vector<16xi32>, vector<16xi32>], vector<16xf32>,
      %mul3A_325 = arith.constant 16 : i32
      %mul3A_326 = arith.muli %scan3A_304, %mul3A_325 : i32
      %swap3A_327 = arith.index_cast %mul3A_326 : i32 to index
      %swap3A_328 = tpu.vector_load %arg17[%swap3A_327] {strides = array<i32>} : memref<8192xf32, #tpu.memory_space<vmem>>, vector<16xf32>,
      tpu.vector_store %arg17[%swap3A_327], %gather3A_324 {strides = array<i32>} : memref<8192xf32, #tpu.memory_space<vmem>>, vector<16xf32>,
      %scan3A_329 = arith.constant 4 : i32
      %scan3A_330 = arith.addi %scan3A_229, %scan3A_329 : i32
      %mul3A_331 = arith.constant 16 : i32
      %mul3A_332 = arith.muli %scan3A_330, %mul3A_331 : i32
      %get3A_333 = arith.index_cast %mul3A_332 : i32 to index
      %get3A_334 = tpu.vector_load %arg10[%get3A_333] {strides = array<i32>} : memref<8192xi32, #tpu.memory_space<vmem>>, vector<16xi32>,
      %gather3A_335 = tpu.vector_load_idx %arg12[%broadcast_in_dim3A_78, %get3A_334] : memref<4x4096xf32, #tpu.memory_space<vmem>>[vector<16xi32>, vector<16xi32>], vector<16xf32>,
      %mul3A_336 = arith.constant 16 : i32
      %mul3A_337 = arith.muli %scan3A_330, %mul3A_336 : i32
      %swap3A_338 = arith.index_cast %mul3A_337 : i32 to index
      %swap3A_339 = tpu.vector_load %arg14[%swap3A_338] {strides = array<i32>} : memref<8192xf32, #tpu.memory_space<vmem>>, vector<16xf32>,
      tpu.vector_store %arg14[%swap3A_338], %gather3A_335 {strides = array<i32>} : memref<8192xf32, #tpu.memory_space<vmem>>, vector<16xf32>,
      %gather3A_340 = tpu.vector_load_idx %arg12[%broadcast_in_dim3A_80, %get3A_334] : memref<4x4096xf32, #tpu.memory_space<vmem>>[vector<16xi32>, vector<16xi32>], vector<16xf32>,
      %mul3A_341 = arith.constant 16 : i32
      %mul3A_342 = arith.muli %scan3A_330, %mul3A_341 : i32
      %swap3A_343 = arith.index_cast %mul3A_342 : i32 to index
      %swap3A_344 = tpu.vector_load %arg15[%swap3A_343] {strides = array<i32>} : memref<8192xf32, #tpu.memory_space<vmem>>, vector<16xf32>,
      tpu.vector_store %arg15[%swap3A_343], %gather3A_340 {strides = array<i32>} : memref<8192xf32, #tpu.memory_space<vmem>>, vector<16xf32>,
      %gather3A_345 = tpu.vector_load_idx %arg12[%broadcast_in_dim3A_82, %get3A_334] : memref<4x4096xf32, #tpu.memory_space<vmem>>[vector<16xi32>, vector<16xi32>], vector<16xf32>,
      %mul3A_346 = arith.constant 16 : i32
      %mul3A_347 = arith.muli %scan3A_330, %mul3A_346 : i32
      %swap3A_348 = arith.index_cast %mul3A_347 : i32 to index
      %swap3A_349 = tpu.vector_load %arg16[%swap3A_348] {strides = array<i32>} : memref<8192xf32, #tpu.memory_space<vmem>>, vector<16xf32>,
      tpu.vector_store %arg16[%swap3A_348], %gather3A_345 {strides = array<i32>} : memref<8192xf32, #tpu.memory_space<vmem>>, vector<16xf32>,
      %gather3A_350 = tpu.vector_load_idx %arg12[%broadcast_in_dim3A_84, %get3A_334] : memref<4x4096xf32, #tpu.memory_space<vmem>>[vector<16xi32>, vector<16xi32>], vector<16xf32>,
      %mul3A_351 = arith.constant 16 : i32
      %mul3A_352 = arith.muli %scan3A_330, %mul3A_351 : i32
      %swap3A_353 = arith.index_cast %mul3A_352 : i32 to index
      %swap3A_354 = tpu.vector_load %arg17[%swap3A_353] {strides = array<i32>} : memref<8192xf32, #tpu.memory_space<vmem>>, vector<16xf32>,
      tpu.vector_store %arg17[%swap3A_353], %gather3A_350 {strides = array<i32>} : memref<8192xf32, #tpu.memory_space<vmem>>, vector<16xf32>,
      %scan3A_355 = arith.constant 5 : i32
      %scan3A_356 = arith.addi %scan3A_229, %scan3A_355 : i32
      %mul3A_357 = arith.constant 16 : i32
      %mul3A_358 = arith.muli %scan3A_356, %mul3A_357 : i32
      %get3A_359 = arith.index_cast %mul3A_358 : i32 to index
      %get3A_360 = tpu.vector_load %arg10[%get3A_359] {strides = array<i32>} : memref<8192xi32, #tpu.memory_space<vmem>>, vector<16xi32>,
      %gather3A_361 = tpu.vector_load_idx %arg12[%broadcast_in_dim3A_78, %get3A_360] : memref<4x4096xf32, #tpu.memory_space<vmem>>[vector<16xi32>, vector<16xi32>], vector<16xf32>,
      %mul3A_362 = arith.constant 16 : i32
      %mul3A_363 = arith.muli %scan3A_356, %mul3A_362 : i32
      %swap3A_364 = arith.index_cast %mul3A_363 : i32 to index
      %swap3A_365 = tpu.vector_load %arg14[%swap3A_364] {strides = array<i32>} : memref<8192xf32, #tpu.memory_space<vmem>>, vector<16xf32>,
      tpu.vector_store %arg14[%swap3A_364], %gather3A_361 {strides = array<i32>} : memref<8192xf32, #tpu.memory_space<vmem>>, vector<16xf32>,
      %gather3A_366 = tpu.vector_load_idx %arg12[%broadcast_in_dim3A_80, %get3A_360] : memref<4x4096xf32, #tpu.memory_space<vmem>>[vector<16xi32>, vector<16xi32>], vector<16xf32>,
      %mul3A_367 = arith.constant 16 : i32
      %mul3A_368 = arith.muli %scan3A_356, %mul3A_367 : i32
      %swap3A_369 = arith.index_cast %mul3A_368 : i32 to index
      %swap3A_370 = tpu.vector_load %arg15[%swap3A_369] {strides = array<i32>} : memref<8192xf32, #tpu.memory_space<vmem>>, vector<16xf32>,
      tpu.vector_store %arg15[%swap3A_369], %gather3A_366 {strides = array<i32>} : memref<8192xf32, #tpu.memory_space<vmem>>, vector<16xf32>,
      %gather3A_371 = tpu.vector_load_idx %arg12[%broadcast_in_dim3A_82, %get3A_360] : memref<4x4096xf32, #tpu.memory_space<vmem>>[vector<16xi32>, vector<16xi32>], vector<16xf32>,
      %mul3A_372 = arith.constant 16 : i32
      %mul3A_373 = arith.muli %scan3A_356, %mul3A_372 : i32
      %swap3A_374 = arith.index_cast %mul3A_373 : i32 to index
      %swap3A_375 = tpu.vector_load %arg16[%swap3A_374] {strides = array<i32>} : memref<8192xf32, #tpu.memory_space<vmem>>, vector<16xf32>,
      tpu.vector_store %arg16[%swap3A_374], %gather3A_371 {strides = array<i32>} : memref<8192xf32, #tpu.memory_space<vmem>>, vector<16xf32>,
      %gather3A_376 = tpu.vector_load_idx %arg12[%broadcast_in_dim3A_84, %get3A_360] : memref<4x4096xf32, #tpu.memory_space<vmem>>[vector<16xi32>, vector<16xi32>], vector<16xf32>,
      %mul3A_377 = arith.constant 16 : i32
      %mul3A_378 = arith.muli %scan3A_356, %mul3A_377 : i32
      %swap3A_379 = arith.index_cast %mul3A_378 : i32 to index
      %swap3A_380 = tpu.vector_load %arg17[%swap3A_379] {strides = array<i32>} : memref<8192xf32, #tpu.memory_space<vmem>>, vector<16xf32>,
      tpu.vector_store %arg17[%swap3A_379], %gather3A_376 {strides = array<i32>} : memref<8192xf32, #tpu.memory_space<vmem>>, vector<16xf32>,
      %scan3A_381 = arith.constant 6 : i32
      %scan3A_382 = arith.addi %scan3A_229, %scan3A_381 : i32
      %mul3A_383 = arith.constant 16 : i32
      %mul3A_384 = arith.muli %scan3A_382, %mul3A_383 : i32
      %get3A_385 = arith.index_cast %mul3A_384 : i32 to index
      %get3A_386 = tpu.vector_load %arg10[%get3A_385] {strides = array<i32>} : memref<8192xi32, #tpu.memory_space<vmem>>, vector<16xi32>,
      %gather3A_387 = tpu.vector_load_idx %arg12[%broadcast_in_dim3A_78, %get3A_386] : memref<4x4096xf32, #tpu.memory_space<vmem>>[vector<16xi32>, vector<16xi32>], vector<16xf32>,
      %mul3A_388 = arith.constant 16 : i32
      %mul3A_389 = arith.muli %scan3A_382, %mul3A_388 : i32
      %swap3A_390 = arith.index_cast %mul3A_389 : i32 to index
      %swap3A_391 = tpu.vector_load %arg14[%swap3A_390] {strides = array<i32>} : memref<8192xf32, #tpu.memory_space<vmem>>, vector<16xf32>,
      tpu.vector_store %arg14[%swap3A_390], %gather3A_387 {strides = array<i32>} : memref<8192xf32, #tpu.memory_space<vmem>>, vector<16xf32>,
      %gather3A_392 = tpu.vector_load_idx %arg12[%broadcast_in_dim3A_80, %get3A_386] : memref<4x4096xf32, #tpu.memory_space<vmem>>[vector<16xi32>, vector<16xi32>], vector<16xf32>,
      %mul3A_393 = arith.constant 16 : i32
      %mul3A_394 = arith.muli %scan3A_382, %mul3A_393 : i32
      %swap3A_395 = arith.index_cast %mul3A_394 : i32 to index
      %swap3A_396 = tpu.vector_load %arg15[%swap3A_395] {strides = array<i32>} : memref<8192xf32, #tpu.memory_space<vmem>>, vector<16xf32>,
      tpu.vector_store %arg15[%swap3A_395], %gather3A_392 {strides = array<i32>} : memref<8192xf32, #tpu.memory_space<vmem>>, vector<16xf32>,
      %gather3A_397 = tpu.vector_load_idx %arg12[%broadcast_in_dim3A_82, %get3A_386] : memref<4x4096xf32, #tpu.memory_space<vmem>>[vector<16xi32>, vector<16xi32>], vector<16xf32>,
      %mul3A_398 = arith.constant 16 : i32
      %mul3A_399 = arith.muli %scan3A_382, %mul3A_398 : i32
      %swap3A_400 = arith.index_cast %mul3A_399 : i32 to index
      %swap3A_401 = tpu.vector_load %arg16[%swap3A_400] {strides = array<i32>} : memref<8192xf32, #tpu.memory_space<vmem>>, vector<16xf32>,
      tpu.vector_store %arg16[%swap3A_400], %gather3A_397 {strides = array<i32>} : memref<8192xf32, #tpu.memory_space<vmem>>, vector<16xf32>,
      %gather3A_402 = tpu.vector_load_idx %arg12[%broadcast_in_dim3A_84, %get3A_386] : memref<4x4096xf32, #tpu.memory_space<vmem>>[vector<16xi32>, vector<16xi32>], vector<16xf32>,
      %mul3A_403 = arith.constant 16 : i32
      %mul3A_404 = arith.muli %scan3A_382, %mul3A_403 : i32
      %swap3A_405 = arith.index_cast %mul3A_404 : i32 to index
      %swap3A_406 = tpu.vector_load %arg17[%swap3A_405] {strides = array<i32>} : memref<8192xf32, #tpu.memory_space<vmem>>, vector<16xf32>,
      tpu.vector_store %arg17[%swap3A_405], %gather3A_402 {strides = array<i32>} : memref<8192xf32, #tpu.memory_space<vmem>>, vector<16xf32>,
      %scan3A_407 = arith.constant 7 : i32
      %scan3A_408 = arith.addi %scan3A_229, %scan3A_407 : i32
      %mul3A_409 = arith.constant 16 : i32
      %mul3A_410 = arith.muli %scan3A_408, %mul3A_409 : i32
      %get3A_411 = arith.index_cast %mul3A_410 : i32 to index
      %get3A_412 = tpu.vector_load %arg10[%get3A_411] {strides = array<i32>} : memref<8192xi32, #tpu.memory_space<vmem>>, vector<16xi32>,
      %gather3A_413 = tpu.vector_load_idx %arg12[%broadcast_in_dim3A_78, %get3A_412] : memref<4x4096xf32, #tpu.memory_space<vmem>>[vector<16xi32>, vector<16xi32>], vector<16xf32>,
      %mul3A_414 = arith.constant 16 : i32
      %mul3A_415 = arith.muli %scan3A_408, %mul3A_414 : i32
      %swap3A_416 = arith.index_cast %mul3A_415 : i32 to index
      %swap3A_417 = tpu.vector_load %arg14[%swap3A_416] {strides = array<i32>} : memref<8192xf32, #tpu.memory_space<vmem>>, vector<16xf32>,
      tpu.vector_store %arg14[%swap3A_416], %gather3A_413 {strides = array<i32>} : memref<8192xf32, #tpu.memory_space<vmem>>, vector<16xf32>,
      %gather3A_418 = tpu.vector_load_idx %arg12[%broadcast_in_dim3A_80, %get3A_412] : memref<4x4096xf32, #tpu.memory_space<vmem>>[vector<16xi32>, vector<16xi32>], vector<16xf32>,
      %mul3A_419 = arith.constant 16 : i32
      %mul3A_420 = arith.muli %scan3A_408, %mul3A_419 : i32
      %swap3A_421 = arith.index_cast %mul3A_420 : i32 to index
      %swap3A_422 = tpu.vector_load %arg15[%swap3A_421] {strides = array<i32>} : memref<8192xf32, #tpu.memory_space<vmem>>, vector<16xf32>,
      tpu.vector_store %arg15[%swap3A_421], %gather3A_418 {strides = array<i32>} : memref<8192xf32, #tpu.memory_space<vmem>>, vector<16xf32>,
      %gather3A_423 = tpu.vector_load_idx %arg12[%broadcast_in_dim3A_82, %get3A_412] : memref<4x4096xf32, #tpu.memory_space<vmem>>[vector<16xi32>, vector<16xi32>], vector<16xf32>,
      %mul3A_424 = arith.constant 16 : i32
      %mul3A_425 = arith.muli %scan3A_408, %mul3A_424 : i32
      %swap3A_426 = arith.index_cast %mul3A_425 : i32 to index
      %swap3A_427 = tpu.vector_load %arg16[%swap3A_426] {strides = array<i32>} : memref<8192xf32, #tpu.memory_space<vmem>>, vector<16xf32>,
      tpu.vector_store %arg16[%swap3A_426], %gather3A_423 {strides = array<i32>} : memref<8192xf32, #tpu.memory_space<vmem>>, vector<16xf32>,
      %gather3A_428 = tpu.vector_load_idx %arg12[%broadcast_in_dim3A_84, %get3A_412] : memref<4x4096xf32, #tpu.memory_space<vmem>>[vector<16xi32>, vector<16xi32>], vector<16xf32>,
      %mul3A_429 = arith.constant 16 : i32
      %mul3A_430 = arith.muli %scan3A_408, %mul3A_429 : i32
      %swap3A_431 = arith.index_cast %mul3A_430 : i32 to index
      %swap3A_432 = tpu.vector_load %arg17[%swap3A_431] {strides = array<i32>} : memref<8192xf32, #tpu.memory_space<vmem>>, vector<16xf32>,
      tpu.vector_store %arg17[%swap3A_431], %gather3A_428 {strides = array<i32>} : memref<8192xf32, #tpu.memory_space<vmem>>, vector<16xf32>,
    }
    %scan3A_112 = arith.constant 512 : i32
    %mul3A_113 = arith.constant 64 : i32
    %mul3A_114 = arith.muli %select_n3A, %mul3A_113 : i32
    %add3A_115 = arith.constant 8 : i32
    %add3A_116 = arith.addi %mul3A_114, %add3A_115 : i32
    %dma_start3A_117 = arith.constant 0 : i32
    %dma_start3A_118 = tpu.memref_slice %arg4[%add3A_116, %dma_start3A_117] : memref<512x4096xf32, #tpu.memory_space<hbm>> -> memref<4x4096xf32, #tpu.memory_space<hbm>>
    %dma_start3A_119 = arith.constant 0 : i32
    %dma_start3A_120 = tpu.memref_slice %arg4[%add3A_116, %dma_start3A_119] : memref<512x4096xf32, #tpu.memory_space<hbm>> -> memref<4x4096xf32, #tpu.memory_space<hbm>>
    tpu.enqueue_dma source(%dma_start3A_120 : memref<4x4096xf32, #tpu.memory_space<hbm>>) target(%arg12 : memref<4x4096xf32, #tpu.memory_space<vmem>>) target_semaphore(%arg18 : memref<!tpu.dma_semaphore, #tpu.memory_space<semaphore_mem>>)
    %add3A_121 = arith.constant 98304 : i32
    %add3A_122 = arith.addi %add3A_70, %add3A_121 : i32
    %dma_start3A_123 = tpu.memref_slice %arg5[%add3A_122] : memref<17563648xf32, #tpu.memory_space<hbm>> -> memref<8192xf32, #tpu.memory_space<hbm>>
    %dma_start3A_124 = tpu.memref_slice %arg5[%add3A_122] : memref<17563648xf32, #tpu.memory_space<hbm>> -> memref<8192xf32, #tpu.memory_space<hbm>>
    tpu.enqueue_dma source(%arg14 : memref<8192xf32, #tpu.memory_space<vmem>>) target(%dma_start3A_124 : memref<8192xf32, #tpu.memory_space<hbm>>) target_semaphore(%arg20 : memref<!tpu.dma_semaphore, #tpu.memory_space<semaphore_mem>>)
    %add3A_125 = arith.constant 131072 : i32
    %add3A_126 = arith.addi %add3A_70, %add3A_125 : i32
    %dma_start3A_127 = tpu.memref_slice %arg5[%add3A_126] : memref<17563648xf32, #tpu.memory_space<hbm>> -> memref<8192xf32, #tpu.memory_space<hbm>>
    %dma_start3A_128 = tpu.memref_slice %arg5[%add3A_126] : memref<17563648xf32, #tpu.memory_space<hbm>> -> memref<8192xf32, #tpu.memory_space<hbm>>
    tpu.enqueue_dma source(%arg15 : memref<8192xf32, #tpu.memory_space<vmem>>) target(%dma_start3A_128 : memref<8192xf32, #tpu.memory_space<hbm>>) target_semaphore(%arg20 : memref<!tpu.dma_semaphore, #tpu.memory_space<semaphore_mem>>)
    %add3A_129 = arith.constant 163840 : i32
    %add3A_130 = arith.addi %add3A_70, %add3A_129 : i32
    %dma_start3A_131 = tpu.memref_slice %arg5[%add3A_130] : memref<17563648xf32, #tpu.memory_space<hbm>> -> memref<8192xf32, #tpu.memory_space<hbm>>
    %dma_start3A_132 = tpu.memref_slice %arg5[%add3A_130] : memref<17563648xf32, #tpu.memory_space<hbm>> -> memref<8192xf32, #tpu.memory_space<hbm>>
    tpu.enqueue_dma source(%arg16 : memref<8192xf32, #tpu.memory_space<vmem>>) target(%dma_start3A_132 : memref<8192xf32, #tpu.memory_space<hbm>>) target_semaphore(%arg20 : memref<!tpu.dma_semaphore, #tpu.memory_space<semaphore_mem>>)
    %add3A_133 = arith.constant 196608 : i32
    %add3A_134 = arith.addi %add3A_70, %add3A_133 : i32
    %dma_start3A_135 = tpu.memref_slice %arg5[%add3A_134] : memref<17563648xf32, #tpu.memory_space<hbm>> -> memref<8192xf32, #tpu.memory_space<hbm>>
    %dma_start3A_136 = tpu.memref_slice %arg5[%add3A_134] : memref<17563648xf32, #tpu.memory_space<hbm>> -> memref<8192xf32, #tpu.memory_space<hbm>>
    tpu.enqueue_dma source(%arg17 : memref<8192xf32, #tpu.memory_space<vmem>>) target(%dma_start3A_136 : memref<8192xf32, #tpu.memory_space<hbm>>) target_semaphore(%arg20 : memref<!tpu.dma_semaphore, #tpu.memory_space<semaphore_mem>>)
    %mul3A_137 = arith.constant 64 : i32
    %mul3A_138 = arith.muli %select_n3A, %mul3A_137 : i32
    %add3A_139 = arith.constant 4 : i32
    %add3A_140 = arith.addi %mul3A_138, %add3A_139 : i32
    %dma_wait3A_141 = arith.constant 0 : i32
    %dma_wait3A_142 = tpu.memref_slice %arg4[%add3A_140, %dma_wait3A_141] : memref<512x4096xf32, #tpu.memory_space<hbm>> -> memref<4x4096xf32, #tpu.memory_space<hbm>>
    %dma_wait3A_143 = arith.constant 0 : i32
    %dma_wait3A_144 = tpu.memref_slice %arg4[%add3A_140, %dma_wait3A_143] : memref<512x4096xf32, #tpu.memory_space<hbm>> -> memref<4x4096xf32, #tpu.memory_space<hbm>>
    tpu.wait_dma2 semaphore(%arg19 : memref<!tpu.dma_semaphore, #tpu.memory_space<semaphore_mem>>) src(%dma_wait3A_144 : memref<4x4096xf32, #tpu.memory_space<hbm>>) dst(%arg13 : memref<4x4096xf32, #tpu.memory_space<vmem>>)
    %add3A_145 = arith.constant 98304 : i32
    %add3A_146 = arith.addi %add3A_70, %add3A_145 : i32
    %dma_wait3A_147 = tpu.memref_slice %arg5[%add3A_146] : memref<17563648xf32, #tpu.memory_space<hbm>> -> memref<8192xf32, #tpu.memory_space<hbm>>
    %dma_wait3A_148 = tpu.memref_slice %arg5[%add3A_146] : memref<17563648xf32, #tpu.memory_space<hbm>> -> memref<8192xf32, #tpu.memory_space<hbm>>
    tpu.wait_dma2 semaphore(%arg20 : memref<!tpu.dma_semaphore, #tpu.memory_space<semaphore_mem>>) src(%arg14 : memref<8192xf32, #tpu.memory_space<vmem>>) dst(%dma_wait3A_148 : memref<8192xf32, #tpu.memory_space<hbm>>)
    %add3A_149 = arith.constant 131072 : i32
    %add3A_150 = arith.addi %add3A_70, %add3A_149 : i32
    %dma_wait3A_151 = tpu.memref_slice %arg5[%add3A_150] : memref<17563648xf32, #tpu.memory_space<hbm>> -> memref<8192xf32, #tpu.memory_space<hbm>>
    %dma_wait3A_152 = tpu.memref_slice %arg5[%add3A_150] : memref<17563648xf32, #tpu.memory_space<hbm>> -> memref<8192xf32, #tpu.memory_space<hbm>>
    tpu.wait_dma2 semaphore(%arg20 : memref<!tpu.dma_semaphore, #tpu.memory_space<semaphore_mem>>) src(%arg15 : memref<8192xf32, #tpu.memory_space<vmem>>) dst(%dma_wait3A_152 : memref<8192xf32, #tpu.memory_space<hbm>>)
    %add3A_153 = arith.constant 163840 : i32
    %add3A_154 = arith.addi %add3A_70, %add3A_153 : i32
    %dma_wait3A_155 = tpu.memref_slice %arg5[%add3A_154] : memref<17563648xf32, #tpu.memory_space<hbm>> -> memref<8192xf32, #tpu.memory_space<hbm>>
    %dma_wait3A_156 = tpu.memref_slice %arg5[%add3A_154] : memref<17563648xf32, #tpu.memory_space<hbm>> -> memref<8192xf32, #tpu.memory_space<hbm>>
    tpu.wait_dma2 semaphore(%arg20 : memref<!tpu.dma_semaphore, #tpu.memory_space<semaphore_mem>>) src(%arg16 : memref<8192xf32, #tpu.memory_space<vmem>>) dst(%dma_wait3A_156 : memref<8192xf32, #tpu.memory_space<hbm>>)
    %add3A_157 = arith.constant 196608 : i32
    %add3A_158 = arith.addi %add3A_70, %add3A_157 : i32
    %dma_wait3A_159 = tpu.memref_slice %arg5[%add3A_158] : memref<17563648xf32, #tpu.memory_space<hbm>> -> memref<8192xf32, #tpu.memory_space<hbm>>
    %dma_wait3A_160 = tpu.memref_slice %arg5[%add3A_158] : memref<17563648xf32, #tpu.memory_space<hbm>> -> memref<8192xf32, #tpu.memory_space<hbm>>
    tpu.wait_dma2 semaphore(%arg20 : memref<!tpu.dma_semaphore, #tpu.memory_space<semaphore_mem>>) src(%arg17 : memref<8192xf32, #tpu.memory_space<vmem>>) dst(%dma_wait3A_160 : memref<8192xf32, #tpu.memory_space<hbm>>)
    %scan3A_161 = arith.constant 0 : i32
    %scan3A_162 = arith.constant 0 : i32
    %scan3A_163 = arith.constant 512 : i32
    %scan3A_164 = arith.addi %scan3A_162, %scan3A_163 : i32
    %scan3A_165 = arith.constant 8 : i32
    scf.for %scan3A_229 = %scan3A_162 to %scan3A_164 step %scan3A_165  : i32 {
      %mul3A_230 = arith.constant 16 : i32
      %mul3A_231 = arith.muli %scan3A_229, %mul3A_230 : i32
      %get3A = arith.index_cast %mul3A_231 : i32 to index
      %get3A_232 = tpu.vector_load %arg10[%get3A] {strides = array<i32>} : memref<8192xi32, #tpu.memory_space<vmem>>, vector<16xi32>,
      %gather3A = tpu.vector_load_idx %arg13[%broadcast_in_dim3A_78, %get3A_232] : memref<4x4096xf32, #tpu.memory_space<vmem>>[vector<16xi32>, vector<16xi32>], vector<16xf32>,
      %mul3A_233 = arith.constant 16 : i32
      %mul3A_234 = arith.muli %scan3A_229, %mul3A_233 : i32
      %swap3A = arith.index_cast %mul3A_234 : i32 to index
      %swap3A_235 = tpu.vector_load %arg14[%swap3A] {strides = array<i32>} : memref<8192xf32, #tpu.memory_space<vmem>>, vector<16xf32>,
      tpu.vector_store %arg14[%swap3A], %gather3A {strides = array<i32>} : memref<8192xf32, #tpu.memory_space<vmem>>, vector<16xf32>,
      %gather3A_236 = tpu.vector_load_idx %arg13[%broadcast_in_dim3A_80, %get3A_232] : memref<4x4096xf32, #tpu.memory_space<vmem>>[vector<16xi32>, vector<16xi32>], vector<16xf32>,
      %mul3A_237 = arith.constant 16 : i32
      %mul3A_238 = arith.muli %scan3A_229, %mul3A_237 : i32
      %swap3A_239 = arith.index_cast %mul3A_238 : i32 to index
      %swap3A_240 = tpu.vector_load %arg15[%swap3A_239] {strides = array<i32>} : memref<8192xf32, #tpu.memory_space<vmem>>, vector<16xf32>,
      tpu.vector_store %arg15[%swap3A_239], %gather3A_236 {strides = array<i32>} : memref<8192xf32, #tpu.memory_space<vmem>>, vector<16xf32>,
      %gather3A_241 = tpu.vector_load_idx %arg13[%broadcast_in_dim3A_82, %get3A_232] : memref<4x4096xf32, #tpu.memory_space<vmem>>[vector<16xi32>, vector<16xi32>], vector<16xf32>,
      %mul3A_242 = arith.constant 16 : i32
      %mul3A_243 = arith.muli %scan3A_229, %mul3A_242 : i32
      %swap3A_244 = arith.index_cast %mul3A_243 : i32 to index
      %swap3A_245 = tpu.vector_load %arg16[%swap3A_244] {strides = array<i32>} : memref<8192xf32, #tpu.memory_space<vmem>>, vector<16xf32>,
      tpu.vector_store %arg16[%swap3A_244], %gather3A_241 {strides = array<i32>} : memref<8192xf32, #tpu.memory_space<vmem>>, vector<16xf32>,
      %gather3A_246 = tpu.vector_load_idx %arg13[%broadcast_in_dim3A_84, %get3A_232] : memref<4x4096xf32, #tpu.memory_space<vmem>>[vector<16xi32>, vector<16xi32>], vector<16xf32>,
      %mul3A_247 = arith.constant 16 : i32
      %mul3A_248 = arith.muli %scan3A_229, %mul3A_247 : i32
      %swap3A_249 = arith.index_cast %mul3A_248 : i32 to index
      %swap3A_250 = tpu.vector_load %arg17[%swap3A_249] {strides = array<i32>} : memref<8192xf32, #tpu.memory_space<vmem>>, vector<16xf32>,
      tpu.vector_store %arg17[%swap3A_249], %gather3A_246 {strides = array<i32>} : memref<8192xf32, #tpu.memory_space<vmem>>, vector<16xf32>,
      %scan3A_251 = arith.constant 1 : i32
      %scan3A_252 = arith.addi %scan3A_229, %scan3A_251 : i32
      %mul3A_253 = arith.constant 16 : i32
      %mul3A_254 = arith.muli %scan3A_252, %mul3A_253 : i32
      %get3A_255 = arith.index_cast %mul3A_254 : i32 to index
      %get3A_256 = tpu.vector_load %arg10[%get3A_255] {strides = array<i32>} : memref<8192xi32, #tpu.memory_space<vmem>>, vector<16xi32>,
      %gather3A_257 = tpu.vector_load_idx %arg13[%broadcast_in_dim3A_78, %get3A_256] : memref<4x4096xf32, #tpu.memory_space<vmem>>[vector<16xi32>, vector<16xi32>], vector<16xf32>,
      %mul3A_258 = arith.constant 16 : i32
      %mul3A_259 = arith.muli %scan3A_252, %mul3A_258 : i32
      %swap3A_260 = arith.index_cast %mul3A_259 : i32 to index
      %swap3A_261 = tpu.vector_load %arg14[%swap3A_260] {strides = array<i32>} : memref<8192xf32, #tpu.memory_space<vmem>>, vector<16xf32>,
      tpu.vector_store %arg14[%swap3A_260], %gather3A_257 {strides = array<i32>} : memref<8192xf32, #tpu.memory_space<vmem>>, vector<16xf32>,
      %gather3A_262 = tpu.vector_load_idx %arg13[%broadcast_in_dim3A_80, %get3A_256] : memref<4x4096xf32, #tpu.memory_space<vmem>>[vector<16xi32>, vector<16xi32>], vector<16xf32>,
      %mul3A_263 = arith.constant 16 : i32
      %mul3A_264 = arith.muli %scan3A_252, %mul3A_263 : i32
      %swap3A_265 = arith.index_cast %mul3A_264 : i32 to index
      %swap3A_266 = tpu.vector_load %arg15[%swap3A_265] {strides = array<i32>} : memref<8192xf32, #tpu.memory_space<vmem>>, vector<16xf32>,
      tpu.vector_store %arg15[%swap3A_265], %gather3A_262 {strides = array<i32>} : memref<8192xf32, #tpu.memory_space<vmem>>, vector<16xf32>,
      %gather3A_267 = tpu.vector_load_idx %arg13[%broadcast_in_dim3A_82, %get3A_256] : memref<4x4096xf32, #tpu.memory_space<vmem>>[vector<16xi32>, vector<16xi32>], vector<16xf32>,
      %mul3A_268 = arith.constant 16 : i32
      %mul3A_269 = arith.muli %scan3A_252, %mul3A_268 : i32
      %swap3A_270 = arith.index_cast %mul3A_269 : i32 to index
      %swap3A_271 = tpu.vector_load %arg16[%swap3A_270] {strides = array<i32>} : memref<8192xf32, #tpu.memory_space<vmem>>, vector<16xf32>,
      tpu.vector_store %arg16[%swap3A_270], %gather3A_267 {strides = array<i32>} : memref<8192xf32, #tpu.memory_space<vmem>>, vector<16xf32>,
      %gather3A_272 = tpu.vector_load_idx %arg13[%broadcast_in_dim3A_84, %get3A_256] : memref<4x4096xf32, #tpu.memory_space<vmem>>[vector<16xi32>, vector<16xi32>], vector<16xf32>,
      %mul3A_273 = arith.constant 16 : i32
      %mul3A_274 = arith.muli %scan3A_252, %mul3A_273 : i32
      %swap3A_275 = arith.index_cast %mul3A_274 : i32 to index
      %swap3A_276 = tpu.vector_load %arg17[%swap3A_275] {strides = array<i32>} : memref<8192xf32, #tpu.memory_space<vmem>>, vector<16xf32>,
      tpu.vector_store %arg17[%swap3A_275], %gather3A_272 {strides = array<i32>} : memref<8192xf32, #tpu.memory_space<vmem>>, vector<16xf32>,
      %scan3A_277 = arith.constant 2 : i32
      %scan3A_278 = arith.addi %scan3A_229, %scan3A_277 : i32
      %mul3A_279 = arith.constant 16 : i32
      %mul3A_280 = arith.muli %scan3A_278, %mul3A_279 : i32
      %get3A_281 = arith.index_cast %mul3A_280 : i32 to index
      %get3A_282 = tpu.vector_load %arg10[%get3A_281] {strides = array<i32>} : memref<8192xi32, #tpu.memory_space<vmem>>, vector<16xi32>,
      %gather3A_283 = tpu.vector_load_idx %arg13[%broadcast_in_dim3A_78, %get3A_282] : memref<4x4096xf32, #tpu.memory_space<vmem>>[vector<16xi32>, vector<16xi32>], vector<16xf32>,
      %mul3A_284 = arith.constant 16 : i32
      %mul3A_285 = arith.muli %scan3A_278, %mul3A_284 : i32
      %swap3A_286 = arith.index_cast %mul3A_285 : i32 to index
      %swap3A_287 = tpu.vector_load %arg14[%swap3A_286] {strides = array<i32>} : memref<8192xf32, #tpu.memory_space<vmem>>, vector<16xf32>,
      tpu.vector_store %arg14[%swap3A_286], %gather3A_283 {strides = array<i32>} : memref<8192xf32, #tpu.memory_space<vmem>>, vector<16xf32>,
      %gather3A_288 = tpu.vector_load_idx %arg13[%broadcast_in_dim3A_80, %get3A_282] : memref<4x4096xf32, #tpu.memory_space<vmem>>[vector<16xi32>, vector<16xi32>], vector<16xf32>,
      %mul3A_289 = arith.constant 16 : i32
      %mul3A_290 = arith.muli %scan3A_278, %mul3A_289 : i32
      %swap3A_291 = arith.index_cast %mul3A_290 : i32 to index
      %swap3A_292 = tpu.vector_load %arg15[%swap3A_291] {strides = array<i32>} : memref<8192xf32, #tpu.memory_space<vmem>>, vector<16xf32>,
      tpu.vector_store %arg15[%swap3A_291], %gather3A_288 {strides = array<i32>} : memref<8192xf32, #tpu.memory_space<vmem>>, vector<16xf32>,
      %gather3A_293 = tpu.vector_load_idx %arg13[%broadcast_in_dim3A_82, %get3A_282] : memref<4x4096xf32, #tpu.memory_space<vmem>>[vector<16xi32>, vector<16xi32>], vector<16xf32>,
      %mul3A_294 = arith.constant 16 : i32
      %mul3A_295 = arith.muli %scan3A_278, %mul3A_294 : i32
      %swap3A_296 = arith.index_cast %mul3A_295 : i32 to index
      %swap3A_297 = tpu.vector_load %arg16[%swap3A_296] {strides = array<i32>} : memref<8192xf32, #tpu.memory_space<vmem>>, vector<16xf32>,
      tpu.vector_store %arg16[%swap3A_296], %gather3A_293 {strides = array<i32>} : memref<8192xf32, #tpu.memory_space<vmem>>, vector<16xf32>,
      %gather3A_298 = tpu.vector_load_idx %arg13[%broadcast_in_dim3A_84, %get3A_282] : memref<4x4096xf32, #tpu.memory_space<vmem>>[vector<16xi32>, vector<16xi32>], vector<16xf32>,
      %mul3A_299 = arith.constant 16 : i32
      %mul3A_300 = arith.muli %scan3A_278, %mul3A_299 : i32
      %swap3A_301 = arith.index_cast %mul3A_300 : i32 to index
      %swap3A_302 = tpu.vector_load %arg17[%swap3A_301] {strides = array<i32>} : memref<8192xf32, #tpu.memory_space<vmem>>, vector<16xf32>,
      tpu.vector_store %arg17[%swap3A_301], %gather3A_298 {strides = array<i32>} : memref<8192xf32, #tpu.memory_space<vmem>>, vector<16xf32>,
      %scan3A_303 = arith.constant 3 : i32
      %scan3A_304 = arith.addi %scan3A_229, %scan3A_303 : i32
      %mul3A_305 = arith.constant 16 : i32
      %mul3A_306 = arith.muli %scan3A_304, %mul3A_305 : i32
      %get3A_307 = arith.index_cast %mul3A_306 : i32 to index
      %get3A_308 = tpu.vector_load %arg10[%get3A_307] {strides = array<i32>} : memref<8192xi32, #tpu.memory_space<vmem>>, vector<16xi32>,
      %gather3A_309 = tpu.vector_load_idx %arg13[%broadcast_in_dim3A_78, %get3A_308] : memref<4x4096xf32, #tpu.memory_space<vmem>>[vector<16xi32>, vector<16xi32>], vector<16xf32>,
      %mul3A_310 = arith.constant 16 : i32
      %mul3A_311 = arith.muli %scan3A_304, %mul3A_310 : i32
      %swap3A_312 = arith.index_cast %mul3A_311 : i32 to index
      %swap3A_313 = tpu.vector_load %arg14[%swap3A_312] {strides = array<i32>} : memref<8192xf32, #tpu.memory_space<vmem>>, vector<16xf32>,
      tpu.vector_store %arg14[%swap3A_312], %gather3A_309 {strides = array<i32>} : memref<8192xf32, #tpu.memory_space<vmem>>, vector<16xf32>,
      %gather3A_314 = tpu.vector_load_idx %arg13[%broadcast_in_dim3A_80, %get3A_308] : memref<4x4096xf32, #tpu.memory_space<vmem>>[vector<16xi32>, vector<16xi32>], vector<16xf32>,
      %mul3A_315 = arith.constant 16 : i32
      %mul3A_316 = arith.muli %scan3A_304, %mul3A_315 : i32
      %swap3A_317 = arith.index_cast %mul3A_316 : i32 to index
      %swap3A_318 = tpu.vector_load %arg15[%swap3A_317] {strides = array<i32>} : memref<8192xf32, #tpu.memory_space<vmem>>, vector<16xf32>,
      tpu.vector_store %arg15[%swap3A_317], %gather3A_314 {strides = array<i32>} : memref<8192xf32, #tpu.memory_space<vmem>>, vector<16xf32>,
      %gather3A_319 = tpu.vector_load_idx %arg13[%broadcast_in_dim3A_82, %get3A_308] : memref<4x4096xf32, #tpu.memory_space<vmem>>[vector<16xi32>, vector<16xi32>], vector<16xf32>,
      %mul3A_320 = arith.constant 16 : i32
      %mul3A_321 = arith.muli %scan3A_304, %mul3A_320 : i32
      %swap3A_322 = arith.index_cast %mul3A_321 : i32 to index
      %swap3A_323 = tpu.vector_load %arg16[%swap3A_322] {strides = array<i32>} : memref<8192xf32, #tpu.memory_space<vmem>>, vector<16xf32>,
      tpu.vector_store %arg16[%swap3A_322], %gather3A_319 {strides = array<i32>} : memref<8192xf32, #tpu.memory_space<vmem>>, vector<16xf32>,
      %gather3A_324 = tpu.vector_load_idx %arg13[%broadcast_in_dim3A_84, %get3A_308] : memref<4x4096xf32, #tpu.memory_space<vmem>>[vector<16xi32>, vector<16xi32>], vector<16xf32>,
      %mul3A_325 = arith.constant 16 : i32
      %mul3A_326 = arith.muli %scan3A_304, %mul3A_325 : i32
      %swap3A_327 = arith.index_cast %mul3A_326 : i32 to index
      %swap3A_328 = tpu.vector_load %arg17[%swap3A_327] {strides = array<i32>} : memref<8192xf32, #tpu.memory_space<vmem>>, vector<16xf32>,
      tpu.vector_store %arg17[%swap3A_327], %gather3A_324 {strides = array<i32>} : memref<8192xf32, #tpu.memory_space<vmem>>, vector<16xf32>,
      %scan3A_329 = arith.constant 4 : i32
      %scan3A_330 = arith.addi %scan3A_229, %scan3A_329 : i32
      %mul3A_331 = arith.constant 16 : i32
      %mul3A_332 = arith.muli %scan3A_330, %mul3A_331 : i32
      %get3A_333 = arith.index_cast %mul3A_332 : i32 to index
      %get3A_334 = tpu.vector_load %arg10[%get3A_333] {strides = array<i32>} : memref<8192xi32, #tpu.memory_space<vmem>>, vector<16xi32>,
      %gather3A_335 = tpu.vector_load_idx %arg13[%broadcast_in_dim3A_78, %get3A_334] : memref<4x4096xf32, #tpu.memory_space<vmem>>[vector<16xi32>, vector<16xi32>], vector<16xf32>,
      %mul3A_336 = arith.constant 16 : i32
      %mul3A_337 = arith.muli %scan3A_330, %mul3A_336 : i32
      %swap3A_338 = arith.index_cast %mul3A_337 : i32 to index
      %swap3A_339 = tpu.vector_load %arg14[%swap3A_338] {strides = array<i32>} : memref<8192xf32, #tpu.memory_space<vmem>>, vector<16xf32>,
      tpu.vector_store %arg14[%swap3A_338], %gather3A_335 {strides = array<i32>} : memref<8192xf32, #tpu.memory_space<vmem>>, vector<16xf32>,
      %gather3A_340 = tpu.vector_load_idx %arg13[%broadcast_in_dim3A_80, %get3A_334] : memref<4x4096xf32, #tpu.memory_space<vmem>>[vector<16xi32>, vector<16xi32>], vector<16xf32>,
      %mul3A_341 = arith.constant 16 : i32
      %mul3A_342 = arith.muli %scan3A_330, %mul3A_341 : i32
      %swap3A_343 = arith.index_cast %mul3A_342 : i32 to index
      %swap3A_344 = tpu.vector_load %arg15[%swap3A_343] {strides = array<i32>} : memref<8192xf32, #tpu.memory_space<vmem>>, vector<16xf32>,
      tpu.vector_store %arg15[%swap3A_343], %gather3A_340 {strides = array<i32>} : memref<8192xf32, #tpu.memory_space<vmem>>, vector<16xf32>,
      %gather3A_345 = tpu.vector_load_idx %arg13[%broadcast_in_dim3A_82, %get3A_334] : memref<4x4096xf32, #tpu.memory_space<vmem>>[vector<16xi32>, vector<16xi32>], vector<16xf32>,
      %mul3A_346 = arith.constant 16 : i32
      %mul3A_347 = arith.muli %scan3A_330, %mul3A_346 : i32
      %swap3A_348 = arith.index_cast %mul3A_347 : i32 to index
      %swap3A_349 = tpu.vector_load %arg16[%swap3A_348] {strides = array<i32>} : memref<8192xf32, #tpu.memory_space<vmem>>, vector<16xf32>,
      tpu.vector_store %arg16[%swap3A_348], %gather3A_345 {strides = array<i32>} : memref<8192xf32, #tpu.memory_space<vmem>>, vector<16xf32>,
      %gather3A_350 = tpu.vector_load_idx %arg13[%broadcast_in_dim3A_84, %get3A_334] : memref<4x4096xf32, #tpu.memory_space<vmem>>[vector<16xi32>, vector<16xi32>], vector<16xf32>,
      %mul3A_351 = arith.constant 16 : i32
      %mul3A_352 = arith.muli %scan3A_330, %mul3A_351 : i32
      %swap3A_353 = arith.index_cast %mul3A_352 : i32 to index
      %swap3A_354 = tpu.vector_load %arg17[%swap3A_353] {strides = array<i32>} : memref<8192xf32, #tpu.memory_space<vmem>>, vector<16xf32>,
      tpu.vector_store %arg17[%swap3A_353], %gather3A_350 {strides = array<i32>} : memref<8192xf32, #tpu.memory_space<vmem>>, vector<16xf32>,
      %scan3A_355 = arith.constant 5 : i32
      %scan3A_356 = arith.addi %scan3A_229, %scan3A_355 : i32
      %mul3A_357 = arith.constant 16 : i32
      %mul3A_358 = arith.muli %scan3A_356, %mul3A_357 : i32
      %get3A_359 = arith.index_cast %mul3A_358 : i32 to index
      %get3A_360 = tpu.vector_load %arg10[%get3A_359] {strides = array<i32>} : memref<8192xi32, #tpu.memory_space<vmem>>, vector<16xi32>,
      %gather3A_361 = tpu.vector_load_idx %arg13[%broadcast_in_dim3A_78, %get3A_360] : memref<4x4096xf32, #tpu.memory_space<vmem>>[vector<16xi32>, vector<16xi32>], vector<16xf32>,
      %mul3A_362 = arith.constant 16 : i32
      %mul3A_363 = arith.muli %scan3A_356, %mul3A_362 : i32
      %swap3A_364 = arith.index_cast %mul3A_363 : i32 to index
      %swap3A_365 = tpu.vector_load %arg14[%swap3A_364] {strides = array<i32>} : memref<8192xf32, #tpu.memory_space<vmem>>, vector<16xf32>,
      tpu.vector_store %arg14[%swap3A_364], %gather3A_361 {strides = array<i32>} : memref<8192xf32, #tpu.memory_space<vmem>>, vector<16xf32>,
      %gather3A_366 = tpu.vector_load_idx %arg13[%broadcast_in_dim3A_80, %get3A_360] : memref<4x4096xf32, #tpu.memory_space<vmem>>[vector<16xi32>, vector<16xi32>], vector<16xf32>,
      %mul3A_367 = arith.constant 16 : i32
      %mul3A_368 = arith.muli %scan3A_356, %mul3A_367 : i32
      %swap3A_369 = arith.index_cast %mul3A_368 : i32 to index
      %swap3A_370 = tpu.vector_load %arg15[%swap3A_369] {strides = array<i32>} : memref<8192xf32, #tpu.memory_space<vmem>>, vector<16xf32>,
      tpu.vector_store %arg15[%swap3A_369], %gather3A_366 {strides = array<i32>} : memref<8192xf32, #tpu.memory_space<vmem>>, vector<16xf32>,
      %gather3A_371 = tpu.vector_load_idx %arg13[%broadcast_in_dim3A_82, %get3A_360] : memref<4x4096xf32, #tpu.memory_space<vmem>>[vector<16xi32>, vector<16xi32>], vector<16xf32>,
      %mul3A_372 = arith.constant 16 : i32
      %mul3A_373 = arith.muli %scan3A_356, %mul3A_372 : i32
      %swap3A_374 = arith.index_cast %mul3A_373 : i32 to index
      %swap3A_375 = tpu.vector_load %arg16[%swap3A_374] {strides = array<i32>} : memref<8192xf32, #tpu.memory_space<vmem>>, vector<16xf32>,
      tpu.vector_store %arg16[%swap3A_374], %gather3A_371 {strides = array<i32>} : memref<8192xf32, #tpu.memory_space<vmem>>, vector<16xf32>,
      %gather3A_376 = tpu.vector_load_idx %arg13[%broadcast_in_dim3A_84, %get3A_360] : memref<4x4096xf32, #tpu.memory_space<vmem>>[vector<16xi32>, vector<16xi32>], vector<16xf32>,
      %mul3A_377 = arith.constant 16 : i32
      %mul3A_378 = arith.muli %scan3A_356, %mul3A_377 : i32
      %swap3A_379 = arith.index_cast %mul3A_378 : i32 to index
      %swap3A_380 = tpu.vector_load %arg17[%swap3A_379] {strides = array<i32>} : memref<8192xf32, #tpu.memory_space<vmem>>, vector<16xf32>,
      tpu.vector_store %arg17[%swap3A_379], %gather3A_376 {strides = array<i32>} : memref<8192xf32, #tpu.memory_space<vmem>>, vector<16xf32>,
      %scan3A_381 = arith.constant 6 : i32
      %scan3A_382 = arith.addi %scan3A_229, %scan3A_381 : i32
      %mul3A_383 = arith.constant 16 : i32
      %mul3A_384 = arith.muli %scan3A_382, %mul3A_383 : i32
      %get3A_385 = arith.index_cast %mul3A_384 : i32 to index
      %get3A_386 = tpu.vector_load %arg10[%get3A_385] {strides = array<i32>} : memref<8192xi32, #tpu.memory_space<vmem>>, vector<16xi32>,
      %gather3A_387 = tpu.vector_load_idx %arg13[%broadcast_in_dim3A_78, %get3A_386] : memref<4x4096xf32, #tpu.memory_space<vmem>>[vector<16xi32>, vector<16xi32>], vector<16xf32>,
      %mul3A_388 = arith.constant 16 : i32
      %mul3A_389 = arith.muli %scan3A_382, %mul3A_388 : i32
      %swap3A_390 = arith.index_cast %mul3A_389 : i32 to index
      %swap3A_391 = tpu.vector_load %arg14[%swap3A_390] {strides = array<i32>} : memref<8192xf32, #tpu.memory_space<vmem>>, vector<16xf32>,
      tpu.vector_store %arg14[%swap3A_390], %gather3A_387 {strides = array<i32>} : memref<8192xf32, #tpu.memory_space<vmem>>, vector<16xf32>,
      %gather3A_392 = tpu.vector_load_idx %arg13[%broadcast_in_dim3A_80, %get3A_386] : memref<4x4096xf32, #tpu.memory_space<vmem>>[vector<16xi32>, vector<16xi32>], vector<16xf32>,
      %mul3A_393 = arith.constant 16 : i32
      %mul3A_394 = arith.muli %scan3A_382, %mul3A_393 : i32
      %swap3A_395 = arith.index_cast %mul3A_394 : i32 to index
      %swap3A_396 = tpu.vector_load %arg15[%swap3A_395] {strides = array<i32>} : memref<8192xf32, #tpu.memory_space<vmem>>, vector<16xf32>,
      tpu.vector_store %arg15[%swap3A_395], %gather3A_392 {strides = array<i32>} : memref<8192xf32, #tpu.memory_space<vmem>>, vector<16xf32>,
      %gather3A_397 = tpu.vector_load_idx %arg13[%broadcast_in_dim3A_82, %get3A_386] : memref<4x4096xf32, #tpu.memory_space<vmem>>[vector<16xi32>, vector<16xi32>], vector<16xf32>,
      %mul3A_398 = arith.constant 16 : i32
      %mul3A_399 = arith.muli %scan3A_382, %mul3A_398 : i32
      %swap3A_400 = arith.index_cast %mul3A_399 : i32 to index
      %swap3A_401 = tpu.vector_load %arg16[%swap3A_400] {strides = array<i32>} : memref<8192xf32, #tpu.memory_space<vmem>>, vector<16xf32>,
      tpu.vector_store %arg16[%swap3A_400], %gather3A_397 {strides = array<i32>} : memref<8192xf32, #tpu.memory_space<vmem>>, vector<16xf32>,
      %gather3A_402 = tpu.vector_load_idx %arg13[%broadcast_in_dim3A_84, %get3A_386] : memref<4x4096xf32, #tpu.memory_space<vmem>>[vector<16xi32>, vector<16xi32>], vector<16xf32>,
      %mul3A_403 = arith.constant 16 : i32
      %mul3A_404 = arith.muli %scan3A_382, %mul3A_403 : i32
      %swap3A_405 = arith.index_cast %mul3A_404 : i32 to index
      %swap3A_406 = tpu.vector_load %arg17[%swap3A_405] {strides = array<i32>} : memref<8192xf32, #tpu.memory_space<vmem>>, vector<16xf32>,
      tpu.vector_store %arg17[%swap3A_405], %gather3A_402 {strides = array<i32>} : memref<8192xf32, #tpu.memory_space<vmem>>, vector<16xf32>,
      %scan3A_407 = arith.constant 7 : i32
      %scan3A_408 = arith.addi %scan3A_229, %scan3A_407 : i32
      %mul3A_409 = arith.constant 16 : i32
      %mul3A_410 = arith.muli %scan3A_408, %mul3A_409 : i32
      %get3A_411 = arith.index_cast %mul3A_410 : i32 to index
      %get3A_412 = tpu.vector_load %arg10[%get3A_411] {strides = array<i32>} : memref<8192xi32, #tpu.memory_space<vmem>>, vector<16xi32>,
      %gather3A_413 = tpu.vector_load_idx %arg13[%broadcast_in_dim3A_78, %get3A_412] : memref<4x4096xf32, #tpu.memory_space<vmem>>[vector<16xi32>, vector<16xi32>], vector<16xf32>,
      %mul3A_414 = arith.constant 16 : i32
      %mul3A_415 = arith.muli %scan3A_408, %mul3A_414 : i32
      %swap3A_416 = arith.index_cast %mul3A_415 : i32 to index
      %swap3A_417 = tpu.vector_load %arg14[%swap3A_416] {strides = array<i32>} : memref<8192xf32, #tpu.memory_space<vmem>>, vector<16xf32>,
      tpu.vector_store %arg14[%swap3A_416], %gather3A_413 {strides = array<i32>} : memref<8192xf32, #tpu.memory_space<vmem>>, vector<16xf32>,
      %gather3A_418 = tpu.vector_load_idx %arg13[%broadcast_in_dim3A_80, %get3A_412] : memref<4x4096xf32, #tpu.memory_space<vmem>>[vector<16xi32>, vector<16xi32>], vector<16xf32>,
      %mul3A_419 = arith.constant 16 : i32
      %mul3A_420 = arith.muli %scan3A_408, %mul3A_419 : i32
      %swap3A_421 = arith.index_cast %mul3A_420 : i32 to index
      %swap3A_422 = tpu.vector_load %arg15[%swap3A_421] {strides = array<i32>} : memref<8192xf32, #tpu.memory_space<vmem>>, vector<16xf32>,
      tpu.vector_store %arg15[%swap3A_421], %gather3A_418 {strides = array<i32>} : memref<8192xf32, #tpu.memory_space<vmem>>, vector<16xf32>,
      %gather3A_423 = tpu.vector_load_idx %arg13[%broadcast_in_dim3A_82, %get3A_412] : memref<4x4096xf32, #tpu.memory_space<vmem>>[vector<16xi32>, vector<16xi32>], vector<16xf32>,
      %mul3A_424 = arith.constant 16 : i32
      %mul3A_425 = arith.muli %scan3A_408, %mul3A_424 : i32
      %swap3A_426 = arith.index_cast %mul3A_425 : i32 to index
      %swap3A_427 = tpu.vector_load %arg16[%swap3A_426] {strides = array<i32>} : memref<8192xf32, #tpu.memory_space<vmem>>, vector<16xf32>,
      tpu.vector_store %arg16[%swap3A_426], %gather3A_423 {strides = array<i32>} : memref<8192xf32, #tpu.memory_space<vmem>>, vector<16xf32>,
      %gather3A_428 = tpu.vector_load_idx %arg13[%broadcast_in_dim3A_84, %get3A_412] : memref<4x4096xf32, #tpu.memory_space<vmem>>[vector<16xi32>, vector<16xi32>], vector<16xf32>,
      %mul3A_429 = arith.constant 16 : i32
      %mul3A_430 = arith.muli %scan3A_408, %mul3A_429 : i32
      %swap3A_431 = arith.index_cast %mul3A_430 : i32 to index
      %swap3A_432 = tpu.vector_load %arg17[%swap3A_431] {strides = array<i32>} : memref<8192xf32, #tpu.memory_space<vmem>>, vector<16xf32>,
      tpu.vector_store %arg17[%swap3A_431], %gather3A_428 {strides = array<i32>} : memref<8192xf32, #tpu.memory_space<vmem>>, vector<16xf32>,
    }
    %scan3A_166 = arith.constant 512 : i32
    %mul3A_167 = arith.constant 64 : i32
    %mul3A_168 = arith.muli %select_n3A, %mul3A_167 : i32
    %add3A_169 = arith.constant 12 : i32
    %add3A_170 = arith.addi %mul3A_168, %add3A_169 : i32
    %dma_start3A_171 = arith.constant 0 : i32
    %dma_start3A_172 = tpu.memref_slice %arg4[%add3A_170, %dma_start3A_171] : memref<512x4096xf32, #tpu.memory_space<hbm>> -> memref<4x4096xf32, #tpu.memory_space<hbm>>
    %dma_start3A_173 = arith.constant 0 : i32
    %dma_start3A_174 = tpu.memref_slice %arg4[%add3A_170, %dma_start3A_173] : memref<512x4096xf32, #tpu.memory_space<hbm>> -> memref<4x4096xf32, #tpu.memory_space<hbm>>
    tpu.enqueue_dma source(%dma_start3A_174 : memref<4x4096xf32, #tpu.memory_space<hbm>>) target(%arg13 : memref<4x4096xf32, #tpu.memory_space<vmem>>) target_semaphore(%arg19 : memref<!tpu.dma_semaphore, #tpu.memory_space<semaphore_mem>>)
    %add3A_175 = arith.constant 229376 : i32
    %add3A_176 = arith.addi %add3A_70, %add3A_175 : i32
    %dma_start3A_177 = tpu.memref_slice %arg5[%add3A_176] : memref<17563648xf32, #tpu.memory_space<hbm>> -> memref<8192xf32, #tpu.memory_space<hbm>>
    %dma_start3A_178 = tpu.memref_slice %arg5[%add3A_176] : memref<17563648xf32, #tpu.memory_space<hbm>> -> memref<8192xf32, #tpu.memory_space<hbm>>
    tpu.enqueue_dma source(%arg14 : memref<8192xf32, #tpu.memory_space<vmem>>) target(%dma_start3A_178 : memref<8192xf32, #tpu.memory_space<hbm>>) target_semaphore(%arg20 : memref<!tpu.dma_semaphore, #tpu.memory_space<semaphore_mem>>)
    %add3A_179 = arith.constant 262144 : i32
    %add3A_180 = arith.addi %add3A_70, %add3A_179 : i32
    %dma_start3A_181 = tpu.memref_slice %arg5[%add3A_180] : memref<17563648xf32, #tpu.memory_space<hbm>> -> memref<8192xf32, #tpu.memory_space<hbm>>
    %dma_start3A_182 = tpu.memref_slice %arg5[%add3A_180] : memref<17563648xf32, #tpu.memory_space<hbm>> -> memref<8192xf32, #tpu.memory_space<hbm>>
    tpu.enqueue_dma source(%arg15 : memref<8192xf32, #tpu.memory_space<vmem>>) target(%dma_start3A_182 : memref<8192xf32, #tpu.memory_space<hbm>>) target_semaphore(%arg20 : memref<!tpu.dma_semaphore, #tpu.memory_space<semaphore_mem>>)
    %add3A_183 = arith.constant 294912 : i32
    %add3A_184 = arith.addi %add3A_70, %add3A_183 : i32
    %dma_start3A_185 = tpu.memref_slice %arg5[%add3A_184] : memref<17563648xf32, #tpu.memory_space<hbm>> -> memref<8192xf32, #tpu.memory_space<hbm>>
    %dma_start3A_186 = tpu.memref_slice %arg5[%add3A_184] : memref<17563648xf32, #tpu.memory_space<hbm>> -> memref<8192xf32, #tpu.memory_space<hbm>>
    tpu.enqueue_dma source(%arg16 : memref<8192xf32, #tpu.memory_space<vmem>>) target(%dma_start3A_186 : memref<8192xf32, #tpu.memory_space<hbm>>) target_semaphore(%arg20 : memref<!tpu.dma_semaphore, #tpu.memory_space<semaphore_mem>>)
    %add3A_187 = arith.constant 327680 : i32
    %add3A_188 = arith.addi %add3A_70, %add3A_187 : i32
    %dma_start3A_189 = tpu.memref_slice %arg5[%add3A_188] : memref<17563648xf32, #tpu.memory_space<hbm>> -> memref<8192xf32, #tpu.memory_space<hbm>>
    %dma_start3A_190 = tpu.memref_slice %arg5[%add3A_188] : memref<17563648xf32, #tpu.memory_space<hbm>> -> memref<8192xf32, #tpu.memory_space<hbm>>
    tpu.enqueue_dma source(%arg17 : memref<8192xf32, #tpu.memory_space<vmem>>) target(%dma_start3A_190 : memref<8192xf32, #tpu.memory_space<hbm>>) target_semaphore(%arg20 : memref<!tpu.dma_semaphore, #tpu.memory_space<semaphore_mem>>)
    %scan3A_191 = arith.constant 0 : i32
    %scan3A_192 = arith.constant 1 : i32
    %scan3A_193 = arith.constant 7 : i32
    %scan3A_194 = arith.addi %scan3A_192, %scan3A_193 : i32
    %scan3A_195 = arith.constant 1 : i32
    scf.for %scan3A_229 = %scan3A_192 to %scan3A_194 step %scan3A_195  : i32 {
      %mul3A_230 = arith.constant 2 : i32
      %mul3A_231 = arith.muli %mul3A_230, %scan3A_229 : i32
      %add3A_232 = arith.constant 0 : i32
      %add3A_233 = arith.addi %mul3A_231, %add3A_232 : i32
      %mul3A_234 = arith.constant 64 : i32
      %mul3A_235 = arith.muli %select_n3A, %mul3A_234 : i32
      %mul3A_236 = arith.constant 4 : i32
      %mul3A_237 = arith.muli %mul3A_236, %add3A_233 : i32
      %add3A_238 = arith.addi %mul3A_235, %mul3A_237 : i32
      %dma_wait3A_239 = arith.constant 0 : i32
      %dma_wait3A_240 = tpu.memref_slice %arg4[%add3A_238, %dma_wait3A_239] : memref<512x4096xf32, #tpu.memory_space<hbm>> -> memref<4x4096xf32, #tpu.memory_space<hbm>>
      %dma_wait3A_241 = arith.constant 0 : i32
      %dma_wait3A_242 = tpu.memref_slice %arg4[%add3A_238, %dma_wait3A_241] : memref<512x4096xf32, #tpu.memory_space<hbm>> -> memref<4x4096xf32, #tpu.memory_space<hbm>>
      tpu.wait_dma2 semaphore(%arg18 : memref<!tpu.dma_semaphore, #tpu.memory_space<semaphore_mem>>) src(%dma_wait3A_242 : memref<4x4096xf32, #tpu.memory_space<hbm>>) dst(%arg12 : memref<4x4096xf32, #tpu.memory_space<vmem>>)
      %sub3A_243 = arith.constant 1 : i32
      %sub3A_244 = arith.subi %add3A_233, %sub3A_243 : i32
      %mul3A_245 = arith.constant 4 : i32
      %mul3A_246 = arith.muli %mul3A_245, %sub3A_244 : i32
      %add3A_247 = arith.constant 3 : i32
      %add3A_248 = arith.addi %add3A_247, %mul3A_246 : i32
      %add3A_249 = arith.constant 0 : i32
      %add3A_250 = arith.addi %add3A_248, %add3A_249 : i32
      %mul3A_251 = arith.constant 32768 : i32
      %mul3A_252 = arith.muli %add3A_250, %mul3A_251 : i32
      %add3A_253 = arith.addi %add3A_70, %mul3A_252 : i32
      %dma_wait3A_254 = tpu.memref_slice %arg5[%add3A_253] : memref<17563648xf32, #tpu.memory_space<hbm>> -> memref<8192xf32, #tpu.memory_space<hbm>>
      %dma_wait3A_255 = tpu.memref_slice %arg5[%add3A_253] : memref<17563648xf32, #tpu.memory_space<hbm>> -> memref<8192xf32, #tpu.memory_space<hbm>>
      tpu.wait_dma2 semaphore(%arg20 : memref<!tpu.dma_semaphore, #tpu.memory_space<semaphore_mem>>) src(%arg14 : memref<8192xf32, #tpu.memory_space<vmem>>) dst(%dma_wait3A_255 : memref<8192xf32, #tpu.memory_space<hbm>>)
      %sub3A_256 = arith.constant 1 : i32
      %sub3A_257 = arith.subi %add3A_233, %sub3A_256 : i32
      %mul3A_258 = arith.constant 4 : i32
      %mul3A_259 = arith.muli %mul3A_258, %sub3A_257 : i32
      %add3A_260 = arith.constant 3 : i32
      %add3A_261 = arith.addi %add3A_260, %mul3A_259 : i32
      %add3A_262 = arith.constant 1 : i32
      %add3A_263 = arith.addi %add3A_261, %add3A_262 : i32
      %mul3A_264 = arith.constant 32768 : i32
      %mul3A_265 = arith.muli %add3A_263, %mul3A_264 : i32
      %add3A_266 = arith.addi %add3A_70, %mul3A_265 : i32
      %dma_wait3A_267 = tpu.memref_slice %arg5[%add3A_266] : memref<17563648xf32, #tpu.memory_space<hbm>> -> memref<8192xf32, #tpu.memory_space<hbm>>
      %dma_wait3A_268 = tpu.memref_slice %arg5[%add3A_266] : memref<17563648xf32, #tpu.memory_space<hbm>> -> memref<8192xf32, #tpu.memory_space<hbm>>
      tpu.wait_dma2 semaphore(%arg20 : memref<!tpu.dma_semaphore, #tpu.memory_space<semaphore_mem>>) src(%arg15 : memref<8192xf32, #tpu.memory_space<vmem>>) dst(%dma_wait3A_268 : memref<8192xf32, #tpu.memory_space<hbm>>)
      %sub3A_269 = arith.constant 1 : i32
      %sub3A_270 = arith.subi %add3A_233, %sub3A_269 : i32
      %mul3A_271 = arith.constant 4 : i32
      %mul3A_272 = arith.muli %mul3A_271, %sub3A_270 : i32
      %add3A_273 = arith.constant 3 : i32
      %add3A_274 = arith.addi %add3A_273, %mul3A_272 : i32
      %add3A_275 = arith.constant 2 : i32
      %add3A_276 = arith.addi %add3A_274, %add3A_275 : i32
      %mul3A_277 = arith.constant 32768 : i32
      %mul3A_278 = arith.muli %add3A_276, %mul3A_277 : i32
      %add3A_279 = arith.addi %add3A_70, %mul3A_278 : i32
      %dma_wait3A_280 = tpu.memref_slice %arg5[%add3A_279] : memref<17563648xf32, #tpu.memory_space<hbm>> -> memref<8192xf32, #tpu.memory_space<hbm>>
      %dma_wait3A_281 = tpu.memref_slice %arg5[%add3A_279] : memref<17563648xf32, #tpu.memory_space<hbm>> -> memref<8192xf32, #tpu.memory_space<hbm>>
      tpu.wait_dma2 semaphore(%arg20 : memref<!tpu.dma_semaphore, #tpu.memory_space<semaphore_mem>>) src(%arg16 : memref<8192xf32, #tpu.memory_space<vmem>>) dst(%dma_wait3A_281 : memref<8192xf32, #tpu.memory_space<hbm>>)
      %sub3A_282 = arith.constant 1 : i32
      %sub3A_283 = arith.subi %add3A_233, %sub3A_282 : i32
      %mul3A_284 = arith.constant 4 : i32
      %mul3A_285 = arith.muli %mul3A_284, %sub3A_283 : i32
      %add3A_286 = arith.constant 3 : i32
      %add3A_287 = arith.addi %add3A_286, %mul3A_285 : i32
      %add3A_288 = arith.constant 3 : i32
      %add3A_289 = arith.addi %add3A_287, %add3A_288 : i32
      %mul3A_290 = arith.constant 32768 : i32
      %mul3A_291 = arith.muli %add3A_289, %mul3A_290 : i32
      %add3A_292 = arith.addi %add3A_70, %mul3A_291 : i32
      %dma_wait3A_293 = tpu.memref_slice %arg5[%add3A_292] : memref<17563648xf32, #tpu.memory_space<hbm>> -> memref<8192xf32, #tpu.memory_space<hbm>>
      %dma_wait3A_294 = tpu.memref_slice %arg5[%add3A_292] : memref<17563648xf32, #tpu.memory_space<hbm>> -> memref<8192xf32, #tpu.memory_space<hbm>>
      tpu.wait_dma2 semaphore(%arg20 : memref<!tpu.dma_semaphore, #tpu.memory_space<semaphore_mem>>) src(%arg17 : memref<8192xf32, #tpu.memory_space<vmem>>) dst(%dma_wait3A_294 : memref<8192xf32, #tpu.memory_space<hbm>>)
      %scan3A_295 = arith.constant 0 : i32
      %scan3A_296 = arith.constant 0 : i32
      %scan3A_297 = arith.constant 512 : i32
      %scan3A_298 = arith.addi %scan3A_296, %scan3A_297 : i32
      %scan3A_299 = arith.constant 8 : i32
      scf.for %scan3A_485 = %scan3A_296 to %scan3A_298 step %scan3A_299  : i32 {
        %mul3A_486 = arith.constant 16 : i32
        %mul3A_487 = arith.muli %scan3A_485, %mul3A_486 : i32
        %get3A = arith.index_cast %mul3A_487 : i32 to index
        %get3A_488 = tpu.vector_load %arg10[%get3A] {strides = array<i32>} : memref<8192xi32, #tpu.memory_space<vmem>>, vector<16xi32>,
        %gather3A = tpu.vector_load_idx %arg12[%broadcast_in_dim3A_78, %get3A_488] : memref<4x4096xf32, #tpu.memory_space<vmem>>[vector<16xi32>, vector<16xi32>], vector<16xf32>,
        %mul3A_489 = arith.constant 16 : i32
        %mul3A_490 = arith.muli %scan3A_485, %mul3A_489 : i32
        %swap3A = arith.index_cast %mul3A_490 : i32 to index
        %swap3A_491 = tpu.vector_load %arg14[%swap3A] {strides = array<i32>} : memref<8192xf32, #tpu.memory_space<vmem>>, vector<16xf32>,
        tpu.vector_store %arg14[%swap3A], %gather3A {strides = array<i32>} : memref<8192xf32, #tpu.memory_space<vmem>>, vector<16xf32>,
        %gather3A_492 = tpu.vector_load_idx %arg12[%broadcast_in_dim3A_80, %get3A_488] : memref<4x4096xf32, #tpu.memory_space<vmem>>[vector<16xi32>, vector<16xi32>], vector<16xf32>,
        %mul3A_493 = arith.constant 16 : i32
        %mul3A_494 = arith.muli %scan3A_485, %mul3A_493 : i32
        %swap3A_495 = arith.index_cast %mul3A_494 : i32 to index
        %swap3A_496 = tpu.vector_load %arg15[%swap3A_495] {strides = array<i32>} : memref<8192xf32, #tpu.memory_space<vmem>>, vector<16xf32>,
        tpu.vector_store %arg15[%swap3A_495], %gather3A_492 {strides = array<i32>} : memref<8192xf32, #tpu.memory_space<vmem>>, vector<16xf32>,
        %gather3A_497 = tpu.vector_load_idx %arg12[%broadcast_in_dim3A_82, %get3A_488] : memref<4x4096xf32, #tpu.memory_space<vmem>>[vector<16xi32>, vector<16xi32>], vector<16xf32>,
        %mul3A_498 = arith.constant 16 : i32
        %mul3A_499 = arith.muli %scan3A_485, %mul3A_498 : i32
        %swap3A_500 = arith.index_cast %mul3A_499 : i32 to index
        %swap3A_501 = tpu.vector_load %arg16[%swap3A_500] {strides = array<i32>} : memref<8192xf32, #tpu.memory_space<vmem>>, vector<16xf32>,
        tpu.vector_store %arg16[%swap3A_500], %gather3A_497 {strides = array<i32>} : memref<8192xf32, #tpu.memory_space<vmem>>, vector<16xf32>,
        %gather3A_502 = tpu.vector_load_idx %arg12[%broadcast_in_dim3A_84, %get3A_488] : memref<4x4096xf32, #tpu.memory_space<vmem>>[vector<16xi32>, vector<16xi32>], vector<16xf32>,
        %mul3A_503 = arith.constant 16 : i32
        %mul3A_504 = arith.muli %scan3A_485, %mul3A_503 : i32
        %swap3A_505 = arith.index_cast %mul3A_504 : i32 to index
        %swap3A_506 = tpu.vector_load %arg17[%swap3A_505] {strides = array<i32>} : memref<8192xf32, #tpu.memory_space<vmem>>, vector<16xf32>,
        tpu.vector_store %arg17[%swap3A_505], %gather3A_502 {strides = array<i32>} : memref<8192xf32, #tpu.memory_space<vmem>>, vector<16xf32>,
        %scan3A_507 = arith.constant 1 : i32
        %scan3A_508 = arith.addi %scan3A_485, %scan3A_507 : i32
        %mul3A_509 = arith.constant 16 : i32
        %mul3A_510 = arith.muli %scan3A_508, %mul3A_509 : i32
        %get3A_511 = arith.index_cast %mul3A_510 : i32 to index
        %get3A_512 = tpu.vector_load %arg10[%get3A_511] {strides = array<i32>} : memref<8192xi32, #tpu.memory_space<vmem>>, vector<16xi32>,
        %gather3A_513 = tpu.vector_load_idx %arg12[%broadcast_in_dim3A_78, %get3A_512] : memref<4x4096xf32, #tpu.memory_space<vmem>>[vector<16xi32>, vector<16xi32>], vector<16xf32>,
        %mul3A_514 = arith.constant 16 : i32
        %mul3A_515 = arith.muli %scan3A_508, %mul3A_514 : i32
        %swap3A_516 = arith.index_cast %mul3A_515 : i32 to index
        %swap3A_517 = tpu.vector_load %arg14[%swap3A_516] {strides = array<i32>} : memref<8192xf32, #tpu.memory_space<vmem>>, vector<16xf32>,
        tpu.vector_store %arg14[%swap3A_516], %gather3A_513 {strides = array<i32>} : memref<8192xf32, #tpu.memory_space<vmem>>, vector<16xf32>,
        %gather3A_518 = tpu.vector_load_idx %arg12[%broadcast_in_dim3A_80, %get3A_512] : memref<4x4096xf32, #tpu.memory_space<vmem>>[vector<16xi32>, vector<16xi32>], vector<16xf32>,
        %mul3A_519 = arith.constant 16 : i32
        %mul3A_520 = arith.muli %scan3A_508, %mul3A_519 : i32
        %swap3A_521 = arith.index_cast %mul3A_520 : i32 to index
        %swap3A_522 = tpu.vector_load %arg15[%swap3A_521] {strides = array<i32>} : memref<8192xf32, #tpu.memory_space<vmem>>, vector<16xf32>,
        tpu.vector_store %arg15[%swap3A_521], %gather3A_518 {strides = array<i32>} : memref<8192xf32, #tpu.memory_space<vmem>>, vector<16xf32>,
        %gather3A_523 = tpu.vector_load_idx %arg12[%broadcast_in_dim3A_82, %get3A_512] : memref<4x4096xf32, #tpu.memory_space<vmem>>[vector<16xi32>, vector<16xi32>], vector<16xf32>,
        %mul3A_524 = arith.constant 16 : i32
        %mul3A_525 = arith.muli %scan3A_508, %mul3A_524 : i32
        %swap3A_526 = arith.index_cast %mul3A_525 : i32 to index
        %swap3A_527 = tpu.vector_load %arg16[%swap3A_526] {strides = array<i32>} : memref<8192xf32, #tpu.memory_space<vmem>>, vector<16xf32>,
        tpu.vector_store %arg16[%swap3A_526], %gather3A_523 {strides = array<i32>} : memref<8192xf32, #tpu.memory_space<vmem>>, vector<16xf32>,
        %gather3A_528 = tpu.vector_load_idx %arg12[%broadcast_in_dim3A_84, %get3A_512] : memref<4x4096xf32, #tpu.memory_space<vmem>>[vector<16xi32>, vector<16xi32>], vector<16xf32>,
        %mul3A_529 = arith.constant 16 : i32
        %mul3A_530 = arith.muli %scan3A_508, %mul3A_529 : i32
        %swap3A_531 = arith.index_cast %mul3A_530 : i32 to index
        %swap3A_532 = tpu.vector_load %arg17[%swap3A_531] {strides = array<i32>} : memref<8192xf32, #tpu.memory_space<vmem>>, vector<16xf32>,
        tpu.vector_store %arg17[%swap3A_531], %gather3A_528 {strides = array<i32>} : memref<8192xf32, #tpu.memory_space<vmem>>, vector<16xf32>,
        %scan3A_533 = arith.constant 2 : i32
        %scan3A_534 = arith.addi %scan3A_485, %scan3A_533 : i32
        %mul3A_535 = arith.constant 16 : i32
        %mul3A_536 = arith.muli %scan3A_534, %mul3A_535 : i32
        %get3A_537 = arith.index_cast %mul3A_536 : i32 to index
        %get3A_538 = tpu.vector_load %arg10[%get3A_537] {strides = array<i32>} : memref<8192xi32, #tpu.memory_space<vmem>>, vector<16xi32>,
        %gather3A_539 = tpu.vector_load_idx %arg12[%broadcast_in_dim3A_78, %get3A_538] : memref<4x4096xf32, #tpu.memory_space<vmem>>[vector<16xi32>, vector<16xi32>], vector<16xf32>,
        %mul3A_540 = arith.constant 16 : i32
        %mul3A_541 = arith.muli %scan3A_534, %mul3A_540 : i32
        %swap3A_542 = arith.index_cast %mul3A_541 : i32 to index
        %swap3A_543 = tpu.vector_load %arg14[%swap3A_542] {strides = array<i32>} : memref<8192xf32, #tpu.memory_space<vmem>>, vector<16xf32>,
        tpu.vector_store %arg14[%swap3A_542], %gather3A_539 {strides = array<i32>} : memref<8192xf32, #tpu.memory_space<vmem>>, vector<16xf32>,
        %gather3A_544 = tpu.vector_load_idx %arg12[%broadcast_in_dim3A_80, %get3A_538] : memref<4x4096xf32, #tpu.memory_space<vmem>>[vector<16xi32>, vector<16xi32>], vector<16xf32>,
        %mul3A_545 = arith.constant 16 : i32
        %mul3A_546 = arith.muli %scan3A_534, %mul3A_545 : i32
        %swap3A_547 = arith.index_cast %mul3A_546 : i32 to index
        %swap3A_548 = tpu.vector_load %arg15[%swap3A_547] {strides = array<i32>} : memref<8192xf32, #tpu.memory_space<vmem>>, vector<16xf32>,
        tpu.vector_store %arg15[%swap3A_547], %gather3A_544 {strides = array<i32>} : memref<8192xf32, #tpu.memory_space<vmem>>, vector<16xf32>,
        %gather3A_549 = tpu.vector_load_idx %arg12[%broadcast_in_dim3A_82, %get3A_538] : memref<4x4096xf32, #tpu.memory_space<vmem>>[vector<16xi32>, vector<16xi32>], vector<16xf32>,
        %mul3A_550 = arith.constant 16 : i32
        %mul3A_551 = arith.muli %scan3A_534, %mul3A_550 : i32
        %swap3A_552 = arith.index_cast %mul3A_551 : i32 to index
        %swap3A_553 = tpu.vector_load %arg16[%swap3A_552] {strides = array<i32>} : memref<8192xf32, #tpu.memory_space<vmem>>, vector<16xf32>,
        tpu.vector_store %arg16[%swap3A_552], %gather3A_549 {strides = array<i32>} : memref<8192xf32, #tpu.memory_space<vmem>>, vector<16xf32>,
        %gather3A_554 = tpu.vector_load_idx %arg12[%broadcast_in_dim3A_84, %get3A_538] : memref<4x4096xf32, #tpu.memory_space<vmem>>[vector<16xi32>, vector<16xi32>], vector<16xf32>,
        %mul3A_555 = arith.constant 16 : i32
        %mul3A_556 = arith.muli %scan3A_534, %mul3A_555 : i32
        %swap3A_557 = arith.index_cast %mul3A_556 : i32 to index
        %swap3A_558 = tpu.vector_load %arg17[%swap3A_557] {strides = array<i32>} : memref<8192xf32, #tpu.memory_space<vmem>>, vector<16xf32>,
        tpu.vector_store %arg17[%swap3A_557], %gather3A_554 {strides = array<i32>} : memref<8192xf32, #tpu.memory_space<vmem>>, vector<16xf32>,
        %scan3A_559 = arith.constant 3 : i32
        %scan3A_560 = arith.addi %scan3A_485, %scan3A_559 : i32
        %mul3A_561 = arith.constant 16 : i32
        %mul3A_562 = arith.muli %scan3A_560, %mul3A_561 : i32
        %get3A_563 = arith.index_cast %mul3A_562 : i32 to index
        %get3A_564 = tpu.vector_load %arg10[%get3A_563] {strides = array<i32>} : memref<8192xi32, #tpu.memory_space<vmem>>, vector<16xi32>,
        %gather3A_565 = tpu.vector_load_idx %arg12[%broadcast_in_dim3A_78, %get3A_564] : memref<4x4096xf32, #tpu.memory_space<vmem>>[vector<16xi32>, vector<16xi32>], vector<16xf32>,
        %mul3A_566 = arith.constant 16 : i32
        %mul3A_567 = arith.muli %scan3A_560, %mul3A_566 : i32
        %swap3A_568 = arith.index_cast %mul3A_567 : i32 to index
        %swap3A_569 = tpu.vector_load %arg14[%swap3A_568] {strides = array<i32>} : memref<8192xf32, #tpu.memory_space<vmem>>, vector<16xf32>,
        tpu.vector_store %arg14[%swap3A_568], %gather3A_565 {strides = array<i32>} : memref<8192xf32, #tpu.memory_space<vmem>>, vector<16xf32>,
        %gather3A_570 = tpu.vector_load_idx %arg12[%broadcast_in_dim3A_80, %get3A_564] : memref<4x4096xf32, #tpu.memory_space<vmem>>[vector<16xi32>, vector<16xi32>], vector<16xf32>,
        %mul3A_571 = arith.constant 16 : i32
        %mul3A_572 = arith.muli %scan3A_560, %mul3A_571 : i32
        %swap3A_573 = arith.index_cast %mul3A_572 : i32 to index
        %swap3A_574 = tpu.vector_load %arg15[%swap3A_573] {strides = array<i32>} : memref<8192xf32, #tpu.memory_space<vmem>>, vector<16xf32>,
        tpu.vector_store %arg15[%swap3A_573], %gather3A_570 {strides = array<i32>} : memref<8192xf32, #tpu.memory_space<vmem>>, vector<16xf32>,
        %gather3A_575 = tpu.vector_load_idx %arg12[%broadcast_in_dim3A_82, %get3A_564] : memref<4x4096xf32, #tpu.memory_space<vmem>>[vector<16xi32>, vector<16xi32>], vector<16xf32>,
        %mul3A_576 = arith.constant 16 : i32
        %mul3A_577 = arith.muli %scan3A_560, %mul3A_576 : i32
        %swap3A_578 = arith.index_cast %mul3A_577 : i32 to index
        %swap3A_579 = tpu.vector_load %arg16[%swap3A_578] {strides = array<i32>} : memref<8192xf32, #tpu.memory_space<vmem>>, vector<16xf32>,
        tpu.vector_store %arg16[%swap3A_578], %gather3A_575 {strides = array<i32>} : memref<8192xf32, #tpu.memory_space<vmem>>, vector<16xf32>,
        %gather3A_580 = tpu.vector_load_idx %arg12[%broadcast_in_dim3A_84, %get3A_564] : memref<4x4096xf32, #tpu.memory_space<vmem>>[vector<16xi32>, vector<16xi32>], vector<16xf32>,
        %mul3A_581 = arith.constant 16 : i32
        %mul3A_582 = arith.muli %scan3A_560, %mul3A_581 : i32
        %swap3A_583 = arith.index_cast %mul3A_582 : i32 to index
        %swap3A_584 = tpu.vector_load %arg17[%swap3A_583] {strides = array<i32>} : memref<8192xf32, #tpu.memory_space<vmem>>, vector<16xf32>,
        tpu.vector_store %arg17[%swap3A_583], %gather3A_580 {strides = array<i32>} : memref<8192xf32, #tpu.memory_space<vmem>>, vector<16xf32>,
        %scan3A_585 = arith.constant 4 : i32
        %scan3A_586 = arith.addi %scan3A_485, %scan3A_585 : i32
        %mul3A_587 = arith.constant 16 : i32
        %mul3A_588 = arith.muli %scan3A_586, %mul3A_587 : i32
        %get3A_589 = arith.index_cast %mul3A_588 : i32 to index
        %get3A_590 = tpu.vector_load %arg10[%get3A_589] {strides = array<i32>} : memref<8192xi32, #tpu.memory_space<vmem>>, vector<16xi32>,
        %gather3A_591 = tpu.vector_load_idx %arg12[%broadcast_in_dim3A_78, %get3A_590] : memref<4x4096xf32, #tpu.memory_space<vmem>>[vector<16xi32>, vector<16xi32>], vector<16xf32>,
        %mul3A_592 = arith.constant 16 : i32
        %mul3A_593 = arith.muli %scan3A_586, %mul3A_592 : i32
        %swap3A_594 = arith.index_cast %mul3A_593 : i32 to index
        %swap3A_595 = tpu.vector_load %arg14[%swap3A_594] {strides = array<i32>} : memref<8192xf32, #tpu.memory_space<vmem>>, vector<16xf32>,
        tpu.vector_store %arg14[%swap3A_594], %gather3A_591 {strides = array<i32>} : memref<8192xf32, #tpu.memory_space<vmem>>, vector<16xf32>,
        %gather3A_596 = tpu.vector_load_idx %arg12[%broadcast_in_dim3A_80, %get3A_590] : memref<4x4096xf32, #tpu.memory_space<vmem>>[vector<16xi32>, vector<16xi32>], vector<16xf32>,
        %mul3A_597 = arith.constant 16 : i32
        %mul3A_598 = arith.muli %scan3A_586, %mul3A_597 : i32
        %swap3A_599 = arith.index_cast %mul3A_598 : i32 to index
        %swap3A_600 = tpu.vector_load %arg15[%swap3A_599] {strides = array<i32>} : memref<8192xf32, #tpu.memory_space<vmem>>, vector<16xf32>,
        tpu.vector_store %arg15[%swap3A_599], %gather3A_596 {strides = array<i32>} : memref<8192xf32, #tpu.memory_space<vmem>>, vector<16xf32>,
        %gather3A_601 = tpu.vector_load_idx %arg12[%broadcast_in_dim3A_82, %get3A_590] : memref<4x4096xf32, #tpu.memory_space<vmem>>[vector<16xi32>, vector<16xi32>], vector<16xf32>,
        %mul3A_602 = arith.constant 16 : i32
        %mul3A_603 = arith.muli %scan3A_586, %mul3A_602 : i32
        %swap3A_604 = arith.index_cast %mul3A_603 : i32 to index
        %swap3A_605 = tpu.vector_load %arg16[%swap3A_604] {strides = array<i32>} : memref<8192xf32, #tpu.memory_space<vmem>>, vector<16xf32>,
        tpu.vector_store %arg16[%swap3A_604], %gather3A_601 {strides = array<i32>} : memref<8192xf32, #tpu.memory_space<vmem>>, vector<16xf32>,
        %gather3A_606 = tpu.vector_load_idx %arg12[%broadcast_in_dim3A_84, %get3A_590] : memref<4x4096xf32, #tpu.memory_space<vmem>>[vector<16xi32>, vector<16xi32>], vector<16xf32>,
        %mul3A_607 = arith.constant 16 : i32
        %mul3A_608 = arith.muli %scan3A_586, %mul3A_607 : i32
        %swap3A_609 = arith.index_cast %mul3A_608 : i32 to index
        %swap3A_610 = tpu.vector_load %arg17[%swap3A_609] {strides = array<i32>} : memref<8192xf32, #tpu.memory_space<vmem>>, vector<16xf32>,
        tpu.vector_store %arg17[%swap3A_609], %gather3A_606 {strides = array<i32>} : memref<8192xf32, #tpu.memory_space<vmem>>, vector<16xf32>,
        %scan3A_611 = arith.constant 5 : i32
        %scan3A_612 = arith.addi %scan3A_485, %scan3A_611 : i32
        %mul3A_613 = arith.constant 16 : i32
        %mul3A_614 = arith.muli %scan3A_612, %mul3A_613 : i32
        %get3A_615 = arith.index_cast %mul3A_614 : i32 to index
        %get3A_616 = tpu.vector_load %arg10[%get3A_615] {strides = array<i32>} : memref<8192xi32, #tpu.memory_space<vmem>>, vector<16xi32>,
        %gather3A_617 = tpu.vector_load_idx %arg12[%broadcast_in_dim3A_78, %get3A_616] : memref<4x4096xf32, #tpu.memory_space<vmem>>[vector<16xi32>, vector<16xi32>], vector<16xf32>,
        %mul3A_618 = arith.constant 16 : i32
        %mul3A_619 = arith.muli %scan3A_612, %mul3A_618 : i32
        %swap3A_620 = arith.index_cast %mul3A_619 : i32 to index
        %swap3A_621 = tpu.vector_load %arg14[%swap3A_620] {strides = array<i32>} : memref<8192xf32, #tpu.memory_space<vmem>>, vector<16xf32>,
        tpu.vector_store %arg14[%swap3A_620], %gather3A_617 {strides = array<i32>} : memref<8192xf32, #tpu.memory_space<vmem>>, vector<16xf32>,
        %gather3A_622 = tpu.vector_load_idx %arg12[%broadcast_in_dim3A_80, %get3A_616] : memref<4x4096xf32, #tpu.memory_space<vmem>>[vector<16xi32>, vector<16xi32>], vector<16xf32>,
        %mul3A_623 = arith.constant 16 : i32
        %mul3A_624 = arith.muli %scan3A_612, %mul3A_623 : i32
        %swap3A_625 = arith.index_cast %mul3A_624 : i32 to index
        %swap3A_626 = tpu.vector_load %arg15[%swap3A_625] {strides = array<i32>} : memref<8192xf32, #tpu.memory_space<vmem>>, vector<16xf32>,
        tpu.vector_store %arg15[%swap3A_625], %gather3A_622 {strides = array<i32>} : memref<8192xf32, #tpu.memory_space<vmem>>, vector<16xf32>,
        %gather3A_627 = tpu.vector_load_idx %arg12[%broadcast_in_dim3A_82, %get3A_616] : memref<4x4096xf32, #tpu.memory_space<vmem>>[vector<16xi32>, vector<16xi32>], vector<16xf32>,
        %mul3A_628 = arith.constant 16 : i32
        %mul3A_629 = arith.muli %scan3A_612, %mul3A_628 : i32
        %swap3A_630 = arith.index_cast %mul3A_629 : i32 to index
        %swap3A_631 = tpu.vector_load %arg16[%swap3A_630] {strides = array<i32>} : memref<8192xf32, #tpu.memory_space<vmem>>, vector<16xf32>,
        tpu.vector_store %arg16[%swap3A_630], %gather3A_627 {strides = array<i32>} : memref<8192xf32, #tpu.memory_space<vmem>>, vector<16xf32>,
        %gather3A_632 = tpu.vector_load_idx %arg12[%broadcast_in_dim3A_84, %get3A_616] : memref<4x4096xf32, #tpu.memory_space<vmem>>[vector<16xi32>, vector<16xi32>], vector<16xf32>,
        %mul3A_633 = arith.constant 16 : i32
        %mul3A_634 = arith.muli %scan3A_612, %mul3A_633 : i32
        %swap3A_635 = arith.index_cast %mul3A_634 : i32 to index
        %swap3A_636 = tpu.vector_load %arg17[%swap3A_635] {strides = array<i32>} : memref<8192xf32, #tpu.memory_space<vmem>>, vector<16xf32>,
        tpu.vector_store %arg17[%swap3A_635], %gather3A_632 {strides = array<i32>} : memref<8192xf32, #tpu.memory_space<vmem>>, vector<16xf32>,
        %scan3A_637 = arith.constant 6 : i32
        %scan3A_638 = arith.addi %scan3A_485, %scan3A_637 : i32
        %mul3A_639 = arith.constant 16 : i32
        %mul3A_640 = arith.muli %scan3A_638, %mul3A_639 : i32
        %get3A_641 = arith.index_cast %mul3A_640 : i32 to index
        %get3A_642 = tpu.vector_load %arg10[%get3A_641] {strides = array<i32>} : memref<8192xi32, #tpu.memory_space<vmem>>, vector<16xi32>,
        %gather3A_643 = tpu.vector_load_idx %arg12[%broadcast_in_dim3A_78, %get3A_642] : memref<4x4096xf32, #tpu.memory_space<vmem>>[vector<16xi32>, vector<16xi32>], vector<16xf32>,
        %mul3A_644 = arith.constant 16 : i32
        %mul3A_645 = arith.muli %scan3A_638, %mul3A_644 : i32
        %swap3A_646 = arith.index_cast %mul3A_645 : i32 to index
        %swap3A_647 = tpu.vector_load %arg14[%swap3A_646] {strides = array<i32>} : memref<8192xf32, #tpu.memory_space<vmem>>, vector<16xf32>,
        tpu.vector_store %arg14[%swap3A_646], %gather3A_643 {strides = array<i32>} : memref<8192xf32, #tpu.memory_space<vmem>>, vector<16xf32>,
        %gather3A_648 = tpu.vector_load_idx %arg12[%broadcast_in_dim3A_80, %get3A_642] : memref<4x4096xf32, #tpu.memory_space<vmem>>[vector<16xi32>, vector<16xi32>], vector<16xf32>,
        %mul3A_649 = arith.constant 16 : i32
        %mul3A_650 = arith.muli %scan3A_638, %mul3A_649 : i32
        %swap3A_651 = arith.index_cast %mul3A_650 : i32 to index
        %swap3A_652 = tpu.vector_load %arg15[%swap3A_651] {strides = array<i32>} : memref<8192xf32, #tpu.memory_space<vmem>>, vector<16xf32>,
        tpu.vector_store %arg15[%swap3A_651], %gather3A_648 {strides = array<i32>} : memref<8192xf32, #tpu.memory_space<vmem>>, vector<16xf32>,
        %gather3A_653 = tpu.vector_load_idx %arg12[%broadcast_in_dim3A_82, %get3A_642] : memref<4x4096xf32, #tpu.memory_space<vmem>>[vector<16xi32>, vector<16xi32>], vector<16xf32>,
        %mul3A_654 = arith.constant 16 : i32
        %mul3A_655 = arith.muli %scan3A_638, %mul3A_654 : i32
        %swap3A_656 = arith.index_cast %mul3A_655 : i32 to index
        %swap3A_657 = tpu.vector_load %arg16[%swap3A_656] {strides = array<i32>} : memref<8192xf32, #tpu.memory_space<vmem>>, vector<16xf32>,
        tpu.vector_store %arg16[%swap3A_656], %gather3A_653 {strides = array<i32>} : memref<8192xf32, #tpu.memory_space<vmem>>, vector<16xf32>,
        %gather3A_658 = tpu.vector_load_idx %arg12[%broadcast_in_dim3A_84, %get3A_642] : memref<4x4096xf32, #tpu.memory_space<vmem>>[vector<16xi32>, vector<16xi32>], vector<16xf32>,
        %mul3A_659 = arith.constant 16 : i32
        %mul3A_660 = arith.muli %scan3A_638, %mul3A_659 : i32
        %swap3A_661 = arith.index_cast %mul3A_660 : i32 to index
        %swap3A_662 = tpu.vector_load %arg17[%swap3A_661] {strides = array<i32>} : memref<8192xf32, #tpu.memory_space<vmem>>, vector<16xf32>,
        tpu.vector_store %arg17[%swap3A_661], %gather3A_658 {strides = array<i32>} : memref<8192xf32, #tpu.memory_space<vmem>>, vector<16xf32>,
        %scan3A_663 = arith.constant 7 : i32
        %scan3A_664 = arith.addi %scan3A_485, %scan3A_663 : i32
        %mul3A_665 = arith.constant 16 : i32
        %mul3A_666 = arith.muli %scan3A_664, %mul3A_665 : i32
        %get3A_667 = arith.index_cast %mul3A_666 : i32 to index
        %get3A_668 = tpu.vector_load %arg10[%get3A_667] {strides = array<i32>} : memref<8192xi32, #tpu.memory_space<vmem>>, vector<16xi32>,
        %gather3A_669 = tpu.vector_load_idx %arg12[%broadcast_in_dim3A_78, %get3A_668] : memref<4x4096xf32, #tpu.memory_space<vmem>>[vector<16xi32>, vector<16xi32>], vector<16xf32>,
        %mul3A_670 = arith.constant 16 : i32
        %mul3A_671 = arith.muli %scan3A_664, %mul3A_670 : i32
        %swap3A_672 = arith.index_cast %mul3A_671 : i32 to index
        %swap3A_673 = tpu.vector_load %arg14[%swap3A_672] {strides = array<i32>} : memref<8192xf32, #tpu.memory_space<vmem>>, vector<16xf32>,
        tpu.vector_store %arg14[%swap3A_672], %gather3A_669 {strides = array<i32>} : memref<8192xf32, #tpu.memory_space<vmem>>, vector<16xf32>,
        %gather3A_674 = tpu.vector_load_idx %arg12[%broadcast_in_dim3A_80, %get3A_668] : memref<4x4096xf32, #tpu.memory_space<vmem>>[vector<16xi32>, vector<16xi32>], vector<16xf32>,
        %mul3A_675 = arith.constant 16 : i32
        %mul3A_676 = arith.muli %scan3A_664, %mul3A_675 : i32
        %swap3A_677 = arith.index_cast %mul3A_676 : i32 to index
        %swap3A_678 = tpu.vector_load %arg15[%swap3A_677] {strides = array<i32>} : memref<8192xf32, #tpu.memory_space<vmem>>, vector<16xf32>,
        tpu.vector_store %arg15[%swap3A_677], %gather3A_674 {strides = array<i32>} : memref<8192xf32, #tpu.memory_space<vmem>>, vector<16xf32>,
        %gather3A_679 = tpu.vector_load_idx %arg12[%broadcast_in_dim3A_82, %get3A_668] : memref<4x4096xf32, #tpu.memory_space<vmem>>[vector<16xi32>, vector<16xi32>], vector<16xf32>,
        %mul3A_680 = arith.constant 16 : i32
        %mul3A_681 = arith.muli %scan3A_664, %mul3A_680 : i32
        %swap3A_682 = arith.index_cast %mul3A_681 : i32 to index
        %swap3A_683 = tpu.vector_load %arg16[%swap3A_682] {strides = array<i32>} : memref<8192xf32, #tpu.memory_space<vmem>>, vector<16xf32>,
        tpu.vector_store %arg16[%swap3A_682], %gather3A_679 {strides = array<i32>} : memref<8192xf32, #tpu.memory_space<vmem>>, vector<16xf32>,
        %gather3A_684 = tpu.vector_load_idx %arg12[%broadcast_in_dim3A_84, %get3A_668] : memref<4x4096xf32, #tpu.memory_space<vmem>>[vector<16xi32>, vector<16xi32>], vector<16xf32>,
        %mul3A_685 = arith.constant 16 : i32
        %mul3A_686 = arith.muli %scan3A_664, %mul3A_685 : i32
        %swap3A_687 = arith.index_cast %mul3A_686 : i32 to index
        %swap3A_688 = tpu.vector_load %arg17[%swap3A_687] {strides = array<i32>} : memref<8192xf32, #tpu.memory_space<vmem>>, vector<16xf32>,
        tpu.vector_store %arg17[%swap3A_687], %gather3A_684 {strides = array<i32>} : memref<8192xf32, #tpu.memory_space<vmem>>, vector<16xf32>,
      }
      %scan3A_300 = arith.constant 512 : i32
      %add3A_301 = arith.constant 2 : i32
      %add3A_302 = arith.addi %add3A_233, %add3A_301 : i32
      %min3A = arith.constant 14 : i32
      %min3A_303 = arith.minsi %add3A_302, %min3A : i32
      %mul3A_304 = arith.constant 64 : i32
      %mul3A_305 = arith.muli %select_n3A, %mul3A_304 : i32
      %mul3A_306 = arith.constant 4 : i32
      %mul3A_307 = arith.muli %mul3A_306, %min3A_303 : i32
      %add3A_308 = arith.addi %mul3A_305, %mul3A_307 : i32
      %dma_start3A_309 = arith.constant 0 : i32
      %dma_start3A_310 = tpu.memref_slice %arg4[%add3A_308, %dma_start3A_309] : memref<512x4096xf32, #tpu.memory_space<hbm>> -> memref<4x4096xf32, #tpu.memory_space<hbm>>
      %dma_start3A_311 = arith.constant 0 : i32
      %dma_start3A_312 = tpu.memref_slice %arg4[%add3A_308, %dma_start3A_311] : memref<512x4096xf32, #tpu.memory_space<hbm>> -> memref<4x4096xf32, #tpu.memory_space<hbm>>
      tpu.enqueue_dma source(%dma_start3A_312 : memref<4x4096xf32, #tpu.memory_space<hbm>>) target(%arg12 : memref<4x4096xf32, #tpu.memory_space<vmem>>) target_semaphore(%arg18 : memref<!tpu.dma_semaphore, #tpu.memory_space<semaphore_mem>>)
      %mul3A_313 = arith.constant 4 : i32
      %mul3A_314 = arith.muli %mul3A_313, %add3A_233 : i32
      %add3A_315 = arith.constant 3 : i32
      %add3A_316 = arith.addi %add3A_315, %mul3A_314 : i32
      %add3A_317 = arith.constant 0 : i32
      %add3A_318 = arith.addi %add3A_316, %add3A_317 : i32
      %mul3A_319 = arith.constant 32768 : i32
      %mul3A_320 = arith.muli %add3A_318, %mul3A_319 : i32
      %add3A_321 = arith.addi %add3A_70, %mul3A_320 : i32
      %dma_start3A_322 = tpu.memref_slice %arg5[%add3A_321] : memref<17563648xf32, #tpu.memory_space<hbm>> -> memref<8192xf32, #tpu.memory_space<hbm>>
      %dma_start3A_323 = tpu.memref_slice %arg5[%add3A_321] : memref<17563648xf32, #tpu.memory_space<hbm>> -> memref<8192xf32, #tpu.memory_space<hbm>>
      tpu.enqueue_dma source(%arg14 : memref<8192xf32, #tpu.memory_space<vmem>>) target(%dma_start3A_323 : memref<8192xf32, #tpu.memory_space<hbm>>) target_semaphore(%arg20 : memref<!tpu.dma_semaphore, #tpu.memory_space<semaphore_mem>>)
      %mul3A_324 = arith.constant 4 : i32
      %mul3A_325 = arith.muli %mul3A_324, %add3A_233 : i32
      %add3A_326 = arith.constant 3 : i32
      %add3A_327 = arith.addi %add3A_326, %mul3A_325 : i32
      %add3A_328 = arith.constant 1 : i32
      %add3A_329 = arith.addi %add3A_327, %add3A_328 : i32
      %mul3A_330 = arith.constant 32768 : i32
      %mul3A_331 = arith.muli %add3A_329, %mul3A_330 : i32
      %add3A_332 = arith.addi %add3A_70, %mul3A_331 : i32
      %dma_start3A_333 = tpu.memref_slice %arg5[%add3A_332] : memref<17563648xf32, #tpu.memory_space<hbm>> -> memref<8192xf32, #tpu.memory_space<hbm>>
      %dma_start3A_334 = tpu.memref_slice %arg5[%add3A_332] : memref<17563648xf32, #tpu.memory_space<hbm>> -> memref<8192xf32, #tpu.memory_space<hbm>>
      tpu.enqueue_dma source(%arg15 : memref<8192xf32, #tpu.memory_space<vmem>>) target(%dma_start3A_334 : memref<8192xf32, #tpu.memory_space<hbm>>) target_semaphore(%arg20 : memref<!tpu.dma_semaphore, #tpu.memory_space<semaphore_mem>>)
      %mul3A_335 = arith.constant 4 : i32
      %mul3A_336 = arith.muli %mul3A_335, %add3A_233 : i32
      %add3A_337 = arith.constant 3 : i32
      %add3A_338 = arith.addi %add3A_337, %mul3A_336 : i32
      %add3A_339 = arith.constant 2 : i32
      %add3A_340 = arith.addi %add3A_338, %add3A_339 : i32
      %mul3A_341 = arith.constant 32768 : i32
      %mul3A_342 = arith.muli %add3A_340, %mul3A_341 : i32
      %add3A_343 = arith.addi %add3A_70, %mul3A_342 : i32
      %dma_start3A_344 = tpu.memref_slice %arg5[%add3A_343] : memref<17563648xf32, #tpu.memory_space<hbm>> -> memref<8192xf32, #tpu.memory_space<hbm>>
      %dma_start3A_345 = tpu.memref_slice %arg5[%add3A_343] : memref<17563648xf32, #tpu.memory_space<hbm>> -> memref<8192xf32, #tpu.memory_space<hbm>>
      tpu.enqueue_dma source(%arg16 : memref<8192xf32, #tpu.memory_space<vmem>>) target(%dma_start3A_345 : memref<8192xf32, #tpu.memory_space<hbm>>) target_semaphore(%arg20 : memref<!tpu.dma_semaphore, #tpu.memory_space<semaphore_mem>>)
      %mul3A_346 = arith.constant 4 : i32
      %mul3A_347 = arith.muli %mul3A_346, %add3A_233 : i32
      %add3A_348 = arith.constant 3 : i32
      %add3A_349 = arith.addi %add3A_348, %mul3A_347 : i32
      %add3A_350 = arith.constant 3 : i32
      %add3A_351 = arith.addi %add3A_349, %add3A_350 : i32
      %mul3A_352 = arith.constant 32768 : i32
      %mul3A_353 = arith.muli %add3A_351, %mul3A_352 : i32
      %add3A_354 = arith.addi %add3A_70, %mul3A_353 : i32
      %dma_start3A_355 = tpu.memref_slice %arg5[%add3A_354] : memref<17563648xf32, #tpu.memory_space<hbm>> -> memref<8192xf32, #tpu.memory_space<hbm>>
      %dma_start3A_356 = tpu.memref_slice %arg5[%add3A_354] : memref<17563648xf32, #tpu.memory_space<hbm>> -> memref<8192xf32, #tpu.memory_space<hbm>>
      tpu.enqueue_dma source(%arg17 : memref<8192xf32, #tpu.memory_space<vmem>>) target(%dma_start3A_356 : memref<8192xf32, #tpu.memory_space<hbm>>) target_semaphore(%arg20 : memref<!tpu.dma_semaphore, #tpu.memory_space<semaphore_mem>>)
      %mul3A_357 = arith.constant 2 : i32
      %mul3A_358 = arith.muli %mul3A_357, %scan3A_229 : i32
      %add3A_359 = arith.constant 1 : i32
      %add3A_360 = arith.addi %mul3A_358, %add3A_359 : i32
      %mul3A_361 = arith.constant 64 : i32
      %mul3A_362 = arith.muli %select_n3A, %mul3A_361 : i32
      %mul3A_363 = arith.constant 4 : i32
      %mul3A_364 = arith.muli %mul3A_363, %add3A_360 : i32
      %add3A_365 = arith.addi %mul3A_362, %mul3A_364 : i32
      %dma_wait3A_366 = arith.constant 0 : i32
      %dma_wait3A_367 = tpu.memref_slice %arg4[%add3A_365, %dma_wait3A_366] : memref<512x4096xf32, #tpu.memory_space<hbm>> -> memref<4x4096xf32, #tpu.memory_space<hbm>>
      %dma_wait3A_368 = arith.constant 0 : i32
      %dma_wait3A_369 = tpu.memref_slice %arg4[%add3A_365, %dma_wait3A_368] : memref<512x4096xf32, #tpu.memory_space<hbm>> -> memref<4x4096xf32, #tpu.memory_space<hbm>>
      tpu.wait_dma2 semaphore(%arg19 : memref<!tpu.dma_semaphore, #tpu.memory_space<semaphore_mem>>) src(%dma_wait3A_369 : memref<4x4096xf32, #tpu.memory_space<hbm>>) dst(%arg13 : memref<4x4096xf32, #tpu.memory_space<vmem>>)
      %sub3A_370 = arith.constant 1 : i32
      %sub3A_371 = arith.subi %add3A_360, %sub3A_370 : i32
      %mul3A_372 = arith.constant 4 : i32
      %mul3A_373 = arith.muli %mul3A_372, %sub3A_371 : i32
      %add3A_374 = arith.constant 3 : i32
      %add3A_375 = arith.addi %add3A_374, %mul3A_373 : i32
      %add3A_376 = arith.constant 0 : i32
      %add3A_377 = arith.addi %add3A_375, %add3A_376 : i32
      %mul3A_378 = arith.constant 32768 : i32
      %mul3A_379 = arith.muli %add3A_377, %mul3A_378 : i32
      %add3A_380 = arith.addi %add3A_70, %mul3A_379 : i32
      %dma_wait3A_381 = tpu.memref_slice %arg5[%add3A_380] : memref<17563648xf32, #tpu.memory_space<hbm>> -> memref<8192xf32, #tpu.memory_space<hbm>>
      %dma_wait3A_382 = tpu.memref_slice %arg5[%add3A_380] : memref<17563648xf32, #tpu.memory_space<hbm>> -> memref<8192xf32, #tpu.memory_space<hbm>>
      tpu.wait_dma2 semaphore(%arg20 : memref<!tpu.dma_semaphore, #tpu.memory_space<semaphore_mem>>) src(%arg14 : memref<8192xf32, #tpu.memory_space<vmem>>) dst(%dma_wait3A_382 : memref<8192xf32, #tpu.memory_space<hbm>>)
      %sub3A_383 = arith.constant 1 : i32
      %sub3A_384 = arith.subi %add3A_360, %sub3A_383 : i32
      %mul3A_385 = arith.constant 4 : i32
      %mul3A_386 = arith.muli %mul3A_385, %sub3A_384 : i32
      %add3A_387 = arith.constant 3 : i32
      %add3A_388 = arith.addi %add3A_387, %mul3A_386 : i32
      %add3A_389 = arith.constant 1 : i32
      %add3A_390 = arith.addi %add3A_388, %add3A_389 : i32
      %mul3A_391 = arith.constant 32768 : i32
      %mul3A_392 = arith.muli %add3A_390, %mul3A_391 : i32
      %add3A_393 = arith.addi %add3A_70, %mul3A_392 : i32
      %dma_wait3A_394 = tpu.memref_slice %arg5[%add3A_393] : memref<17563648xf32, #tpu.memory_space<hbm>> -> memref<8192xf32, #tpu.memory_space<hbm>>
      %dma_wait3A_395 = tpu.memref_slice %arg5[%add3A_393] : memref<17563648xf32, #tpu.memory_space<hbm>> -> memref<8192xf32, #tpu.memory_space<hbm>>
      tpu.wait_dma2 semaphore(%arg20 : memref<!tpu.dma_semaphore, #tpu.memory_space<semaphore_mem>>) src(%arg15 : memref<8192xf32, #tpu.memory_space<vmem>>) dst(%dma_wait3A_395 : memref<8192xf32, #tpu.memory_space<hbm>>)
      %sub3A_396 = arith.constant 1 : i32
      %sub3A_397 = arith.subi %add3A_360, %sub3A_396 : i32
      %mul3A_398 = arith.constant 4 : i32
      %mul3A_399 = arith.muli %mul3A_398, %sub3A_397 : i32
      %add3A_400 = arith.constant 3 : i32
      %add3A_401 = arith.addi %add3A_400, %mul3A_399 : i32
      %add3A_402 = arith.constant 2 : i32
      %add3A_403 = arith.addi %add3A_401, %add3A_402 : i32
      %mul3A_404 = arith.constant 32768 : i32
      %mul3A_405 = arith.muli %add3A_403, %mul3A_404 : i32
      %add3A_406 = arith.addi %add3A_70, %mul3A_405 : i32
      %dma_wait3A_407 = tpu.memref_slice %arg5[%add3A_406] : memref<17563648xf32, #tpu.memory_space<hbm>> -> memref<8192xf32, #tpu.memory_space<hbm>>
      %dma_wait3A_408 = tpu.memref_slice %arg5[%add3A_406] : memref<17563648xf32, #tpu.memory_space<hbm>> -> memref<8192xf32, #tpu.memory_space<hbm>>
      tpu.wait_dma2 semaphore(%arg20 : memref<!tpu.dma_semaphore, #tpu.memory_space<semaphore_mem>>) src(%arg16 : memref<8192xf32, #tpu.memory_space<vmem>>) dst(%dma_wait3A_408 : memref<8192xf32, #tpu.memory_space<hbm>>)
      %sub3A_409 = arith.constant 1 : i32
      %sub3A_410 = arith.subi %add3A_360, %sub3A_409 : i32
      %mul3A_411 = arith.constant 4 : i32
      %mul3A_412 = arith.muli %mul3A_411, %sub3A_410 : i32
      %add3A_413 = arith.constant 3 : i32
      %add3A_414 = arith.addi %add3A_413, %mul3A_412 : i32
      %add3A_415 = arith.constant 3 : i32
      %add3A_416 = arith.addi %add3A_414, %add3A_415 : i32
      %mul3A_417 = arith.constant 32768 : i32
      %mul3A_418 = arith.muli %add3A_416, %mul3A_417 : i32
      %add3A_419 = arith.addi %add3A_70, %mul3A_418 : i32
      %dma_wait3A_420 = tpu.memref_slice %arg5[%add3A_419] : memref<17563648xf32, #tpu.memory_space<hbm>> -> memref<8192xf32, #tpu.memory_space<hbm>>
      %dma_wait3A_421 = tpu.memref_slice %arg5[%add3A_419] : memref<17563648xf32, #tpu.memory_space<hbm>> -> memref<8192xf32, #tpu.memory_space<hbm>>
      tpu.wait_dma2 semaphore(%arg20 : memref<!tpu.dma_semaphore, #tpu.memory_space<semaphore_mem>>) src(%arg17 : memref<8192xf32, #tpu.memory_space<vmem>>) dst(%dma_wait3A_421 : memref<8192xf32, #tpu.memory_space<hbm>>)
      %scan3A_422 = arith.constant 0 : i32
      %scan3A_423 = arith.constant 0 : i32
      %scan3A_424 = arith.constant 512 : i32
      %scan3A_425 = arith.addi %scan3A_423, %scan3A_424 : i32
      %scan3A_426 = arith.constant 8 : i32
      scf.for %scan3A_485 = %scan3A_423 to %scan3A_425 step %scan3A_426  : i32 {
        %mul3A_486 = arith.constant 16 : i32
        %mul3A_487 = arith.muli %scan3A_485, %mul3A_486 : i32
        %get3A = arith.index_cast %mul3A_487 : i32 to index
        %get3A_488 = tpu.vector_load %arg10[%get3A] {strides = array<i32>} : memref<8192xi32, #tpu.memory_space<vmem>>, vector<16xi32>,
        %gather3A = tpu.vector_load_idx %arg13[%broadcast_in_dim3A_78, %get3A_488] : memref<4x4096xf32, #tpu.memory_space<vmem>>[vector<16xi32>, vector<16xi32>], vector<16xf32>,
        %mul3A_489 = arith.constant 16 : i32
        %mul3A_490 = arith.muli %scan3A_485, %mul3A_489 : i32
        %swap3A = arith.index_cast %mul3A_490 : i32 to index
        %swap3A_491 = tpu.vector_load %arg14[%swap3A] {strides = array<i32>} : memref<8192xf32, #tpu.memory_space<vmem>>, vector<16xf32>,
        tpu.vector_store %arg14[%swap3A], %gather3A {strides = array<i32>} : memref<8192xf32, #tpu.memory_space<vmem>>, vector<16xf32>,
        %gather3A_492 = tpu.vector_load_idx %arg13[%broadcast_in_dim3A_80, %get3A_488] : memref<4x4096xf32, #tpu.memory_space<vmem>>[vector<16xi32>, vector<16xi32>], vector<16xf32>,
        %mul3A_493 = arith.constant 16 : i32
        %mul3A_494 = arith.muli %scan3A_485, %mul3A_493 : i32
        %swap3A_495 = arith.index_cast %mul3A_494 : i32 to index
        %swap3A_496 = tpu.vector_load %arg15[%swap3A_495] {strides = array<i32>} : memref<8192xf32, #tpu.memory_space<vmem>>, vector<16xf32>,
        tpu.vector_store %arg15[%swap3A_495], %gather3A_492 {strides = array<i32>} : memref<8192xf32, #tpu.memory_space<vmem>>, vector<16xf32>,
        %gather3A_497 = tpu.vector_load_idx %arg13[%broadcast_in_dim3A_82, %get3A_488] : memref<4x4096xf32, #tpu.memory_space<vmem>>[vector<16xi32>, vector<16xi32>], vector<16xf32>,
        %mul3A_498 = arith.constant 16 : i32
        %mul3A_499 = arith.muli %scan3A_485, %mul3A_498 : i32
        %swap3A_500 = arith.index_cast %mul3A_499 : i32 to index
        %swap3A_501 = tpu.vector_load %arg16[%swap3A_500] {strides = array<i32>} : memref<8192xf32, #tpu.memory_space<vmem>>, vector<16xf32>,
        tpu.vector_store %arg16[%swap3A_500], %gather3A_497 {strides = array<i32>} : memref<8192xf32, #tpu.memory_space<vmem>>, vector<16xf32>,
        %gather3A_502 = tpu.vector_load_idx %arg13[%broadcast_in_dim3A_84, %get3A_488] : memref<4x4096xf32, #tpu.memory_space<vmem>>[vector<16xi32>, vector<16xi32>], vector<16xf32>,
        %mul3A_503 = arith.constant 16 : i32
        %mul3A_504 = arith.muli %scan3A_485, %mul3A_503 : i32
        %swap3A_505 = arith.index_cast %mul3A_504 : i32 to index
        %swap3A_506 = tpu.vector_load %arg17[%swap3A_505] {strides = array<i32>} : memref<8192xf32, #tpu.memory_space<vmem>>, vector<16xf32>,
        tpu.vector_store %arg17[%swap3A_505], %gather3A_502 {strides = array<i32>} : memref<8192xf32, #tpu.memory_space<vmem>>, vector<16xf32>,
        %scan3A_507 = arith.constant 1 : i32
        %scan3A_508 = arith.addi %scan3A_485, %scan3A_507 : i32
        %mul3A_509 = arith.constant 16 : i32
        %mul3A_510 = arith.muli %scan3A_508, %mul3A_509 : i32
        %get3A_511 = arith.index_cast %mul3A_510 : i32 to index
        %get3A_512 = tpu.vector_load %arg10[%get3A_511] {strides = array<i32>} : memref<8192xi32, #tpu.memory_space<vmem>>, vector<16xi32>,
        %gather3A_513 = tpu.vector_load_idx %arg13[%broadcast_in_dim3A_78, %get3A_512] : memref<4x4096xf32, #tpu.memory_space<vmem>>[vector<16xi32>, vector<16xi32>], vector<16xf32>,
        %mul3A_514 = arith.constant 16 : i32
        %mul3A_515 = arith.muli %scan3A_508, %mul3A_514 : i32
        %swap3A_516 = arith.index_cast %mul3A_515 : i32 to index
        %swap3A_517 = tpu.vector_load %arg14[%swap3A_516] {strides = array<i32>} : memref<8192xf32, #tpu.memory_space<vmem>>, vector<16xf32>,
        tpu.vector_store %arg14[%swap3A_516], %gather3A_513 {strides = array<i32>} : memref<8192xf32, #tpu.memory_space<vmem>>, vector<16xf32>,
        %gather3A_518 = tpu.vector_load_idx %arg13[%broadcast_in_dim3A_80, %get3A_512] : memref<4x4096xf32, #tpu.memory_space<vmem>>[vector<16xi32>, vector<16xi32>], vector<16xf32>,
        %mul3A_519 = arith.constant 16 : i32
        %mul3A_520 = arith.muli %scan3A_508, %mul3A_519 : i32
        %swap3A_521 = arith.index_cast %mul3A_520 : i32 to index
        %swap3A_522 = tpu.vector_load %arg15[%swap3A_521] {strides = array<i32>} : memref<8192xf32, #tpu.memory_space<vmem>>, vector<16xf32>,
        tpu.vector_store %arg15[%swap3A_521], %gather3A_518 {strides = array<i32>} : memref<8192xf32, #tpu.memory_space<vmem>>, vector<16xf32>,
        %gather3A_523 = tpu.vector_load_idx %arg13[%broadcast_in_dim3A_82, %get3A_512] : memref<4x4096xf32, #tpu.memory_space<vmem>>[vector<16xi32>, vector<16xi32>], vector<16xf32>,
        %mul3A_524 = arith.constant 16 : i32
        %mul3A_525 = arith.muli %scan3A_508, %mul3A_524 : i32
        %swap3A_526 = arith.index_cast %mul3A_525 : i32 to index
        %swap3A_527 = tpu.vector_load %arg16[%swap3A_526] {strides = array<i32>} : memref<8192xf32, #tpu.memory_space<vmem>>, vector<16xf32>,
        tpu.vector_store %arg16[%swap3A_526], %gather3A_523 {strides = array<i32>} : memref<8192xf32, #tpu.memory_space<vmem>>, vector<16xf32>,
        %gather3A_528 = tpu.vector_load_idx %arg13[%broadcast_in_dim3A_84, %get3A_512] : memref<4x4096xf32, #tpu.memory_space<vmem>>[vector<16xi32>, vector<16xi32>], vector<16xf32>,
        %mul3A_529 = arith.constant 16 : i32
        %mul3A_530 = arith.muli %scan3A_508, %mul3A_529 : i32
        %swap3A_531 = arith.index_cast %mul3A_530 : i32 to index
        %swap3A_532 = tpu.vector_load %arg17[%swap3A_531] {strides = array<i32>} : memref<8192xf32, #tpu.memory_space<vmem>>, vector<16xf32>,
        tpu.vector_store %arg17[%swap3A_531], %gather3A_528 {strides = array<i32>} : memref<8192xf32, #tpu.memory_space<vmem>>, vector<16xf32>,
        %scan3A_533 = arith.constant 2 : i32
        %scan3A_534 = arith.addi %scan3A_485, %scan3A_533 : i32
        %mul3A_535 = arith.constant 16 : i32
        %mul3A_536 = arith.muli %scan3A_534, %mul3A_535 : i32
        %get3A_537 = arith.index_cast %mul3A_536 : i32 to index
        %get3A_538 = tpu.vector_load %arg10[%get3A_537] {strides = array<i32>} : memref<8192xi32, #tpu.memory_space<vmem>>, vector<16xi32>,
        %gather3A_539 = tpu.vector_load_idx %arg13[%broadcast_in_dim3A_78, %get3A_538] : memref<4x4096xf32, #tpu.memory_space<vmem>>[vector<16xi32>, vector<16xi32>], vector<16xf32>,
        %mul3A_540 = arith.constant 16 : i32
        %mul3A_541 = arith.muli %scan3A_534, %mul3A_540 : i32
        %swap3A_542 = arith.index_cast %mul3A_541 : i32 to index
        %swap3A_543 = tpu.vector_load %arg14[%swap3A_542] {strides = array<i32>} : memref<8192xf32, #tpu.memory_space<vmem>>, vector<16xf32>,
        tpu.vector_store %arg14[%swap3A_542], %gather3A_539 {strides = array<i32>} : memref<8192xf32, #tpu.memory_space<vmem>>, vector<16xf32>,
        %gather3A_544 = tpu.vector_load_idx %arg13[%broadcast_in_dim3A_80, %get3A_538] : memref<4x4096xf32, #tpu.memory_space<vmem>>[vector<16xi32>, vector<16xi32>], vector<16xf32>,
        %mul3A_545 = arith.constant 16 : i32
        %mul3A_546 = arith.muli %scan3A_534, %mul3A_545 : i32
        %swap3A_547 = arith.index_cast %mul3A_546 : i32 to index
        %swap3A_548 = tpu.vector_load %arg15[%swap3A_547] {strides = array<i32>} : memref<8192xf32, #tpu.memory_space<vmem>>, vector<16xf32>,
        tpu.vector_store %arg15[%swap3A_547], %gather3A_544 {strides = array<i32>} : memref<8192xf32, #tpu.memory_space<vmem>>, vector<16xf32>,
        %gather3A_549 = tpu.vector_load_idx %arg13[%broadcast_in_dim3A_82, %get3A_538] : memref<4x4096xf32, #tpu.memory_space<vmem>>[vector<16xi32>, vector<16xi32>], vector<16xf32>,
        %mul3A_550 = arith.constant 16 : i32
        %mul3A_551 = arith.muli %scan3A_534, %mul3A_550 : i32
        %swap3A_552 = arith.index_cast %mul3A_551 : i32 to index
        %swap3A_553 = tpu.vector_load %arg16[%swap3A_552] {strides = array<i32>} : memref<8192xf32, #tpu.memory_space<vmem>>, vector<16xf32>,
        tpu.vector_store %arg16[%swap3A_552], %gather3A_549 {strides = array<i32>} : memref<8192xf32, #tpu.memory_space<vmem>>, vector<16xf32>,
        %gather3A_554 = tpu.vector_load_idx %arg13[%broadcast_in_dim3A_84, %get3A_538] : memref<4x4096xf32, #tpu.memory_space<vmem>>[vector<16xi32>, vector<16xi32>], vector<16xf32>,
        %mul3A_555 = arith.constant 16 : i32
        %mul3A_556 = arith.muli %scan3A_534, %mul3A_555 : i32
        %swap3A_557 = arith.index_cast %mul3A_556 : i32 to index
        %swap3A_558 = tpu.vector_load %arg17[%swap3A_557] {strides = array<i32>} : memref<8192xf32, #tpu.memory_space<vmem>>, vector<16xf32>,
        tpu.vector_store %arg17[%swap3A_557], %gather3A_554 {strides = array<i32>} : memref<8192xf32, #tpu.memory_space<vmem>>, vector<16xf32>,
        %scan3A_559 = arith.constant 3 : i32
        %scan3A_560 = arith.addi %scan3A_485, %scan3A_559 : i32
        %mul3A_561 = arith.constant 16 : i32
        %mul3A_562 = arith.muli %scan3A_560, %mul3A_561 : i32
        %get3A_563 = arith.index_cast %mul3A_562 : i32 to index
        %get3A_564 = tpu.vector_load %arg10[%get3A_563] {strides = array<i32>} : memref<8192xi32, #tpu.memory_space<vmem>>, vector<16xi32>,
        %gather3A_565 = tpu.vector_load_idx %arg13[%broadcast_in_dim3A_78, %get3A_564] : memref<4x4096xf32, #tpu.memory_space<vmem>>[vector<16xi32>, vector<16xi32>], vector<16xf32>,
        %mul3A_566 = arith.constant 16 : i32
        %mul3A_567 = arith.muli %scan3A_560, %mul3A_566 : i32
        %swap3A_568 = arith.index_cast %mul3A_567 : i32 to index
        %swap3A_569 = tpu.vector_load %arg14[%swap3A_568] {strides = array<i32>} : memref<8192xf32, #tpu.memory_space<vmem>>, vector<16xf32>,
        tpu.vector_store %arg14[%swap3A_568], %gather3A_565 {strides = array<i32>} : memref<8192xf32, #tpu.memory_space<vmem>>, vector<16xf32>,
        %gather3A_570 = tpu.vector_load_idx %arg13[%broadcast_in_dim3A_80, %get3A_564] : memref<4x4096xf32, #tpu.memory_space<vmem>>[vector<16xi32>, vector<16xi32>], vector<16xf32>,
        %mul3A_571 = arith.constant 16 : i32
        %mul3A_572 = arith.muli %scan3A_560, %mul3A_571 : i32
        %swap3A_573 = arith.index_cast %mul3A_572 : i32 to index
        %swap3A_574 = tpu.vector_load %arg15[%swap3A_573] {strides = array<i32>} : memref<8192xf32, #tpu.memory_space<vmem>>, vector<16xf32>,
        tpu.vector_store %arg15[%swap3A_573], %gather3A_570 {strides = array<i32>} : memref<8192xf32, #tpu.memory_space<vmem>>, vector<16xf32>,
        %gather3A_575 = tpu.vector_load_idx %arg13[%broadcast_in_dim3A_82, %get3A_564] : memref<4x4096xf32, #tpu.memory_space<vmem>>[vector<16xi32>, vector<16xi32>], vector<16xf32>,
        %mul3A_576 = arith.constant 16 : i32
        %mul3A_577 = arith.muli %scan3A_560, %mul3A_576 : i32
        %swap3A_578 = arith.index_cast %mul3A_577 : i32 to index
        %swap3A_579 = tpu.vector_load %arg16[%swap3A_578] {strides = array<i32>} : memref<8192xf32, #tpu.memory_space<vmem>>, vector<16xf32>,
        tpu.vector_store %arg16[%swap3A_578], %gather3A_575 {strides = array<i32>} : memref<8192xf32, #tpu.memory_space<vmem>>, vector<16xf32>,
        %gather3A_580 = tpu.vector_load_idx %arg13[%broadcast_in_dim3A_84, %get3A_564] : memref<4x4096xf32, #tpu.memory_space<vmem>>[vector<16xi32>, vector<16xi32>], vector<16xf32>,
        %mul3A_581 = arith.constant 16 : i32
        %mul3A_582 = arith.muli %scan3A_560, %mul3A_581 : i32
        %swap3A_583 = arith.index_cast %mul3A_582 : i32 to index
        %swap3A_584 = tpu.vector_load %arg17[%swap3A_583] {strides = array<i32>} : memref<8192xf32, #tpu.memory_space<vmem>>, vector<16xf32>,
        tpu.vector_store %arg17[%swap3A_583], %gather3A_580 {strides = array<i32>} : memref<8192xf32, #tpu.memory_space<vmem>>, vector<16xf32>,
        %scan3A_585 = arith.constant 4 : i32
        %scan3A_586 = arith.addi %scan3A_485, %scan3A_585 : i32
        %mul3A_587 = arith.constant 16 : i32
        %mul3A_588 = arith.muli %scan3A_586, %mul3A_587 : i32
        %get3A_589 = arith.index_cast %mul3A_588 : i32 to index
        %get3A_590 = tpu.vector_load %arg10[%get3A_589] {strides = array<i32>} : memref<8192xi32, #tpu.memory_space<vmem>>, vector<16xi32>,
        %gather3A_591 = tpu.vector_load_idx %arg13[%broadcast_in_dim3A_78, %get3A_590] : memref<4x4096xf32, #tpu.memory_space<vmem>>[vector<16xi32>, vector<16xi32>], vector<16xf32>,
        %mul3A_592 = arith.constant 16 : i32
        %mul3A_593 = arith.muli %scan3A_586, %mul3A_592 : i32
        %swap3A_594 = arith.index_cast %mul3A_593 : i32 to index
        %swap3A_595 = tpu.vector_load %arg14[%swap3A_594] {strides = array<i32>} : memref<8192xf32, #tpu.memory_space<vmem>>, vector<16xf32>,
        tpu.vector_store %arg14[%swap3A_594], %gather3A_591 {strides = array<i32>} : memref<8192xf32, #tpu.memory_space<vmem>>, vector<16xf32>,
        %gather3A_596 = tpu.vector_load_idx %arg13[%broadcast_in_dim3A_80, %get3A_590] : memref<4x4096xf32, #tpu.memory_space<vmem>>[vector<16xi32>, vector<16xi32>], vector<16xf32>,
        %mul3A_597 = arith.constant 16 : i32
        %mul3A_598 = arith.muli %scan3A_586, %mul3A_597 : i32
        %swap3A_599 = arith.index_cast %mul3A_598 : i32 to index
        %swap3A_600 = tpu.vector_load %arg15[%swap3A_599] {strides = array<i32>} : memref<8192xf32, #tpu.memory_space<vmem>>, vector<16xf32>,
        tpu.vector_store %arg15[%swap3A_599], %gather3A_596 {strides = array<i32>} : memref<8192xf32, #tpu.memory_space<vmem>>, vector<16xf32>,
        %gather3A_601 = tpu.vector_load_idx %arg13[%broadcast_in_dim3A_82, %get3A_590] : memref<4x4096xf32, #tpu.memory_space<vmem>>[vector<16xi32>, vector<16xi32>], vector<16xf32>,
        %mul3A_602 = arith.constant 16 : i32
        %mul3A_603 = arith.muli %scan3A_586, %mul3A_602 : i32
        %swap3A_604 = arith.index_cast %mul3A_603 : i32 to index
        %swap3A_605 = tpu.vector_load %arg16[%swap3A_604] {strides = array<i32>} : memref<8192xf32, #tpu.memory_space<vmem>>, vector<16xf32>,
        tpu.vector_store %arg16[%swap3A_604], %gather3A_601 {strides = array<i32>} : memref<8192xf32, #tpu.memory_space<vmem>>, vector<16xf32>,
        %gather3A_606 = tpu.vector_load_idx %arg13[%broadcast_in_dim3A_84, %get3A_590] : memref<4x4096xf32, #tpu.memory_space<vmem>>[vector<16xi32>, vector<16xi32>], vector<16xf32>,
        %mul3A_607 = arith.constant 16 : i32
        %mul3A_608 = arith.muli %scan3A_586, %mul3A_607 : i32
        %swap3A_609 = arith.index_cast %mul3A_608 : i32 to index
        %swap3A_610 = tpu.vector_load %arg17[%swap3A_609] {strides = array<i32>} : memref<8192xf32, #tpu.memory_space<vmem>>, vector<16xf32>,
        tpu.vector_store %arg17[%swap3A_609], %gather3A_606 {strides = array<i32>} : memref<8192xf32, #tpu.memory_space<vmem>>, vector<16xf32>,
        %scan3A_611 = arith.constant 5 : i32
        %scan3A_612 = arith.addi %scan3A_485, %scan3A_611 : i32
        %mul3A_613 = arith.constant 16 : i32
        %mul3A_614 = arith.muli %scan3A_612, %mul3A_613 : i32
        %get3A_615 = arith.index_cast %mul3A_614 : i32 to index
        %get3A_616 = tpu.vector_load %arg10[%get3A_615] {strides = array<i32>} : memref<8192xi32, #tpu.memory_space<vmem>>, vector<16xi32>,
        %gather3A_617 = tpu.vector_load_idx %arg13[%broadcast_in_dim3A_78, %get3A_616] : memref<4x4096xf32, #tpu.memory_space<vmem>>[vector<16xi32>, vector<16xi32>], vector<16xf32>,
        %mul3A_618 = arith.constant 16 : i32
        %mul3A_619 = arith.muli %scan3A_612, %mul3A_618 : i32
        %swap3A_620 = arith.index_cast %mul3A_619 : i32 to index
        %swap3A_621 = tpu.vector_load %arg14[%swap3A_620] {strides = array<i32>} : memref<8192xf32, #tpu.memory_space<vmem>>, vector<16xf32>,
        tpu.vector_store %arg14[%swap3A_620], %gather3A_617 {strides = array<i32>} : memref<8192xf32, #tpu.memory_space<vmem>>, vector<16xf32>,
        %gather3A_622 = tpu.vector_load_idx %arg13[%broadcast_in_dim3A_80, %get3A_616] : memref<4x4096xf32, #tpu.memory_space<vmem>>[vector<16xi32>, vector<16xi32>], vector<16xf32>,
        %mul3A_623 = arith.constant 16 : i32
        %mul3A_624 = arith.muli %scan3A_612, %mul3A_623 : i32
        %swap3A_625 = arith.index_cast %mul3A_624 : i32 to index
        %swap3A_626 = tpu.vector_load %arg15[%swap3A_625] {strides = array<i32>} : memref<8192xf32, #tpu.memory_space<vmem>>, vector<16xf32>,
        tpu.vector_store %arg15[%swap3A_625], %gather3A_622 {strides = array<i32>} : memref<8192xf32, #tpu.memory_space<vmem>>, vector<16xf32>,
        %gather3A_627 = tpu.vector_load_idx %arg13[%broadcast_in_dim3A_82, %get3A_616] : memref<4x4096xf32, #tpu.memory_space<vmem>>[vector<16xi32>, vector<16xi32>], vector<16xf32>,
        %mul3A_628 = arith.constant 16 : i32
        %mul3A_629 = arith.muli %scan3A_612, %mul3A_628 : i32
        %swap3A_630 = arith.index_cast %mul3A_629 : i32 to index
        %swap3A_631 = tpu.vector_load %arg16[%swap3A_630] {strides = array<i32>} : memref<8192xf32, #tpu.memory_space<vmem>>, vector<16xf32>,
        tpu.vector_store %arg16[%swap3A_630], %gather3A_627 {strides = array<i32>} : memref<8192xf32, #tpu.memory_space<vmem>>, vector<16xf32>,
        %gather3A_632 = tpu.vector_load_idx %arg13[%broadcast_in_dim3A_84, %get3A_616] : memref<4x4096xf32, #tpu.memory_space<vmem>>[vector<16xi32>, vector<16xi32>], vector<16xf32>,
        %mul3A_633 = arith.constant 16 : i32
        %mul3A_634 = arith.muli %scan3A_612, %mul3A_633 : i32
        %swap3A_635 = arith.index_cast %mul3A_634 : i32 to index
        %swap3A_636 = tpu.vector_load %arg17[%swap3A_635] {strides = array<i32>} : memref<8192xf32, #tpu.memory_space<vmem>>, vector<16xf32>,
        tpu.vector_store %arg17[%swap3A_635], %gather3A_632 {strides = array<i32>} : memref<8192xf32, #tpu.memory_space<vmem>>, vector<16xf32>,
        %scan3A_637 = arith.constant 6 : i32
        %scan3A_638 = arith.addi %scan3A_485, %scan3A_637 : i32
        %mul3A_639 = arith.constant 16 : i32
        %mul3A_640 = arith.muli %scan3A_638, %mul3A_639 : i32
        %get3A_641 = arith.index_cast %mul3A_640 : i32 to index
        %get3A_642 = tpu.vector_load %arg10[%get3A_641] {strides = array<i32>} : memref<8192xi32, #tpu.memory_space<vmem>>, vector<16xi32>,
        %gather3A_643 = tpu.vector_load_idx %arg13[%broadcast_in_dim3A_78, %get3A_642] : memref<4x4096xf32, #tpu.memory_space<vmem>>[vector<16xi32>, vector<16xi32>], vector<16xf32>,
        %mul3A_644 = arith.constant 16 : i32
        %mul3A_645 = arith.muli %scan3A_638, %mul3A_644 : i32
        %swap3A_646 = arith.index_cast %mul3A_645 : i32 to index
        %swap3A_647 = tpu.vector_load %arg14[%swap3A_646] {strides = array<i32>} : memref<8192xf32, #tpu.memory_space<vmem>>, vector<16xf32>,
        tpu.vector_store %arg14[%swap3A_646], %gather3A_643 {strides = array<i32>} : memref<8192xf32, #tpu.memory_space<vmem>>, vector<16xf32>,
        %gather3A_648 = tpu.vector_load_idx %arg13[%broadcast_in_dim3A_80, %get3A_642] : memref<4x4096xf32, #tpu.memory_space<vmem>>[vector<16xi32>, vector<16xi32>], vector<16xf32>,
        %mul3A_649 = arith.constant 16 : i32
        %mul3A_650 = arith.muli %scan3A_638, %mul3A_649 : i32
        %swap3A_651 = arith.index_cast %mul3A_650 : i32 to index
        %swap3A_652 = tpu.vector_load %arg15[%swap3A_651] {strides = array<i32>} : memref<8192xf32, #tpu.memory_space<vmem>>, vector<16xf32>,
        tpu.vector_store %arg15[%swap3A_651], %gather3A_648 {strides = array<i32>} : memref<8192xf32, #tpu.memory_space<vmem>>, vector<16xf32>,
        %gather3A_653 = tpu.vector_load_idx %arg13[%broadcast_in_dim3A_82, %get3A_642] : memref<4x4096xf32, #tpu.memory_space<vmem>>[vector<16xi32>, vector<16xi32>], vector<16xf32>,
        %mul3A_654 = arith.constant 16 : i32
        %mul3A_655 = arith.muli %scan3A_638, %mul3A_654 : i32
        %swap3A_656 = arith.index_cast %mul3A_655 : i32 to index
        %swap3A_657 = tpu.vector_load %arg16[%swap3A_656] {strides = array<i32>} : memref<8192xf32, #tpu.memory_space<vmem>>, vector<16xf32>,
        tpu.vector_store %arg16[%swap3A_656], %gather3A_653 {strides = array<i32>} : memref<8192xf32, #tpu.memory_space<vmem>>, vector<16xf32>,
        %gather3A_658 = tpu.vector_load_idx %arg13[%broadcast_in_dim3A_84, %get3A_642] : memref<4x4096xf32, #tpu.memory_space<vmem>>[vector<16xi32>, vector<16xi32>], vector<16xf32>,
        %mul3A_659 = arith.constant 16 : i32
        %mul3A_660 = arith.muli %scan3A_638, %mul3A_659 : i32
        %swap3A_661 = arith.index_cast %mul3A_660 : i32 to index
        %swap3A_662 = tpu.vector_load %arg17[%swap3A_661] {strides = array<i32>} : memref<8192xf32, #tpu.memory_space<vmem>>, vector<16xf32>,
        tpu.vector_store %arg17[%swap3A_661], %gather3A_658 {strides = array<i32>} : memref<8192xf32, #tpu.memory_space<vmem>>, vector<16xf32>,
        %scan3A_663 = arith.constant 7 : i32
        %scan3A_664 = arith.addi %scan3A_485, %scan3A_663 : i32
        %mul3A_665 = arith.constant 16 : i32
        %mul3A_666 = arith.muli %scan3A_664, %mul3A_665 : i32
        %get3A_667 = arith.index_cast %mul3A_666 : i32 to index
        %get3A_668 = tpu.vector_load %arg10[%get3A_667] {strides = array<i32>} : memref<8192xi32, #tpu.memory_space<vmem>>, vector<16xi32>,
        %gather3A_669 = tpu.vector_load_idx %arg13[%broadcast_in_dim3A_78, %get3A_668] : memref<4x4096xf32, #tpu.memory_space<vmem>>[vector<16xi32>, vector<16xi32>], vector<16xf32>,
        %mul3A_670 = arith.constant 16 : i32
        %mul3A_671 = arith.muli %scan3A_664, %mul3A_670 : i32
        %swap3A_672 = arith.index_cast %mul3A_671 : i32 to index
        %swap3A_673 = tpu.vector_load %arg14[%swap3A_672] {strides = array<i32>} : memref<8192xf32, #tpu.memory_space<vmem>>, vector<16xf32>,
        tpu.vector_store %arg14[%swap3A_672], %gather3A_669 {strides = array<i32>} : memref<8192xf32, #tpu.memory_space<vmem>>, vector<16xf32>,
        %gather3A_674 = tpu.vector_load_idx %arg13[%broadcast_in_dim3A_80, %get3A_668] : memref<4x4096xf32, #tpu.memory_space<vmem>>[vector<16xi32>, vector<16xi32>], vector<16xf32>,
        %mul3A_675 = arith.constant 16 : i32
        %mul3A_676 = arith.muli %scan3A_664, %mul3A_675 : i32
        %swap3A_677 = arith.index_cast %mul3A_676 : i32 to index
        %swap3A_678 = tpu.vector_load %arg15[%swap3A_677] {strides = array<i32>} : memref<8192xf32, #tpu.memory_space<vmem>>, vector<16xf32>,
        tpu.vector_store %arg15[%swap3A_677], %gather3A_674 {strides = array<i32>} : memref<8192xf32, #tpu.memory_space<vmem>>, vector<16xf32>,
        %gather3A_679 = tpu.vector_load_idx %arg13[%broadcast_in_dim3A_82, %get3A_668] : memref<4x4096xf32, #tpu.memory_space<vmem>>[vector<16xi32>, vector<16xi32>], vector<16xf32>,
        %mul3A_680 = arith.constant 16 : i32
        %mul3A_681 = arith.muli %scan3A_664, %mul3A_680 : i32
        %swap3A_682 = arith.index_cast %mul3A_681 : i32 to index
        %swap3A_683 = tpu.vector_load %arg16[%swap3A_682] {strides = array<i32>} : memref<8192xf32, #tpu.memory_space<vmem>>, vector<16xf32>,
        tpu.vector_store %arg16[%swap3A_682], %gather3A_679 {strides = array<i32>} : memref<8192xf32, #tpu.memory_space<vmem>>, vector<16xf32>,
        %gather3A_684 = tpu.vector_load_idx %arg13[%broadcast_in_dim3A_84, %get3A_668] : memref<4x4096xf32, #tpu.memory_space<vmem>>[vector<16xi32>, vector<16xi32>], vector<16xf32>,
        %mul3A_685 = arith.constant 16 : i32
        %mul3A_686 = arith.muli %scan3A_664, %mul3A_685 : i32
        %swap3A_687 = arith.index_cast %mul3A_686 : i32 to index
        %swap3A_688 = tpu.vector_load %arg17[%swap3A_687] {strides = array<i32>} : memref<8192xf32, #tpu.memory_space<vmem>>, vector<16xf32>,
        tpu.vector_store %arg17[%swap3A_687], %gather3A_684 {strides = array<i32>} : memref<8192xf32, #tpu.memory_space<vmem>>, vector<16xf32>,
      }
      %scan3A_427 = arith.constant 512 : i32
      %add3A_428 = arith.constant 2 : i32
      %add3A_429 = arith.addi %add3A_360, %add3A_428 : i32
      %min3A_430 = arith.constant 15 : i32
      %min3A_431 = arith.minsi %add3A_429, %min3A_430 : i32
      %mul3A_432 = arith.constant 64 : i32
      %mul3A_433 = arith.muli %select_n3A, %mul3A_432 : i32
      %mul3A_434 = arith.constant 4 : i32
      %mul3A_435 = arith.muli %mul3A_434, %min3A_431 : i32
      %add3A_436 = arith.addi %mul3A_433, %mul3A_435 : i32
      %dma_start3A_437 = arith.constant 0 : i32
      %dma_start3A_438 = tpu.memref_slice %arg4[%add3A_436, %dma_start3A_437] : memref<512x4096xf32, #tpu.memory_space<hbm>> -> memref<4x4096xf32, #tpu.memory_space<hbm>>
      %dma_start3A_439 = arith.constant 0 : i32
      %dma_start3A_440 = tpu.memref_slice %arg4[%add3A_436, %dma_start3A_439] : memref<512x4096xf32, #tpu.memory_space<hbm>> -> memref<4x4096xf32, #tpu.memory_space<hbm>>
      tpu.enqueue_dma source(%dma_start3A_440 : memref<4x4096xf32, #tpu.memory_space<hbm>>) target(%arg13 : memref<4x4096xf32, #tpu.memory_space<vmem>>) target_semaphore(%arg19 : memref<!tpu.dma_semaphore, #tpu.memory_space<semaphore_mem>>)
      %mul3A_441 = arith.constant 4 : i32
      %mul3A_442 = arith.muli %mul3A_441, %add3A_360 : i32
      %add3A_443 = arith.constant 3 : i32
      %add3A_444 = arith.addi %add3A_443, %mul3A_442 : i32
      %add3A_445 = arith.constant 0 : i32
      %add3A_446 = arith.addi %add3A_444, %add3A_445 : i32
      %mul3A_447 = arith.constant 32768 : i32
      %mul3A_448 = arith.muli %add3A_446, %mul3A_447 : i32
      %add3A_449 = arith.addi %add3A_70, %mul3A_448 : i32
      %dma_start3A_450 = tpu.memref_slice %arg5[%add3A_449] : memref<17563648xf32, #tpu.memory_space<hbm>> -> memref<8192xf32, #tpu.memory_space<hbm>>
      %dma_start3A_451 = tpu.memref_slice %arg5[%add3A_449] : memref<17563648xf32, #tpu.memory_space<hbm>> -> memref<8192xf32, #tpu.memory_space<hbm>>
      tpu.enqueue_dma source(%arg14 : memref<8192xf32, #tpu.memory_space<vmem>>) target(%dma_start3A_451 : memref<8192xf32, #tpu.memory_space<hbm>>) target_semaphore(%arg20 : memref<!tpu.dma_semaphore, #tpu.memory_space<semaphore_mem>>)
      %mul3A_452 = arith.constant 4 : i32
      %mul3A_453 = arith.muli %mul3A_452, %add3A_360 : i32
      %add3A_454 = arith.constant 3 : i32
      %add3A_455 = arith.addi %add3A_454, %mul3A_453 : i32
      %add3A_456 = arith.constant 1 : i32
      %add3A_457 = arith.addi %add3A_455, %add3A_456 : i32
      %mul3A_458 = arith.constant 32768 : i32
      %mul3A_459 = arith.muli %add3A_457, %mul3A_458 : i32
      %add3A_460 = arith.addi %add3A_70, %mul3A_459 : i32
      %dma_start3A_461 = tpu.memref_slice %arg5[%add3A_460] : memref<17563648xf32, #tpu.memory_space<hbm>> -> memref<8192xf32, #tpu.memory_space<hbm>>
      %dma_start3A_462 = tpu.memref_slice %arg5[%add3A_460] : memref<17563648xf32, #tpu.memory_space<hbm>> -> memref<8192xf32, #tpu.memory_space<hbm>>
      tpu.enqueue_dma source(%arg15 : memref<8192xf32, #tpu.memory_space<vmem>>) target(%dma_start3A_462 : memref<8192xf32, #tpu.memory_space<hbm>>) target_semaphore(%arg20 : memref<!tpu.dma_semaphore, #tpu.memory_space<semaphore_mem>>)
      %mul3A_463 = arith.constant 4 : i32
      %mul3A_464 = arith.muli %mul3A_463, %add3A_360 : i32
      %add3A_465 = arith.constant 3 : i32
      %add3A_466 = arith.addi %add3A_465, %mul3A_464 : i32
      %add3A_467 = arith.constant 2 : i32
      %add3A_468 = arith.addi %add3A_466, %add3A_467 : i32
      %mul3A_469 = arith.constant 32768 : i32
      %mul3A_470 = arith.muli %add3A_468, %mul3A_469 : i32
      %add3A_471 = arith.addi %add3A_70, %mul3A_470 : i32
      %dma_start3A_472 = tpu.memref_slice %arg5[%add3A_471] : memref<17563648xf32, #tpu.memory_space<hbm>> -> memref<8192xf32, #tpu.memory_space<hbm>>
      %dma_start3A_473 = tpu.memref_slice %arg5[%add3A_471] : memref<17563648xf32, #tpu.memory_space<hbm>> -> memref<8192xf32, #tpu.memory_space<hbm>>
      tpu.enqueue_dma source(%arg16 : memref<8192xf32, #tpu.memory_space<vmem>>) target(%dma_start3A_473 : memref<8192xf32, #tpu.memory_space<hbm>>) target_semaphore(%arg20 : memref<!tpu.dma_semaphore, #tpu.memory_space<semaphore_mem>>)
      %mul3A_474 = arith.constant 4 : i32
      %mul3A_475 = arith.muli %mul3A_474, %add3A_360 : i32
      %add3A_476 = arith.constant 3 : i32
      %add3A_477 = arith.addi %add3A_476, %mul3A_475 : i32
      %add3A_478 = arith.constant 3 : i32
      %add3A_479 = arith.addi %add3A_477, %add3A_478 : i32
      %mul3A_480 = arith.constant 32768 : i32
      %mul3A_481 = arith.muli %add3A_479, %mul3A_480 : i32
      %add3A_482 = arith.addi %add3A_70, %mul3A_481 : i32
      %dma_start3A_483 = tpu.memref_slice %arg5[%add3A_482] : memref<17563648xf32, #tpu.memory_space<hbm>> -> memref<8192xf32, #tpu.memory_space<hbm>>
      %dma_start3A_484 = tpu.memref_slice %arg5[%add3A_482] : memref<17563648xf32, #tpu.memory_space<hbm>> -> memref<8192xf32, #tpu.memory_space<hbm>>
      tpu.enqueue_dma source(%arg17 : memref<8192xf32, #tpu.memory_space<vmem>>) target(%dma_start3A_484 : memref<8192xf32, #tpu.memory_space<hbm>>) target_semaphore(%arg20 : memref<!tpu.dma_semaphore, #tpu.memory_space<semaphore_mem>>)
    }
    %scan3A_196 = arith.constant 7 : i32
    %add3A_197 = arith.constant 2064384 : i32
    %add3A_198 = arith.addi %add3A_70, %add3A_197 : i32
    %dma_wait3A_199 = tpu.memref_slice %arg5[%add3A_198] : memref<17563648xf32, #tpu.memory_space<hbm>> -> memref<8192xf32, #tpu.memory_space<hbm>>
    %dma_wait3A_200 = tpu.memref_slice %arg5[%add3A_198] : memref<17563648xf32, #tpu.memory_space<hbm>> -> memref<8192xf32, #tpu.memory_space<hbm>>
    tpu.wait_dma2 semaphore(%arg20 : memref<!tpu.dma_semaphore, #tpu.memory_space<semaphore_mem>>) src(%arg14 : memref<8192xf32, #tpu.memory_space<vmem>>) dst(%dma_wait3A_200 : memref<8192xf32, #tpu.memory_space<hbm>>)
    %add3A_201 = arith.constant 2097152 : i32
    %add3A_202 = arith.addi %add3A_70, %add3A_201 : i32
    %dma_wait3A_203 = tpu.memref_slice %arg5[%add3A_202] : memref<17563648xf32, #tpu.memory_space<hbm>> -> memref<8192xf32, #tpu.memory_space<hbm>>
    %dma_wait3A_204 = tpu.memref_slice %arg5[%add3A_202] : memref<17563648xf32, #tpu.memory_space<hbm>> -> memref<8192xf32, #tpu.memory_space<hbm>>
    tpu.wait_dma2 semaphore(%arg20 : memref<!tpu.dma_semaphore, #tpu.memory_space<semaphore_mem>>) src(%arg15 : memref<8192xf32, #tpu.memory_space<vmem>>) dst(%dma_wait3A_204 : memref<8192xf32, #tpu.memory_space<hbm>>)
    %add3A_205 = arith.constant 2129920 : i32
    %add3A_206 = arith.addi %add3A_70, %add3A_205 : i32
    %dma_wait3A_207 = tpu.memref_slice %arg5[%add3A_206] : memref<17563648xf32, #tpu.memory_space<hbm>> -> memref<8192xf32, #tpu.memory_space<hbm>>
    %dma_wait3A_208 = tpu.memref_slice %arg5[%add3A_206] : memref<17563648xf32, #tpu.memory_space<hbm>> -> memref<8192xf32, #tpu.memory_space<hbm>>
    tpu.wait_dma2 semaphore(%arg20 : memref<!tpu.dma_semaphore, #tpu.memory_space<semaphore_mem>>) src(%arg16 : memref<8192xf32, #tpu.memory_space<vmem>>) dst(%dma_wait3A_208 : memref<8192xf32, #tpu.memory_space<hbm>>)
    %add3A_209 = arith.constant 2162688 : i32
    %add3A_210 = arith.addi %add3A_70, %add3A_209 : i32
    %dma_wait3A_211 = tpu.memref_slice %arg5[%add3A_210] : memref<17563648xf32, #tpu.memory_space<hbm>> -> memref<8192xf32, #tpu.memory_space<hbm>>
    %dma_wait3A_212 = tpu.memref_slice %arg5[%add3A_210] : memref<17563648xf32, #tpu.memory_space<hbm>> -> memref<8192xf32, #tpu.memory_space<hbm>>
    tpu.wait_dma2 semaphore(%arg20 : memref<!tpu.dma_semaphore, #tpu.memory_space<semaphore_mem>>) src(%arg17 : memref<8192xf32, #tpu.memory_space<vmem>>) dst(%dma_wait3A_212 : memref<8192xf32, #tpu.memory_space<hbm>>)
    %mul3A_213 = arith.constant 64 : i32
    %mul3A_214 = arith.muli %select_n3A, %mul3A_213 : i32
    %add3A_215 = arith.constant 56 : i32
    %add3A_216 = arith.addi %mul3A_214, %add3A_215 : i32
    %dma_wait3A_217 = arith.constant 0 : i32
    %dma_wait3A_218 = tpu.memref_slice %arg4[%add3A_216, %dma_wait3A_217] : memref<512x4096xf32, #tpu.memory_space<hbm>> -> memref<4x4096xf32, #tpu.memory_space<hbm>>
    %dma_wait3A_219 = arith.constant 0 : i32
    %dma_wait3A_220 = tpu.memref_slice %arg4[%add3A_216, %dma_wait3A_219] : memref<512x4096xf32, #tpu.memory_space<hbm>> -> memref<4x4096xf32, #tpu.memory_space<hbm>>
    tpu.wait_dma2 semaphore(%arg18 : memref<!tpu.dma_semaphore, #tpu.memory_space<semaphore_mem>>) src(%dma_wait3A_220 : memref<4x4096xf32, #tpu.memory_space<hbm>>) dst(%arg12 : memref<4x4096xf32, #tpu.memory_space<vmem>>)
    %mul3A_221 = arith.constant 64 : i32
    %mul3A_222 = arith.muli %select_n3A, %mul3A_221 : i32
    %add3A_223 = arith.constant 60 : i32
    %add3A_224 = arith.addi %mul3A_222, %add3A_223 : i32
    %dma_wait3A_225 = arith.constant 0 : i32
    %dma_wait3A_226 = tpu.memref_slice %arg4[%add3A_224, %dma_wait3A_225] : memref<512x4096xf32, #tpu.memory_space<hbm>> -> memref<4x4096xf32, #tpu.memory_space<hbm>>
    %dma_wait3A_227 = arith.constant 0 : i32
    %dma_wait3A_228 = tpu.memref_slice %arg4[%add3A_224, %dma_wait3A_227] : memref<512x4096xf32, #tpu.memory_space<hbm>> -> memref<4x4096xf32, #tpu.memory_space<hbm>>
    tpu.wait_dma2 semaphore(%arg19 : memref<!tpu.dma_semaphore, #tpu.memory_space<semaphore_mem>>) src(%dma_wait3A_228 : memref<4x4096xf32, #tpu.memory_space<hbm>>) dst(%arg13 : memref<4x4096xf32, #tpu.memory_space<vmem>>)
    return
  }
}

</mosaic_0001>

<sc_bundles>
// kernel: kernel.3.cloned.1.call-start
scs
__scs_entry_jumppad:
0x0: {  	(pc) =	sbr.rel $0x88, $3  }
0x1: {  	(tag) =	ssettag $0x0;
	lr =	simm.s32 $0x1  }
0x2: {  	[smem:$0x3F9E] =	sst lr;
	_ =	strace $0xD0000000  }
0x3: {  	_ = 	snop  }
0x4: {  	_ = 	snop  }
0x5: {  	_ = 	snop  }
0x6: {  	_ = 	snop  }
0x7: {  	_ = 	snop  }
__scs_overlays_trampoline_lowered:
0x8: {  	[smem:$0x3FAD] =	sst s0  }
0x9: {  	[smem:$0x3FAE] =	sst s1  }
0xa: {  	[smem:$0x3FAF] =	sst s2  }
0xb: {  	[smem:$0x3FB0] =	sst s3  }
0xc: {  	[smem:$0x3FB1] =	sst s4  }
0xd: {  	[smem:$0x3FB2] =	sst s5  }
0xe: {  	[smem:$0x3FB3] =	sst s6  }
0xf: {  	[smem:$0x3FB4] =	sst s7  }
0x10: {  	[smem:$0x3FB5] =	sst s8  }
0x11: {  	[smem:$0x3FB6] =	sst s9;
	s0 =	simm.s32 @!p0 $0x0  }
0x12: {  	s1 =	sld [smem:$0x3F9C];
	s0 =	simm.s32 @p0 $0x1  }
0x13: {  	[smem:$0x3FB7] =	sst s0;
	s0 =	simm.s32 @!p1 $0x0  }
0x14: {  	s2 =	sld [smem:$0x3F9B];
	s0 =	simm.s32 @p1 $0x1  }
0x15: {  	[smem:$0x3FB8] =	sst s0;
	s0 =	simm.s32 @!p2 $0x0  }
0x16: {  	s3 =	sld [smem:$0x3FDB];
	s0 =	simm.s32 @p2 $0x1  }
0x17: {  	s4 =	simm.s32 $0x1BF5;
	[smem:$0x3FBA] =	sst s0  }
0x18: {  	s0 =	sld [smem:$0x3F9D];
	_ =	swait.ge [sflag:s4], $0x0  }
0x19: {  	s7 =	sld [smem:$0x3F9E]  }
0x1a: {  	s8 =	sadd.s32 $0xFFFFE003, lr  }
0x1b: {  	s9 =	sadd.s32 $0xFFFFFEF7, lr;
	s5 =	simm.s32 $0xFFFFFFFF;
	p2 =	slt.u32 s8, $0xFFFFF086  }
0x1c: {  	p1 =	slt.u32 s9, $0xF7A;
	s5 =	simm.s32 @!p2 $0x0  }
0x1d: {  	s5 =	simm.s32 @p1 $0x1;
	p0 =	seq.s32 s7, s2  }
0x1e: {  	s7 =	smul.u32 @!p0 $0xF7A, s2;
	p2 =	seq.s32 @!p0 s5, $0x0  }
0x1f: {  	s9 =	smul.u32 $0xF7A, s1;
	s8 =	simm.s32 @!p0 $0x1BF5;
	p2 =	por !p2, p0  }
0x20: {  	[sflag:s8] =	ssyncset.s32 @!p0 $0xFFFFF086;
	s6 =	sadd.s32 @!p0 s3, s7;
	s7 =	simm.s32 @!p0 $0x108  }
0x21: {  	s3 =	sadd.s32 s3, s9;
	s6 =	sadd.s32 @!p0 $0x88, s6;
	s7 =	simm.s32 @p2 $0x1082  }
0x22: {  	[simem:s7], [sflag:s8] =	dma.local @!p0 [hbm:s6], $0xF7A  }
0x23: {  	s9 =	sor.u32 $0xD0000000, s2;
	s6 =	simm.s32 $0x108;
	_ =	swait.ge @!p0 [sflag:s8], $0x0  }
0x24: {  	s3 =	sadd.s32 $0x88, s3;
	s6 =	simm.s32 @!p1 $0x1082;
	[sflag:s4] =	ssyncset.s32 $0xFFFFF086  }
0x25: {  	[simem:s6], [sflag:s4] =	dma.local [hbm:s3], $0xF7A  }
0x26: {  	[smem:$0x3F9E] =	sst s1;
	(tag) =	ssettag s2;
	_ =	strace s9  }
0x27: {  	s1 =	sld [smem:$0x3FAE]  }
0x28: {  	s2 =	sld [smem:$0x3FAF]  }
0x29: {  	s4 =	sld [smem:$0x3FB1]  }
0x2a: {  	p0 =	seq.s32 s5, $0x0;
	s5 =	sld [smem:$0x3FB2]  }
0x2b: {  	s6 =	sld [smem:$0x3FB3]  }
0x2c: {  	s7 =	sld [smem:$0x3FB4]  }
0x2d: {  	s3 =	simm.s32 $0x108;
	s8 =	sld [smem:$0x3FB5]  }
0x2e: {  	s3 =	simm.s32 @!p0 $0x1082;
	s9 =	sld [smem:$0x3FB6]  }
0x2f: {  	lr =	sadd.s32 s0, s3;
	s0 =	sld [smem:$0x3FAD]  }
0x30: {  	s3 =	sld [smem:$0x3FB0]  }
0x31: {  	[smem:$0x3FB9] =	sst s10  }
0x32: {  	s10 =	sld [smem:$0x3FB7];
	_ =	sdelay $0x3  }
0x33: {  	p0 =	seq.s32 s10, $0x1;
	s10 =	sld [smem:$0x3FB9];
	_ =	sdelay $0x3  }
0x34: {  	[smem:$0x3FB9] =	sst s10  }
0x35: {  	s10 =	sld [smem:$0x3FB8];
	_ =	sdelay $0x3  }
0x36: {  	p1 =	seq.s32 s10, $0x1;
	s10 =	sld [smem:$0x3FB9];
	_ =	sdelay $0x3  }
0x37: {  	[smem:$0x3FB9] =	sst s10  }
0x38: {  	s10 =	sld [smem:$0x3FBA]  }
0x39: {  	_ = 	snop;
	(pc) =	sbr.ind lr, $3  }
0x3a: {  	_ = 	snop  }
0x3b: {  	_ = 	snop  }
0x3c: {  	p2 =	seq.s32 s10, $0x1;
	s10 =	sld [smem:$0x3FB9]  }
0x3d: {  	_ =	shalt  }
0x3e: {  	_ =	shalt  }
0x3f: {  	_ =	shalt  }
0x40: {  	_ =	shalt  }
0x41: {  	_ =	shalt  }
0x42: {  	_ =	shalt  }
0x43: {  	_ =	shalt  }
0x44: {  	_ =	shalt  }
0x45: {  	_ =	shalt  }
0x46: {  	_ =	shalt  }
0x47: {  	_ =	shalt  }
0x48: {  	_ =	shalt  }
0x49: {  	_ =	shalt  }
0x4a: {  	_ =	shalt  }
0x4b: {  	_ =	shalt  }
0x4c: {  	_ =	shalt  }
0x4d: {  	_ =	shalt  }
0x4e: {  	_ =	shalt  }
0x4f: {  	_ =	shalt  }
0x50: {  	_ =	shalt  }
0x51: {  	_ =	shalt  }
0x52: {  	_ =	shalt  }
0x53: {  	_ =	shalt  }
0x54: {  	_ =	shalt  }
0x55: {  	_ =	shalt  }
0x56: {  	_ =	shalt  }
0x57: {  	_ =	shalt  }
0x58: {  	_ =	shalt  }
0x59: {  	_ =	shalt  }
0x5a: {  	_ =	shalt  }
0x5b: {  	_ =	shalt  }
0x5c: {  	_ =	shalt  }
0x5d: {  	_ =	shalt  }
0x5e: {  	_ =	shalt  }
0x5f: {  	_ =	shalt  }
0x60: {  	_ =	shalt  }
0x61: {  	_ =	shalt  }
0x62: {  	_ =	shalt  }
0x63: {  	_ =	shalt  }
0x64: {  	_ =	shalt  }
0x65: {  	_ =	shalt  }
0x66: {  	_ =	shalt  }
0x67: {  	_ =	shalt  }
0x68: {  	_ =	shalt  }
0x69: {  	_ =	shalt  }
0x6a: {  	_ =	shalt  }
0x6b: {  	_ =	shalt  }
0x6c: {  	_ =	shalt  }
0x6d: {  	_ =	shalt  }
0x6e: {  	_ =	shalt  }
0x6f: {  	_ =	shalt  }
0x70: {  	_ =	shalt  }
0x71: {  	_ =	shalt  }
0x72: {  	_ =	shalt  }
0x73: {  	_ =	shalt  }
0x74: {  	_ =	shalt  }
0x75: {  	_ =	shalt  }
0x76: {  	_ =	shalt  }
0x77: {  	_ =	shalt  }
0x78: {  	_ =	shalt  }
0x79: {  	_ =	shalt  }
0x7a: {  	_ =	shalt  }
0x7b: {  	_ =	shalt  }
0x7c: {  	_ =	shalt  }
0x7d: {  	_ =	shalt  }
0x7e: {  	_ =	shalt  }
0x7f: {  	_ =	shalt  }
0x80: {  	_ =	shalt  }
0x81: {  	_ =	shalt  }
0x82: {  	_ =	shalt  }
0x83: {  	_ =	shalt  }
0x84: {  	_ =	shalt  }
0x85: {  	_ =	shalt  }
0x86: {  	_ =	shalt  }
0x87: {  	_ =	shalt  }
.Lfunc_end0:
.L_simem_size_0:
called_computation.1_lowered:
.L_overlay_start_0:
0x88: {  	s2 =	sld [smem:$0x3FD9]  }
0x89: {  	s3 =	sld [smem:$0x3FFE];
	_ =	sdelay $0x1  }
0x8a: {  	s1 =	srdreg.scid  }
0x8b: {  	s0 =	sand.u32 $0x1, s1  }
0x8c: {  	s17 =	sshll.u32 s0, $0xA;
	s2 =	sadd.s32 s3, s2  }
0x8d: {  	s2 =	sadd.s32 s2, s17  }
0x8e: {  	[smem:$0x3FC5] =	sst s2  }
0x8f: {  	_ = 	snop  }
0x90: {  	s2 =	sld [smem:$0x3FC7]  }
0x91: {  	s18 =	sld [smem:$0x3FD0];
	(tm) =	ssettm $0x1  }
0x92: {  	s4 =	sld [smem:$0x3FFB];
	_ =	sdelay $0x3  }
0x93: {  	_ =	strace s4  }
0x94: {  	s4 =	sld [smem:$0x3FFC];
	_ =	sdelay $0x3  }
0x95: {  	_ =	strace s4  }
0x96: {  	s4 =	sld [smem:$0x3FFD];
	_ =	sdelay $0x3  }
0x97: {  	_ =	strace s4  }
0x98: {  	_ =	strace $0x8FFFFFFF  }
0x99: {  	s19 =	sld [smem:$0x3FDB];
	_ =	sdelay $0x1  }
0x9a: {  	s5 =	simm.s32 $_scs_section_size  }
0x9b: {  	s6 =	simm.s32 $_size__tile_overlayer_lowered;
	s7 =	simm.s32 $_tile_overlayer_lowered  }
0x9c: {  	s22 =	simm.s32 $0x1BFF;
	s21 =	sshll.u32 s7, $0x1;
	s4 =	sadd.s32 s5, s19  }
0x9d: {  	s8 =	simm.s32 $0x0;
	s20 =	sshll.u32 s6, $0x1;
	s6 =	sadd.s32 s21, s4  }
0x9e: {  	[timem:s8], [sflag:s22] =	dma.local [hbm:s6], s20  }
0x9f: {  	_ =	swait.ge [sflag:s22], s20  }
0xa0: {  	s5 =	ssub.s32 $0x0, s20;
	[sflag:s22] =	ssyncset.done $0x0  }
0xa1: {  	[sflag:s22] =	ssyncadd.s32 s5;
	_ =	sdelay $0x1  }
0xa2: {  	s23 =	simm.s32 $0x1B8B  }
0xa3: {  	_ =	swait.ge [sflag:s23], $0x1  }
0xa4: {  	[sflag:s23] =	ssyncset.done $0x0  }
0xa5: {  	s25 =	simm.s32 $0x1B8E;
	s24 =	sld [smem:$0x3FFE];
	[sflag:s23] =	ssyncadd.s32 $0xFFFFFFFF  }
0xa6: {  	s26 =	simm.s32 $execute0_lowered;
	[smem:$0x3FD2] =	sst s25  }
0xa7: {  	s6 =	sshll.u32 s26, $0x1;
	_ =	strace $0x80000046;
	[dreg:$0x1] =	wrdreg $0xFFFFFFFF  }
0xa8: {  	s28 =	simm.s32 $_size_execute0_lowered;
	s4 =	sadd.s32 s4, s6;
	[dreg:$0x0] =	wrdreg $0x0  }
0xa9: {  	s6 =	sshll.u32 s28, $0x1;
	[dreg:$0x2] =	wrdreg s4  }
0xaa: {  	[dreg:$0x3] =	wrdreg s6  }
0xab: {  	[dreg:$0x4] =	wrdreg $0xC0  }
0xac: {  	_ =	task [dreg:s8], $0x5FFFF  }
0xad: {  	[dreg:$0x1] =	wrdreg $0xFFFFFFFF  }
0xae: {  	[dreg:$0x0] =	wrdreg $0x60  }
0xaf: {  	[dreg:$0x2] =	wrdreg s24  }
0xb0: {  	[dreg:$0x3] =	wrdreg s2  }
0xb1: {  	[dreg:$0x4] =	wrdreg s18  }
0xb2: {  	[dreg:$0x5] =	wrdreg $0x9  }
0xb3: {  	_ =	task.clear_ibuf [dreg:s8], $0x6FFFF;
	_ =	strace $0x90000046  }
0xb4: {  	s29 =	simm.s32 $0x9;
	_ =	strace $0x80000048  }
0xb5: {  	_ =	swait.ge [sflag:s29], $0x1  }
0xb6: {  	[sflag:s29] =	ssyncadd.s32 $0xFFFFFFFF  }
0xb7: {  	_ =	strace $0x90000048  }
0xb8: {  	_ =	sfence  }
0xb9: {  	s30 =	sld [smem:$0x0];
	_ =	sdelay $0x2  }
0xba: {  	s31 =	sshll.u32 s1, $0xD;
	s1 =	sshrl.u32 s1, $0x2  }
0xbb: {  	s3 =	sand.u32 $0x4000, s31;
	s1 =	sadd.s32 s1, s30  }
0xbc: {  	s0 =	sor.u32 s3, s0;
	s1 =	sshll.u32 s1, $0x11  }
0xbd: {  	s0 =	sor.u32 s1, s0  }
0xbe: {  	s0 =	sadd.s32 $0x8F2B, s0  }
0xbf: {  	[sflag:s0] =	ssyncadd.remote.s32 $0x1  }
0xc0: {  	_ =	sfence.sel $0xFFFF  }
0xc1: {  	[dreg:$0x0] =	wrdreg $0xFFFFFFFF;
	(pc) =	sbr.abs _section_cstart, $3  }
0xc2: {  	[dreg:$0x1] =	wrdreg $0xFFFFFFFF  }
0xc3: {  	_ =	task.clear_ibuf [dreg:s8], $0x2FFFF;
	_ =	strace $0x9FFFFFFF  }
0xc4: {  	(tm) =	ssettm $0x7FFFFFFF  }
0xc5: {  	_ =	shalt  }
tec
execute0_lowered:
.L_overlay_start_1:
0x0: {  	(tag) =	ssettag $0x1  }
0x1: {  	s0 =	rddreg [dreg:$0x0]  }
0x2: {  	s1 =	rddreg [dreg:$0x1]  }
0x3: {  	s2 =	rddreg [dreg:$0x2];
	s3 =	simm.s32 $0x0;
	s13 =	stileid.u32  }
0x4: {  	s7 =	srdreg.scid;
	s28 =	simm.s32 $0x15500;
	s29 =	simm.s32 $0x2  }
0x5: {  	s30 =	simm.s32 $0x3;
	[smem:$0x7FF] =	sst s3;
	s4 =	sshrl.u32 s13, $0x1  }
0x6: {  	s6 =	sadd.s32 $0x1400, s0;
	s9 =	sadd.s32 $0x800, s0;
	s7 =	sand.u32 $0x1, s7  }
0x7: {  	s13 =	sshll.u32 s13, $0x1;
	_ =	strace $0x80000047;
	s5 =	smul.u32 $0x3, s4  }
0x8: {  	s8 =	smul.u32 $0x180, s4;
	s15 =	ssub.s32 $0x2, s7;
	s16 =	sand.u32 $0x2, s13  }
0x9: {  	s25 =	smul.u32 $0x218000, s4;
	s4 =	sshll.u32 s4, $0xF;
	s12 =	sshrl.u32 s15, $0x1  }
0xa: {  	s7 =	sor.u32 s7, s16;
	s10 =	sshrl.u32 s5, $0x3;
	s8 =	sand.u32 $0x380, s8  }
0xb: {  	s0 =	ssub.s32 s15, s12;
	s17 =	sadd.s32 $0x1, s5;
	s5 =	sadd.s32 $0x2, s5  }
0xc: {  	s15 =	sshll.u32 s7, $0xB;
	s7 =	sshll.u32 s7, $0xD;
	s11 =	sshll.u32 s10, $0xF  }
0xd: {  	s18 =	sshrl.u32 s17, $0x3;
	s14 =	sshrl.u32 s5, $0x3;
	s5 =	sshll.u32 s5, $0x7  }
0xe: {  	s10 =	sshll.u32 s10, $0xD;
	s7 =	sor.u32 s25, s7;
	s0 =	smax.u32 s0, $0x1  }
0xf: {  	s11 =	sor.u32 s8, s11;
	s19 =	sshll.u32 s18, $0xF;
	s5 =	sand.u32 $0x380, s5  }
0x10: {  	s16 =	sshll.u32 s14, $0xF;
	s10 =	sor.u32 s15, s10;
	s23 =	sshll.u32 s18, $0xD  }
0x11: {  	s24 =	sshll.u32 s14, $0xD;
	s26 =	sshrl.u32 s7, $0x3;
	s18 =	sadd.s32 $0x20000, s7  }
0x12: {  	[dreg:$0x1c] =	wrdreg s0;
	s11 =	sshrl.u32 s11, $0x3;
	s16 =	sor.u32 s5, s16  }
0x13: {  	s8 =	sor.u32 s8, s10;
	s31 =	sadd.s32 s2, s26;
	[dreg:$0xc] =	wrdreg s18  }
0x14: {  	s11 =	sadd.s32 s6, s11;
	s21 =	sshrl.u32 s16, $0x3;
	s8 =	sshrl.u32 s8, $0x3  }
0x15: {  	s16 =	sadd.s32 $0x48000, s7;
	s25 =	sadd.s32 $0x1000, s31;
	[dreg:$0xa] =	wrdreg s31  }
0x16: {  	s26 =	sadd.s32 $0x2000, s31;
	[dreg:$0x4] =	wrdreg s11;
	s11 =	sshll.u32 s17, $0x7  }
0x17: {  	s22 =	sadd.s32 s9, s8;
	s8 =	sor.u32 s15, s24;
	[dreg:$0x17] =	wrdreg s16  }
0x18: {  	s17 =	sadd.s32 $0x18000, s7;
	s24 =	sadd.s32 $0x38000, s7;
	[dreg:$0x1d] =	wrdreg s25  }
0x19: {  	[dreg:$0x1e] =	wrdreg s26;
	s25 =	simm.s32 $0xB500;
	s26 =	simm.s32 $0x1  }
0x1a: {  	s11 =	sand.u32 $0x380, s11;
	[dreg:$0x7] =	wrdreg s22;
	s5 =	sor.u32 s5, s8  }
0x1b: {  	s8 =	sshrl.u32 s17, $0x3;
	s22 =	sadd.s32 $0x28000, s7;
	[dreg:$0xb] =	wrdreg s17  }
0x1c: {  	[dreg:$0x12] =	wrdreg s24;
	s13 =	sor.u32 s11, s19;
	s5 =	sshrl.u32 s5, $0x3  }
0x1d: {  	[dreg:$0x10] =	wrdreg s22;
	s20 =	sshrl.u32 s13, $0x3;
	s5 =	sadd.s32 s9, s5  }
0x1e: {  	s19 =	sshrl.u32 s16, $0x3;
	s10 =	sadd.s32 s6, s20;
	[dreg:$0x9] =	wrdreg s5  }
0x1f: {  	s13 =	sshrl.u32 s24, $0x3;
	s6 =	sadd.s32 s6, s21;
	[dreg:$0x5] =	wrdreg s10  }
0x20: {  	s14 =	sadd.s32 s2, s13;
	s5 =	simm.s32 $0x0;
	[dreg:$0x6] =	wrdreg s6  }
0x21: {  	s6 =	sor.u32 s15, s23;
	s23 =	sadd.s32 $0x30000, s7;
	[dreg:$0x15] =	wrdreg s14  }
0x22: {  	s15 =	sadd.s32 $0x40000, s7;
	s7 =	sadd.s32 $0x50000, s7;
	s14 =	simm.s32 $0xF500  }
0x23: {  	s6 =	sor.u32 s11, s6;
	s11 =	sshrl.u32 s22, $0x3;
	[dreg:$0x16] =	wrdreg s15  }
0x24: {  	s12 =	sshrl.u32 s23, $0x3;
	[dreg:$0x18] =	wrdreg s7;
	s20 =	sshrl.u32 s7, $0x3  }
0x25: {  	[dreg:$0x11] =	wrdreg s23;
	s6 =	sshrl.u32 s6, $0x3;
	s21 =	sadd.s32 s2, s20  }
0x26: {  	s6 =	sadd.s32 s9, s6;
	s9 =	sshrl.u32 s18, $0x3;
	[dreg:$0x1b] =	wrdreg s21  }
0x27: {  	[dreg:$0x8] =	wrdreg s6;
	s6 =	sadd.s32 s1, s4;
	s1 =	sadd.s32 s2, s8  }
0x28: {  	s20 =	simm.s32 $0x200;
	s10 =	sadd.s32 s2, s9;
	[dreg:$0xe] =	wrdreg s1  }
0x29: {  	s21 =	simm.s32 $0x7500;
	s8 =	simm.s32 $0x1000;
	[dreg:$0xf] =	wrdreg s10  }
0x2a: {  	s9 =	simm.s32 $0x2000;
	s1 =	sadd.s32 s2, s11;
	[dreg:$0xd] =	wrdreg s6  }
0x2b: {  	s31 =	sadd.s32 $0x40, s6;
	[dreg:$0x13] =	wrdreg s1;
	s1 =	sadd.s32 s2, s12  }
0x2c: {  	s4 =	sadd.s32 $0x1040, s6;
	[dreg:$0x14] =	wrdreg s1;
	s1 =	sshrl.u32 s15, $0x3  }
0x2d: {  	[dreg:$0x1f] =	wrdreg s31;
	s15 =	simm.s32 $0x11500;
	s1 =	sadd.s32 s2, s1  }
0x2e: {  	v0 =	vlaneseq.u32;
	[dreg:$0x19] =	wrdreg s1;
	s1 =	sadd.s32 s2, s19;
	s19 =	simm.s32 $0x13500  }
0x2f: {  	v1 =	vimm.s32 $0x0;
	v2 =	vor.u32 $0x10, v0;
	[dreg:$0x1a] =	wrdreg s1;
	s1 =	sadd.s32 $0x1000, s6;
	s6 =	simm.s32 $0x400  }
.LBB2_1:
0x30: {  	[smem:$0x7FD] =	sst s5  }
0x31: {  	s0 =	rddreg [dreg:$0x4];
	s13 =	simm.s32 $0x80;
	s7 =	simm.s32 $0x4  }
0x32: {  	[tilespmem:s3], [sflag:$0x4] =	stream.strided.gather [hbm4b:s0+s13], $0x1000, s6, s13, $0x38;
	[tilespmem:$0x17500] =	vst v63  }
0x33: {  	_ =	swait.ge [sflag:s7], $0x1000  }
0x34: {  	[sflag:s7] =	ssyncset.done $0x0  }
0x35: {  	s16 =	rddreg [dreg:$0x5];
	[sflag:s7] =	ssyncadd.s32 $0xFFFFF000  }
0x36: {  	[tilespmem:s8], [sflag:$0x4] =	stream.strided.gather [hbm4b:s16+s13], $0x1000, s6, s13, $0x38;
	[tilespmem:$0x17500] =	vst v63  }
0x37: {  	_ =	swait.ge [sflag:s7], $0x1000  }
0x38: {  	[sflag:s7] =	ssyncset.done $0x0  }
0x39: {  	s17 =	rddreg [dreg:$0x6];
	[sflag:s7] =	ssyncadd.s32 $0xFFFFF000  }
0x3a: {  	[tilespmem:s9], [sflag:$0x4] =	stream.strided.gather [hbm4b:s17+s13], $0x1000, s6, s13, $0x38;
	[tilespmem:$0x17500] =	vst v63  }
0x3b: {  	_ =	swait.ge [sflag:s7], $0x1000  }
0x3c: {  	[sflag:s7] =	ssyncset.done $0x0  }
0x3d: {  	s10 =	simm.s32 $0x3000;
	s18 =	rddreg [dreg:$0x7];
	[sflag:s7] =	ssyncadd.s32 $0xFFFFF000  }
0x3e: {  	[tilespmem:s10], [sflag:$0x4] =	stream.strided.gather [hbm4b:s18+s13], $0x100, s6, s13, $0x38;
	[tilespmem:$0x17500] =	vst v63  }
0x3f: {  	_ =	swait.ge [sflag:s7], $0x100  }
0x40: {  	[sflag:s7] =	ssyncset.done $0x0  }
0x41: {  	s23 =	simm.s32 $0x3100;
	s22 =	rddreg [dreg:$0x8];
	[sflag:s7] =	ssyncadd.s32 $0xFFFFFF00  }
0x42: {  	[tilespmem:s23], [sflag:$0x4] =	stream.strided.gather [hbm4b:s22+s13], $0x100, s6, s13, $0x38;
	[tilespmem:$0x17500] =	vst v63  }
0x43: {  	_ =	swait.ge [sflag:s7], $0x100  }
0x44: {  	[sflag:s7] =	ssyncset.done $0x0  }
0x45: {  	s31 =	simm.s32 $0x3200;
	s24 =	rddreg [dreg:$0x9];
	[sflag:s7] =	ssyncadd.s32 $0xFFFFFF00  }
0x46: {  	[tilespmem:s31], [sflag:$0x4] =	stream.strided.gather [hbm4b:s24+s13], $0x100, s6, s13, $0x38;
	[tilespmem:$0x17500] =	vst v63  }
0x47: {  	_ =	swait.ge [sflag:s7], $0x100  }
0x48: {  	[sflag:s7] =	ssyncset.done $0x0  }
0x49: {  	s0 =	simm.s32 $0x0;
	[sflag:s7] =	ssyncadd.s32 $0xFFFFFF00  }
.LBB2_2:
0x4a: {  	s5 =	sand.u32 $0xFF, s0;
	s10 =	sshll.u32 s0, $0x5  }
0x4b: {  	v3 =	vld.msk [tilespmem:s0+$0x3000 ss:$0x0], $0xffff;
	s12 =	simm.s32 $0x0;
	s13 =	simm.s32 $0xF0;
	s7 =	sor.u32 $0x3100, s5  }
0x4c: {  	s31 =	simm.s32 $0x1080;
	s5 =	sor.u32 $0x3200, s5;
	s11 =	sadd.s32 $0x5380, s10;
	v4 =	vld.msk [tilespmem:s7+$0x0 ss:$0x0], $0xffff  }
0x4d: {  	v5 =	vld.msk [tilespmem:s5+$0x0 ss:$0x0], $0xffff;
	s5 =	simm.s32 $0x2080;
	[tilespmem:s10+$0x5380] =	vst v1;
	s7 =	simm.s32 $0x80;
	v6 =	vmov s11;
	s11 =	simm.s32 $0x0  }
.LBB2_3:
0x4e: {  	v7 =	vld [tilespmem:s7+$0xFFFFFF80]  }
0x4f: {  	v8 =	vld [tilespmem:s31+$0xFFFFFF80]  }
0x50: {  	v9 =	vld [tilespmem:s7+$0xFFFFFF90]  }
0x51: {  	v10 =	vld [tilespmem:s31+$0xFFFFFF90]  }
0x52: {  	v11 =	vld [tilespmem:s5+$0xFFFFFF80]  }
0x53: {  	v12 =	vld [tilespmem:s5+$0xFFFFFF90]  }
0x54: {  	v13 =	vld [tilespmem:s7+$0xFFFFFFA0]  }
0x55: {  	v14 =	vld [tilespmem:s31+$0xFFFFFFA0]  }
0x56: {  	v15 =	vld [tilespmem:s7+$0xFFFFFFB0]  }
0x57: {  	v16 =	vld [tilespmem:s31+$0xFFFFFFB0]  }
0x58: {  	v17 =	vld [tilespmem:s5+$0xFFFFFFA0]  }
0x59: {  	v18 =	vld [tilespmem:s31+$0xFFFFFFC0]  }
0x5a: {  	v19 =	vld [tilespmem:s7+$0xFFFFFFD0]  }
0x5b: {  	v29 =	vld [tilespmem:s31+$0xFFFFFFD0]  }
0x5c: {  	v33 =	vld [tilespmem:s5+$0xFFFFFFD0];
	v7 =	vsub.f32 v7, v3  }
0x5d: {  	v34 =	vld [tilespmem:s7+$0xFFFFFFE0];
	v8 =	vsub.f32 v8, v4;
	v9 =	vsub.f32 v9, v3  }
0x5e: {  	v20 =	vld [tilespmem:s31+$0xFFFFFFE0];
	v10 =	vsub.f32 v10, v4;
	v11 =	vsub.f32 v11, v5  }
0x5f: {  	v21 =	vld [tilespmem:s7+$0xFFFFFFF0];
	v12 =	vsub.f32 v12, v5;
	v13 =	vsub.f32 v13, v3  }
0x60: {  	v36 =	vld [tilespmem:s31+$0xFFFFFFF0];
	v14 =	vsub.f32 v14, v4;
	v15 =	vsub.f32 v15, v3  }
0x61: {  	v38 =	vld [tilespmem:s5+$0xFFFFFFE0];
	v16 =	vsub.f32 v16, v4;
	v17 =	vsub.f32 v17, v5  }
0x62: {  	v46 =	vld [tilespmem:s7+$0x10];
	v18 =	vsub.f32 v18, v4;
	v19 =	vsub.f32 v19, v3  }
0x63: {  	v53 =	vld [tilespmem:s5+$0x10];
	v40 =	vsub.f32 v33, v5;
	v42 =	vsub.f32 v34, v3;
	v7 =	vmul.f32 v7, v7  }
0x64: {  	v41 =	vld [tilespmem:s7+$0x0];
	v43 =	vsub.f32 v20, v4;
	v8 =	vmul.f32 v8, v8;
	v9 =	vmul.f32 v9, v9  }
0x65: {  	v49 =	vld [tilespmem:s31+$0x10];
	v45 =	vsub.f32 v21, v3;
	v10 =	vmul.f32 v10, v10;
	v11 =	vmul.f32 v11, v11  }
0x66: {  	v57 =	vld [tilespmem:s7+$0x30];
	v52 =	vsub.f32 v38, v5;
	v12 =	vmul.f32 v12, v12;
	v27 =	vmul.f32 v13, v13  }
0x67: {  	v62 =	vld [tilespmem:s5+$0x20];
	v56 =	vsub.f32 v46, v3;
	v28 =	vmul.f32 v14, v14;
	v30 =	vmul.f32 v15, v15  }
0x68: {  	v26 =	vld [tilespmem:s7+$0xFFFFFFC0];
	v24 =	vsub.f32 v53, v5;
	v31 =	vmul.f32 v16, v16;
	v17 =	vmul.f32 v17, v17  }
0x69: {  	v54 =	vld [tilespmem:s7+$0x20];
	v14 =	vsub.f32 v29, v4;
	v35 =	vmul.f32 v18, v18;
	v37 =	vmul.f32 v19, v19  }
0x6a: {  	v33 =	vld [tilespmem:s31+$0x50];
	v18 =	vsub.f32 v36, v4;
	v47 =	vmul.f32 v42, v42;
	v48 =	vmul.f32 v43, v43  }
0x6b: {  	v50 =	vmul.f32 v45, v45;
	v13 =	vsub.f32 v41, v3;
	v15 =	vsub.f32 v49, v4  }
0x6c: {  	v32 =	vld [tilespmem:s5+$0xFFFFFFC0];
	v61 =	vmul.f32 v56, v56;
	v29 =	vsub.f32 v57, v3;
	v36 =	vsub.f32 v62, v5  }
0x6d: {  	v55 =	vld [tilespmem:s31+$0x20];
	v7 =	vadd.f32 v8, v7;
	v9 =	vadd.f32 v10, v9;
	v14 =	vmul.f32 v14, v14  }
0x6e: {  	v44 =	vld [tilespmem:s31+$0x0];
	v10 =	vsub.f32 v26, v3;
	v18 =	vmul.f32 v18, v18;
	v58 =	vmul.f32 v13, v13  }
0x6f: {  	v60 =	vld [tilespmem:s31+$0x30];
	v15 =	vmul.f32 v15, v15;
	v26 =	vsub.f32 v54, v3;
	v16 =	vsub.f32 v33, v4  }
0x70: {  	v8 =	vld [tilespmem:s5+$0xFFFFFFB0];
	v34 =	vmul.f32 v29, v29;
	v7 =	vadd.f32 v11, v7;
	v9 =	vadd.f32 v12, v9  }
0x71: {  	v41 =	vld [tilespmem:s7+$0x60];
	v11 =	vadd.f32 v28, v27;
	v12 =	vadd.f32 v31, v30;
	v10 =	vmul.f32 v10, v10  }
0x72: {  	v27 =	vsub.f32 v55, v4;
	v28 =	vld [tilespmem:s31+$0x40];
	v31 =	vmul.f32 v26, v26;
	v16 =	vmul.f32 v16, v16  }
0x73: {  	v55 =	vld [tilespmem:s5+$0x70];
	v11 =	vadd.f32 v17, v11;
	vm1 =	vlt.f32 v7, $3.999999910e-02;
	v7 =	vsub.f32 v32, v5  }
0x74: {  	v10 =	vadd.f32 v35, v10;
	vm0 =	vlt.f32 v9, $3.999999910e-02;
	v17 =	vsub.f32 v44, v4  }
0x75: {  	v9 =	vmul.f32 v40, v40;
	v32 =	vmul.f32 v27, v27;
	v35 =	vld [tilespmem:s5+$0x40];
	v8 =	vsub.f32 v8, v5  }
0x76: {  	v51 =	vld [tilespmem:s5+$0x0];
	v49 =	vsub.f32 v41, v3;
	v7 =	vmul.f32 v7, v7;
	v59 =	vmul.f32 v17, v17  }
0x77: {  	v46 =	vld [tilespmem:s7+$0x70];
	v17 =	vsub.f32 v60, v4;
	v8 =	vmul.f32 v8, v8;
	v38 =	vsub.f32 v28, v4  }
0x78: {  	v53 =	vld [tilespmem:s5+$0x60];
	vm3 =	vlt.f32 v11, $3.999999910e-02;
	v60 =	vsub.f32 v55, v5;
	v7 =	vadd.f32 v7, v10  }
0x79: {  	v39 =	vld [tilespmem:s5+$0xFFFFFFF0];
	v11 =	vmul.f32 v52, v52;
	v10 =	vadd.f32 v48, v47;
	v8 =	vadd.f32 v8, v12  }
0x7a: {  	v30 =	vld [tilespmem:s7+$0x50];
	v52 =	vmpcnt.ones.xlane vm0;
	v12 =	vadd.f32 v14, v37;
	v40 =	vsub.f32 v35, v5  }
0x7b: {  	v10 =	vadd.f32 v11, v10;
	vm5 =	vlt.f32 v7, $3.999999910e-02;
	v7 =	vsub.f32 v51, v5  }
0x7c: {  	v54 =	vmpcnt.ones.xlane vm3;
	v11 =	vadd.f32 v59, v58;
	v51 =	vsub.f32 v46, v3  }
0x7d: {  	v25 =	vld [tilespmem:s7+$0x40];
	v17 =	vmul.f32 v17, v17;
	v59 =	vsub.f32 v53, v5;
	v9 =	vadd.f32 v9, v12  }
0x7e: {  	vm2 =	vlt.f32 v8, $3.999999910e-02;
	v8 =	vsub.f32 v39, v5;
	v7 =	vmul.f32 v7, v7  }
0x7f: {  	v13 =	vmul.f32 v38, v38;
	v12 =	vadd.f32 v18, v50;
	v39 =	vsub.f32 v30, v3  }
0x80: {  	v43 =	vmul.f32 v40, v40;
	v50 =	vmpcnt.ones.xlane vm1;
	v7 =	vadd.f32 v7, v11  }
0x81: {  	v63 =	vld [tilespmem:s5+$0x30];
	v57 =	vmpcnt.ones.xlane vm5;
	vm8 =	vlt.f32 v10, $3.999999910e-02;
	v10 =	vmul.f32 v36, v36  }
0x82: {  	v37 =	vld [tilespmem:s5+$0x50];
	v8 =	vmul.f32 v8, v8;
	vm6 =	vlt.f32 v7, $3.999999910e-02;
	v7 =	vsub.f32 v25, v3  }
0x83: {  	v56 =	vmpcnt.ones.xlane vm2;
	vm4 =	vlt.f32 v9, $3.999999910e-02;
	(v2sf) =	vpush v50, $0x0  }
0x84: {  	v11 =	vadd.f32 v32, v31;
	v8 =	vadd.f32 v8, v12;
	v7 =	vmul.f32 v7, v7  }
0x85: {  	v42 =	vld [tilespmem:s31+$0x60];
	v9 =	vmul.f32 v24, v24;
	(v2sf) =	vpush v52, $0x0;
	v12 =	vadd.f32 v15, v61  }
0x86: {  	vm7 =	vlt.f32 v8, $3.999999910e-02;
	v8 =	vsub.f32 v63, v5;
	v7 =	vadd.f32 v13, v7  }
0x87: {  	v14 =	vmul.f32 v39, v39;
	v15 =	vsub.f32 v37, v5;
	v9 =	vadd.f32 v9, v12  }
0x88: {  	v47 =	vld [tilespmem:s31+$0x70];
	v12 =	vadd.f32 v17, v34;
	v8 =	vmul.f32 v8, v8;
	v7 =	vadd.f32 v43, v7  }
0x89: {  	v58 =	vmpcnt.ones.xlane vm8;
	v44 =	vadd.f32 v16, v14;
	(v2sf) =	vpush v54, $0x0  }
0x8a: {  	v8 =	vadd.f32 v8, v12;
	vm10 =	vlt.f32 v7, $3.999999910e-02;
	v7 =	vsub.f32 v42, v4  }
0x8b: {  	v10 =	vadd.f32 v10, v11;
	v11 =	vmul.f32 v51, v51;
	(v2sf) =	vpush v56, $0x0  }
0x8c: {  	vm11 =	vlt.f32 v8, $3.999999910e-02;
	v8 =	vmul.f32 v49, v49;
	v7 =	vmul.f32 v7, v7  }
0x8d: {  	v45 =	vmul.f32 v15, v15;
	vm13 =	vlt.f32 v9, $3.999999910e-02;
	v9 =	vsub.f32 v47, v4  }
0x8e: {  	(v2sf) =	vpush v57, $0x0;
	v7 =	vadd.f32 v7, v8;
	v8 =	vmpcnt.ones.xlane vm4  }
0x8f: {  	v61 =	vmpcnt.ones.xlane vm6;
	vm12 =	vlt.f32 v10, $3.999999910e-02;
	v9 =	vmul.f32 v9, v9  }
0x90: {  	v48 =	vadd.f32 v45, v44;
	(v2sf) =	vpush v8, $0x0;
	v8 =	vmpcnt.ones.xlane vm7  }
0x91: {  	v62 =	vmpcnt.ones.xlane vm12;
	v9 =	vadd.f32 v9, v11;
	(v2sf) =	vpush v58, $0x0  }
0x92: {  	v11 =	vmul.f32 v59, v59;
	(v2sf) =	vpush v8, $0x0;
	v8 =	vmpcnt.ones.xlane vm13  }
0x93: {  	vm9 =	vlt.f32 v48, $3.999999910e-02;
	v12 =	vmul.f32 v60, v60;
	(v2sf) =	vpush v61, $0x0  }
0x94: {  	v7 =	vadd.f32 v11, v7;
	(v2sf) =	vpush v8, $0x0;
	v8 =	vmpcnt.ones.xlane vm11  }
0x95: {  	v9 =	vadd.f32 v12, v9;
	v63 =	vmpcnt.ones.xlane vm10;
	(v2sf) =	vpush v62, $0x0  }
0x96: {  	vm15 =	vlt.f32 v7, $3.999999910e-02;
	v7 =	vmpcnt.ones.xlane vm9;
	(v2sf) =	vpush v8, $0x0  }
0x97: {  	vm14 =	vlt.f32 v9, $3.999999910e-02;
	v8 =	vmpcnt.ones.xlane vm15;
	(v2sf) =	vpush v63, $0x0  }
0x98: {  	(v2sf) =	vpush v7, $0x0;
	v7 =	vmpcnt.ones.xlane vm14  }
0x99: {  	(v2sf) =	vpush v8, $0x0  }
0x9a: {  	s16 =	spop (v2sf);
	(v2sf) =	vpush v7, $0x0  }
0x9b: {  	s17 =	spop (v2sf);
	s16 =	sadd.s32 s12, s16  }
0x9c: {  	s22 =	sadd.s32 $0xFFFFFF10, s13;
	s18 =	spop (v2sf);
	s17 =	sadd.s32 s17, s16  }
0x9d: {  	s24 =	sadd.s32 $0xFFFFFF20, s13;
	s23 =	spop (v2sf);
	s18 =	sadd.s32 s18, s17;
	v7 =	vor.u32 s22, v0  }
0x9e: {  	s23 =	sadd.s32 s23, s18;
	[tilespmem:v6+s12+$0x0 ss:$0x1] =	vst.idx.msk vm1, v7;
	s12 =	spop (v2sf);
	v7 =	vor.u32 s24, v0;
	s24 =	sadd.s32 $0xFFFFFF30, s13  }
0x9f: {  	[tilespmem:v6+s16+$0x0 ss:$0x1] =	vst.idx.msk vm0, v7;
	v7 =	vor.u32 s24, v0;
	s24 =	sadd.s32 $0xFFFFFF40, s13;
	s12 =	sadd.s32 s12, s23;
	s16 =	spop (v2sf)  }
0xa0: {  	[tilespmem:v6+s17+$0x0 ss:$0x1] =	vst.idx.msk vm3, v7;
	v7 =	vor.u32 s24, v0;
	s24 =	sadd.s32 $0xFFFFFF50, s13;
	s17 =	spop (v2sf);
	s16 =	sadd.s32 s16, s12  }
0xa1: {  	[tilespmem:v6+s18+$0x0 ss:$0x1] =	vst.idx.msk vm2, v7;
	v7 =	vor.u32 s24, v0;
	s24 =	sadd.s32 $0xFFFFFF60, s13;
	s18 =	spop (v2sf);
	s17 =	sadd.s32 s17, s16  }
0xa2: {  	[tilespmem:v6+s23+$0x0 ss:$0x1] =	vst.idx.msk vm5, v7;
	v7 =	vor.u32 s24, v0;
	s24 =	sadd.s32 $0xFFFFFF70, s13;
	s23 =	spop (v2sf);
	s18 =	sadd.s32 s18, s17  }
0xa3: {  	[tilespmem:v6+s12+$0x0 ss:$0x1] =	vst.idx.msk vm4, v7;
	v7 =	vor.u32 s24, v0;
	s24 =	sadd.s32 $0xFFFFFF80, s13;
	s12 =	spop (v2sf);
	s23 =	sadd.s32 s23, s18  }
0xa4: {  	[tilespmem:v6+s16+$0x0 ss:$0x1] =	vst.idx.msk vm8, v7;
	v7 =	vor.u32 s24, v0;
	s24 =	sadd.s32 $0xFFFFFF90, s13;
	s16 =	spop (v2sf);
	s12 =	sadd.s32 s12, s23  }
0xa5: {  	[tilespmem:v6+s17+$0x0 ss:$0x1] =	vst.idx.msk vm7, v7;
	v7 =	vor.u32 s24, v0;
	s24 =	sadd.s32 $0xFFFFFFA0, s13;
	s17 =	spop (v2sf);
	s16 =	sadd.s32 s16, s12  }
0xa6: {  	[tilespmem:v6+s18+$0x0 ss:$0x1] =	vst.idx.msk vm6, v7;
	v7 =	vor.u32 s24, v0;
	s24 =	sadd.s32 $0xFFFFFFB0, s13;
	s18 =	spop (v2sf);
	s17 =	sadd.s32 s17, s16  }
0xa7: {  	[tilespmem:v6+s23+$0x0 ss:$0x1] =	vst.idx.msk vm13, v7;
	v7 =	vor.u32 s24, v0;
	s24 =	sadd.s32 $0xFFFFFFC0, s13;
	s23 =	spop (v2sf);
	s18 =	sadd.s32 s18, s17  }
0xa8: {  	[tilespmem:v6+s12+$0x0 ss:$0x1] =	vst.idx.msk vm12, v7;
	v7 =	vor.u32 s24, v0;
	s24 =	sadd.s32 $0xFFFFFFD0, s13;
	s12 =	spop (v2sf);
	s23 =	sadd.s32 s23, s18  }
0xa9: {  	[tilespmem:v6+s16+$0x0 ss:$0x1] =	vst.idx.msk vm11, v7;
	v7 =	vor.u32 s24, v0;
	s22 =	spop (v2sf);
	s24 =	sadd.s32 s12, s23  }
0xaa: {  	p0 =	sgt.u32 s11, $0xEF;
	s12 =	sadd.s32 s22, s24  }
0xab: {  	p1 =	slt.s32 @!p0 s12, $0x20  }
0xac: {  	p0 =	por p0, !p1  }
.Ltmp0:
0xad: {  	s16 =	sadd.s32 $0xFFFFFFE0, s13;
	(pc) =	sbr.rel @!p0 .LBB2_3-.Ltmp0, $4  }
0xae: {  	[tilespmem:v6+s17+$0x0 ss:$0x1] =	vst.idx.msk vm10, v7;
	v7 =	vor.u32 s16, v0;
	s17 =	sadd.s32 $0xFFFFFFF0, s13  }
0xaf: {  	[tilespmem:v6+s18+$0x0 ss:$0x1] =	vst.idx.msk vm9, v7;
	v7 =	vor.u32 s17, v0  }
0xb0: {  	s11 =	sadd.s32 $0x10, s11;
	s7 =	sadd.s32 $0x100, s7;
	v8 =	vor.u32 s13, v0;
	[tilespmem:v6+s23+$0x0 ss:$0x1] =	vst.idx.msk vm15, v7  }
0xb1: {  	s31 =	sadd.s32 $0x100, s31;
	s5 =	sadd.s32 $0x100, s5;
	s13 =	sadd.s32 $0x100, s13;
	[tilespmem:v6+s24+$0x0 ss:$0x1] =	vst.idx.msk vm14, v8  }
0xb2: {  	v6 =	vld [tilespmem:s10+$0x5380];
	_ =	sdelay $0x4  }
0xb3: {  	v8 =	vmov s12;
	v7 =	vbroadcast v6, $0x0  }
0xb4: {  	vm0 =	vgt.s32 v8, v0  }
0xb5: {  	v6 =	vsel vm0, v6, v7;
	_ =	sdelay $0x3  }
0xb6: {  	[tilespmem:s10+$0x3380] =	vst v6  }
0xb7: {  	v9 =	vld.idx.msk [tilespmem:v6+s3+$0x0], $0xffff;
	_ =	sdelay $0x4  }
0xb8: {  	v9 =	vsub.f32 v9, v3;
	_ =	sdelay $0x1  }
0xb9: {  	[tilespmem:s10+$0xF500] =	vst v9  }
0xba: {  	v9 =	vld.idx.msk [tilespmem:v6+s8+$0x0], $0xffff;
	_ =	sdelay $0x4  }
0xbb: {  	v9 =	vsub.f32 v9, v4  }
0xbc: {  	v63 =	vld [tilespmem:s10+$0x5390]  }
0xbd: {  	[tilespmem:s10+$0x11500] =	vst v9  }
0xbe: {  	v6 =	vld.idx.msk [tilespmem:v6+s9+$0x0], $0xffff;
	_ =	sdelay $0x1  }
0xbf: {  	vm15 =	vgt.s32 v8, v2  }
0xc0: {  	v7 =	vsel vm15, v63, v7;
	_ =	sdelay $0x1  }
0xc1: {  	v6 =	vsub.f32 v6, v5  }
0xc2: {  	[tilespmem:s10+$0x3390] =	vst v7  }
0xc3: {  	[tilespmem:s10+$0x13500] =	vst v6  }
0xc4: {  	v6 =	vld.idx.msk [tilespmem:v7+s3+$0x0], $0xffff;
	_ =	sdelay $0x4  }
0xc5: {  	v3 =	vsub.f32 v6, v3;
	_ =	sdelay $0x1  }
0xc6: {  	[tilespmem:s10+$0xF510] =	vst v3  }
0xc7: {  	v3 =	vld.idx.msk [tilespmem:v7+s8+$0x0], $0xffff;
	_ =	sdelay $0x4  }
0xc8: {  	v3 =	vsub.f32 v3, v4;
	_ =	sdelay $0x1  }
0xc9: {  	[tilespmem:s10+$0x11510] =	vst v3  }
0xca: {  	v3 =	vld.idx.msk [tilespmem:v7+s9+$0x0], $0xffff  }
0xcb: {  	s0 =	sadd.s32 $0x1, s0  }
0xcc: {  	p0 =	sne.s32 s0, $0x100  }
.Ltmp1:
0xcd: {  	_ = 	snop;
	(pc) =	sbr.rel @p0 .LBB2_2-.Ltmp1, $3  }
0xce: {  	_ = 	snop  }
0xcf: {  	v3 =	vsub.f32 v3, v5;
	_ =	sdelay $0x1  }
0xd0: {  	[tilespmem:s10+$0x13510] =	vst v3  }
0xd1: {  	s0 =	rddreg [dreg:$0xa];
	s5 =	simm.s32 $0x4  }
0xd2: {  	[hbm4b:s0+s3] =	stream.linear.scatter [tilespmem:s14], [sflag:$0x4], $0x2000, $0x38;
	[tilespmem:$0x17500] =	vst v63  }
0xd3: {  	_ =	swait.ge [sflag:s5], $0x2000  }
0xd4: {  	[sflag:s5] =	ssyncset.done $0x0  }
0xd5: {  	s22 =	rddreg [dreg:$0x1d];
	[sflag:s5] =	ssyncadd.s32 $0xFFFFE000  }
0xd6: {  	[hbm4b:s22+s3] =	stream.linear.scatter [tilespmem:s15], [sflag:$0x4], $0x2000, $0x38;
	[tilespmem:$0x17500] =	vst v63  }
0xd7: {  	_ =	swait.ge [sflag:s5], $0x2000  }
0xd8: {  	[sflag:s5] =	ssyncset.done $0x0  }
0xd9: {  	s23 =	rddreg [dreg:$0x1e];
	[sflag:s5] =	ssyncadd.s32 $0xFFFFE000  }
0xda: {  	[hbm4b:s23+s3] =	stream.linear.scatter [tilespmem:s19], [sflag:$0x4], $0x2000, $0x38;
	[tilespmem:$0x17500] =	vst v63  }
0xdb: {  	_ =	swait.ge [sflag:s5], $0x2000  }
0xdc: {  	[sflag:s5] =	ssyncset.done $0x0  }
0xdd: {  	s24 =	rddreg [dreg:$0xd];
	[sflag:s5] =	ssyncadd.s32 $0xFFFFE000  }
0xde: {  	[tilespmem:s21], [sflag:$0x1] =	stream.strided.gather [hbm4b:s24+s20], $0x4000, s6, s20, $0x38;
	[tilespmem:$0x17500] =	vst v63  }
0xdf: {  	s31 =	rddreg [dreg:$0x1f]  }
0xe0: {  	[tilespmem:s25], [sflag:$0x2] =	stream.strided.gather [hbm4b:s31+s20], $0x4000, s6, s20, $0x38;
	[tilespmem:$0x17500] =	vst v63  }
0xe1: {  	s7 =	simm.s32 $0xF540;
	s10 =	simm.s32 $0x11540;
	_ =	swait.ge [sflag:s26], $0x4000  }
0xe2: {  	s11 =	simm.s32 $0x13540;
	s12 =	simm.s32 $0x15540;
	[sflag:s26] =	ssyncset.done $0x0  }
0xe3: {  	s0 =	simm.s32 $0xFFFFFFF8;
	s5 =	simm.s32 $0x33C0;
	[sflag:s26] =	ssyncadd.s32 $0xFFFFC000  }
.LBB2_6:
0xe4: {  	v3 =	vld [tilespmem:s5+$0xFFFFFFC0];
	_ =	sdelay $0x4  }
0xe5: {  	v4 =	vshll.u32 v3, $0x2  }
0xe6: {  	v3 =	vand.u32 $0x7F, v3;
	v4 =	vand.u32 $0xFFFFFE00, v4  }
0xe7: {  	v3 =	vor.u32 v3, v4;
	_ =	sdelay $0x4  }
0xe8: {  	v4 =	vld.idx.msk [tilespmem:v3+s21+$0x0], $0xffff  }
0xe9: {  	v5 =	vor.u32 $0x80, v3;
	_ =	sdelay $0x3  }
0xea: {  	[tilespmem:s7+$0xFFFFFFC0] =	vst v4  }
0xeb: {  	v4 =	vld.idx.msk [tilespmem:v5+s21+$0x0], $0xffff  }
0xec: {  	v42 =	vor.u32 $0x100, v3;
	_ =	sdelay $0x3  }
0xed: {  	[tilespmem:s10+$0xFFFFFFC0] =	vst v4  }
0xee: {  	v4 =	vld.idx.msk [tilespmem:v42+s21+$0x0], $0xffff  }
0xef: {  	v3 =	vor.u32 $0x180, v3;
	_ =	sdelay $0x3  }
0xf0: {  	[tilespmem:s11+$0xFFFFFFC0] =	vst v4  }
0xf1: {  	v3 =	vld.idx.msk [tilespmem:v3+s21+$0x0], $0xffff;
	_ =	sdelay $0x4  }
0xf2: {  	[tilespmem:s12+$0xFFFFFFC0] =	vst v3  }
0xf3: {  	v3 =	vld [tilespmem:s5+$0xFFFFFFD0];
	_ =	sdelay $0x4  }
0xf4: {  	v43 =	vshll.u32 v3, $0x2  }
0xf5: {  	v3 =	vand.u32 $0x7F, v3;
	v4 =	vand.u32 $0xFFFFFE00, v43  }
0xf6: {  	v3 =	vor.u32 v3, v4;
	_ =	sdelay $0x4  }
0xf7: {  	v4 =	vld.idx.msk [tilespmem:v3+s21+$0x0], $0xffff  }
0xf8: {  	v44 =	vor.u32 $0x80, v3;
	_ =	sdelay $0x3  }
0xf9: {  	[tilespmem:s7+$0xFFFFFFD0] =	vst v4  }
0xfa: {  	v4 =	vld.idx.msk [tilespmem:v44+s21+$0x0], $0xffff  }
0xfb: {  	v45 =	vor.u32 $0x100, v3;
	_ =	sdelay $0x3  }
0xfc: {  	[tilespmem:s10+$0xFFFFFFD0] =	vst v4  }
0xfd: {  	v4 =	vld.idx.msk [tilespmem:v45+s21+$0x0], $0xffff  }
0xfe: {  	v3 =	vor.u32 $0x180, v3;
	_ =	sdelay $0x3  }
0xff: {  	[tilespmem:s11+$0xFFFFFFD0] =	vst v4  }
0x100: {  	v3 =	vld.idx.msk [tilespmem:v3+s21+$0x0], $0xffff;
	_ =	sdelay $0x4  }
0x101: {  	[tilespmem:s12+$0xFFFFFFD0] =	vst v3  }
0x102: {  	v3 =	vld [tilespmem:s5+$0xFFFFFFE0];
	_ =	sdelay $0x4  }
0x103: {  	v46 =	vshll.u32 v3, $0x2  }
0x104: {  	v3 =	vand.u32 $0x7F, v3;
	v4 =	vand.u32 $0xFFFFFE00, v46  }
0x105: {  	v3 =	vor.u32 v3, v4;
	_ =	sdelay $0x4  }
0x106: {  	v4 =	vld.idx.msk [tilespmem:v3+s21+$0x0], $0xffff  }
0x107: {  	v47 =	vor.u32 $0x80, v3;
	_ =	sdelay $0x3  }
0x108: {  	[tilespmem:s7+$0xFFFFFFE0] =	vst v4  }
0x109: {  	v4 =	vld.idx.msk [tilespmem:v47+s21+$0x0], $0xffff  }
0x10a: {  	v48 =	vor.u32 $0x100, v3;
	_ =	sdelay $0x3  }
0x10b: {  	[tilespmem:s10+$0xFFFFFFE0] =	vst v4  }
0x10c: {  	v4 =	vld.idx.msk [tilespmem:v48+s21+$0x0], $0xffff  }
0x10d: {  	v3 =	vor.u32 $0x180, v3;
	_ =	sdelay $0x3  }
0x10e: {  	[tilespmem:s11+$0xFFFFFFE0] =	vst v4  }
0x10f: {  	v3 =	vld.idx.msk [tilespmem:v3+s21+$0x0], $0xffff;
	_ =	sdelay $0x4  }
0x110: {  	[tilespmem:s12+$0xFFFFFFE0] =	vst v3  }
0x111: {  	v3 =	vld [tilespmem:s5+$0xFFFFFFF0];
	_ =	sdelay $0x4  }
0x112: {  	v49 =	vshll.u32 v3, $0x2  }
0x113: {  	v3 =	vand.u32 $0x7F, v3;
	v4 =	vand.u32 $0xFFFFFE00, v49  }
0x114: {  	v3 =	vor.u32 v3, v4;
	_ =	sdelay $0x4  }
0x115: {  	v4 =	vld.idx.msk [tilespmem:v3+s21+$0x0], $0xffff  }
0x116: {  	v50 =	vor.u32 $0x80, v3;
	_ =	sdelay $0x3  }
0x117: {  	[tilespmem:s7+$0xFFFFFFF0] =	vst v4  }
0x118: {  	v4 =	vld.idx.msk [tilespmem:v50+s21+$0x0], $0xffff  }
0x119: {  	v51 =	vor.u32 $0x100, v3;
	_ =	sdelay $0x3  }
0x11a: {  	[tilespmem:s10+$0xFFFFFFF0] =	vst v4  }
0x11b: {  	v4 =	vld.idx.msk [tilespmem:v51+s21+$0x0], $0xffff  }
0x11c: {  	v3 =	vor.u32 $0x180, v3;
	_ =	sdelay $0x3  }
0x11d: {  	[tilespmem:s11+$0xFFFFFFF0] =	vst v4  }
0x11e: {  	v3 =	vld.idx.msk [tilespmem:v3+s21+$0x0], $0xffff;
	_ =	sdelay $0x4  }
0x11f: {  	[tilespmem:s12+$0xFFFFFFF0] =	vst v3  }
0x120: {  	v3 =	vld [tilespmem:s5+$0x0];
	_ =	sdelay $0x4  }
0x121: {  	v52 =	vshll.u32 v3, $0x2  }
0x122: {  	v3 =	vand.u32 $0x7F, v3;
	v4 =	vand.u32 $0xFFFFFE00, v52  }
0x123: {  	v3 =	vor.u32 v3, v4;
	_ =	sdelay $0x4  }
0x124: {  	v4 =	vld.idx.msk [tilespmem:v3+s21+$0x0], $0xffff  }
0x125: {  	v53 =	vor.u32 $0x80, v3;
	_ =	sdelay $0x3  }
0x126: {  	[tilespmem:s7+$0x0] =	vst v4  }
0x127: {  	v4 =	vld.idx.msk [tilespmem:v53+s21+$0x0], $0xffff  }
0x128: {  	v54 =	vor.u32 $0x100, v3;
	_ =	sdelay $0x3  }
0x129: {  	[tilespmem:s10+$0x0] =	vst v4  }
0x12a: {  	v4 =	vld.idx.msk [tilespmem:v54+s21+$0x0], $0xffff  }
0x12b: {  	v3 =	vor.u32 $0x180, v3;
	_ =	sdelay $0x3  }
0x12c: {  	[tilespmem:s11+$0x0] =	vst v4  }
0x12d: {  	v3 =	vld.idx.msk [tilespmem:v3+s21+$0x0], $0xffff;
	_ =	sdelay $0x4  }
0x12e: {  	[tilespmem:s12+$0x0] =	vst v3  }
0x12f: {  	v3 =	vld [tilespmem:s5+$0x10];
	_ =	sdelay $0x4  }
0x130: {  	v55 =	vshll.u32 v3, $0x2  }
0x131: {  	v3 =	vand.u32 $0x7F, v3;
	v4 =	vand.u32 $0xFFFFFE00, v55  }
0x132: {  	v3 =	vor.u32 v3, v4;
	_ =	sdelay $0x4  }
0x133: {  	v4 =	vld.idx.msk [tilespmem:v3+s21+$0x0], $0xffff  }
0x134: {  	v56 =	vor.u32 $0x80, v3;
	_ =	sdelay $0x3  }
0x135: {  	[tilespmem:s7+$0x10] =	vst v4  }
0x136: {  	v4 =	vld.idx.msk [tilespmem:v56+s21+$0x0], $0xffff  }
0x137: {  	v57 =	vor.u32 $0x100, v3;
	_ =	sdelay $0x3  }
0x138: {  	[tilespmem:s10+$0x10] =	vst v4  }
0x139: {  	v4 =	vld.idx.msk [tilespmem:v57+s21+$0x0], $0xffff  }
0x13a: {  	v3 =	vor.u32 $0x180, v3;
	_ =	sdelay $0x3  }
0x13b: {  	[tilespmem:s11+$0x10] =	vst v4  }
0x13c: {  	v3 =	vld.idx.msk [tilespmem:v3+s21+$0x0], $0xffff;
	_ =	sdelay $0x4  }
0x13d: {  	[tilespmem:s12+$0x10] =	vst v3  }
0x13e: {  	v3 =	vld [tilespmem:s5+$0x20];
	_ =	sdelay $0x4  }
0x13f: {  	v58 =	vshll.u32 v3, $0x2  }
0x140: {  	v3 =	vand.u32 $0x7F, v3;
	v4 =	vand.u32 $0xFFFFFE00, v58  }
0x141: {  	v3 =	vor.u32 v3, v4;
	_ =	sdelay $0x4  }
0x142: {  	v4 =	vld.idx.msk [tilespmem:v3+s21+$0x0], $0xffff  }
0x143: {  	v59 =	vor.u32 $0x80, v3;
	_ =	sdelay $0x3  }
0x144: {  	[tilespmem:s7+$0x20] =	vst v4  }
0x145: {  	v4 =	vld.idx.msk [tilespmem:v59+s21+$0x0], $0xffff  }
0x146: {  	v60 =	vor.u32 $0x100, v3;
	_ =	sdelay $0x3  }
0x147: {  	[tilespmem:s10+$0x20] =	vst v4  }
0x148: {  	v4 =	vld.idx.msk [tilespmem:v60+s21+$0x0], $0xffff  }
0x149: {  	v3 =	vor.u32 $0x180, v3;
	_ =	sdelay $0x3  }
0x14a: {  	[tilespmem:s11+$0x20] =	vst v4  }
0x14b: {  	v3 =	vld.idx.msk [tilespmem:v3+s21+$0x0], $0xffff;
	_ =	sdelay $0x4  }
0x14c: {  	[tilespmem:s12+$0x20] =	vst v3  }
0x14d: {  	v3 =	vld [tilespmem:s5+$0x30];
	_ =	sdelay $0x4  }
0x14e: {  	v61 =	vshll.u32 v3, $0x2  }
0x14f: {  	v3 =	vand.u32 $0x7F, v3;
	v4 =	vand.u32 $0xFFFFFE00, v61  }
0x150: {  	v3 =	vor.u32 v3, v4;
	_ =	sdelay $0x4  }
0x151: {  	v4 =	vld.idx.msk [tilespmem:v3+s21+$0x0], $0xffff  }
0x152: {  	v62 =	vor.u32 $0x80, v3;
	_ =	sdelay $0x3  }
0x153: {  	[tilespmem:s7+$0x30] =	vst v4  }
0x154: {  	v4 =	vld.idx.msk [tilespmem:v62+s21+$0x0], $0xffff  }
0x155: {  	v63 =	vor.u32 $0x100, v3;
	_ =	sdelay $0x3  }
0x156: {  	[tilespmem:s10+$0x30] =	vst v4  }
0x157: {  	v4 =	vld.idx.msk [tilespmem:v63+s21+$0x0], $0xffff  }
0x158: {  	v3 =	vor.u32 $0x180, v3;
	_ =	sdelay $0x3  }
0x159: {  	s0 =	sadd.s32 $0x8, s0;
	[tilespmem:s11+$0x30] =	vst v4  }
0x15a: {  	p0 =	slt.u32 s0, $0x1F8;
	v3 =	vld.idx.msk [tilespmem:v3+s21+$0x0], $0xffff  }
.Ltmp2:
0x15b: {  	_ = 	snop;
	(pc) =	sbr.rel @p0 .LBB2_6-.Ltmp2, $3  }
0x15c: {  	_ =	sdelay $0x1  }
0x15d: {  	s5 =	sadd.s32 $0x80, s5;
	s7 =	sadd.s32 $0x80, s7  }
0x15e: {  	s10 =	sadd.s32 $0x80, s10;
	s11 =	sadd.s32 $0x80, s11;
	[tilespmem:s12+$0x30] =	vst v3;
	s12 =	sadd.s32 $0x80, s12  }
0x15f: {  	[tilespmem:s21], [sflag:$0x1] =	stream.strided.gather [hbm4b:s1+s20], $0x4000, s6, s20, $0x38;
	[tilespmem:$0x17500] =	vst v63  }
0x160: {  	s0 =	rddreg [dreg:$0xe]  }
0x161: {  	[hbm4b:s0+s3] =	stream.linear.scatter [tilespmem:s14], [sflag:$0x3], $0x2000, $0x38;
	[tilespmem:$0x17500] =	vst v63  }
0x162: {  	s23 =	rddreg [dreg:$0xf]  }
0x163: {  	[hbm4b:s23+s3] =	stream.linear.scatter [tilespmem:s15], [sflag:$0x3], $0x2000, $0x38;
	[tilespmem:$0x17500] =	vst v63  }
0x164: {  	s24 =	rddreg [dreg:$0x13]  }
0x165: {  	[hbm4b:s24+s3] =	stream.linear.scatter [tilespmem:s19], [sflag:$0x3], $0x2000, $0x38;
	[tilespmem:$0x17500] =	vst v63  }
0x166: {  	s31 =	rddreg [dreg:$0x14]  }
0x167: {  	[hbm4b:s31+s3] =	stream.linear.scatter [tilespmem:s28], [sflag:$0x3], $0x2000, $0x38;
	[tilespmem:$0x17500] =	vst v63  }
0x168: {  	_ =	swait.ge [sflag:s29], $0x4000  }
0x169: {  	[sflag:s29] =	ssyncset.done $0x0  }
0x16a: {  	[sflag:s29] =	ssyncadd.s32 $0xFFFFC000  }
0x16b: {  	_ =	swait.ge [sflag:s30], $0x2000  }
0x16c: {  	[sflag:s30] =	ssyncset.done $0x0  }
0x16d: {  	[sflag:s30] =	ssyncadd.s32 $0xFFFFE000  }
0x16e: {  	_ =	swait.ge [sflag:s30], $0x2000  }
0x16f: {  	[sflag:s30] =	ssyncset.done $0x0  }
0x170: {  	[sflag:s30] =	ssyncadd.s32 $0xFFFFE000  }
0x171: {  	_ =	swait.ge [sflag:s30], $0x2000  }
0x172: {  	[sflag:s30] =	ssyncset.done $0x0  }
0x173: {  	[sflag:s30] =	ssyncadd.s32 $0xFFFFE000  }
0x174: {  	_ =	swait.ge [sflag:s30], $0x2000  }
0x175: {  	s17 =	rddreg [dreg:$0xb]  }
0x176: {  	s5 =	simm.s32 $0x33C0;
	s7 =	simm.s32 $0xF540;
	s18 =	rddreg [dreg:$0xc]  }
0x177: {  	s10 =	simm.s32 $0x11540;
	s11 =	simm.s32 $0x13540;
	s22 =	rddreg [dreg:$0x10]  }
0x178: {  	s12 =	simm.s32 $0x15540;
	[sflag:s30] =	ssyncset.done $0x0;
	s23 =	rddreg [dreg:$0x11]  }
0x179: {  	s0 =	simm.s32 $0xFFFFFFF8;
	s24 =	rddreg [dreg:$0x12];
	[sflag:s30] =	ssyncadd.s32 $0xFFFFE000  }
.LBB2_8:
0x17a: {  	v3 =	vld [tilespmem:s5+$0xFFFFFFC0];
	_ =	sdelay $0x4  }
0x17b: {  	v4 =	vshll.u32 v3, $0x2  }
0x17c: {  	v3 =	vand.u32 $0x7F, v3;
	v4 =	vand.u32 $0xFFFFFE00, v4  }
0x17d: {  	v3 =	vor.u32 v3, v4;
	_ =	sdelay $0x4  }
0x17e: {  	v4 =	vld.idx.msk [tilespmem:v3+s25+$0x0], $0xffff  }
0x17f: {  	v5 =	vor.u32 $0x80, v3;
	_ =	sdelay $0x3  }
0x180: {  	[tilespmem:s7+$0xFFFFFFC0] =	vst v4  }
0x181: {  	v4 =	vld.idx.msk [tilespmem:v5+s25+$0x0], $0xffff  }
0x182: {  	v42 =	vor.u32 $0x100, v3;
	_ =	sdelay $0x3  }
0x183: {  	[tilespmem:s10+$0xFFFFFFC0] =	vst v4  }
0x184: {  	v4 =	vld.idx.msk [tilespmem:v42+s25+$0x0], $0xffff  }
0x185: {  	v3 =	vor.u32 $0x180, v3;
	_ =	sdelay $0x3  }
0x186: {  	[tilespmem:s11+$0xFFFFFFC0] =	vst v4  }
0x187: {  	v3 =	vld.idx.msk [tilespmem:v3+s25+$0x0], $0xffff;
	_ =	sdelay $0x4  }
0x188: {  	[tilespmem:s12+$0xFFFFFFC0] =	vst v3  }
0x189: {  	v3 =	vld [tilespmem:s5+$0xFFFFFFD0];
	_ =	sdelay $0x4  }
0x18a: {  	v43 =	vshll.u32 v3, $0x2  }
0x18b: {  	v3 =	vand.u32 $0x7F, v3;
	v4 =	vand.u32 $0xFFFFFE00, v43  }
0x18c: {  	v3 =	vor.u32 v3, v4;
	_ =	sdelay $0x4  }
0x18d: {  	v4 =	vld.idx.msk [tilespmem:v3+s25+$0x0], $0xffff  }
0x18e: {  	v44 =	vor.u32 $0x80, v3;
	_ =	sdelay $0x3  }
0x18f: {  	[tilespmem:s7+$0xFFFFFFD0] =	vst v4  }
0x190: {  	v4 =	vld.idx.msk [tilespmem:v44+s25+$0x0], $0xffff  }
0x191: {  	v45 =	vor.u32 $0x100, v3;
	_ =	sdelay $0x3  }
0x192: {  	[tilespmem:s10+$0xFFFFFFD0] =	vst v4  }
0x193: {  	v4 =	vld.idx.msk [tilespmem:v45+s25+$0x0], $0xffff  }
0x194: {  	v3 =	vor.u32 $0x180, v3;
	_ =	sdelay $0x3  }
0x195: {  	[tilespmem:s11+$0xFFFFFFD0] =	vst v4  }
0x196: {  	v3 =	vld.idx.msk [tilespmem:v3+s25+$0x0], $0xffff;
	_ =	sdelay $0x4  }
0x197: {  	[tilespmem:s12+$0xFFFFFFD0] =	vst v3  }
0x198: {  	v3 =	vld [tilespmem:s5+$0xFFFFFFE0];
	_ =	sdelay $0x4  }
0x199: {  	v46 =	vshll.u32 v3, $0x2  }
0x19a: {  	v3 =	vand.u32 $0x7F, v3;
	v4 =	vand.u32 $0xFFFFFE00, v46  }
0x19b: {  	v3 =	vor.u32 v3, v4;
	_ =	sdelay $0x4  }
0x19c: {  	v4 =	vld.idx.msk [tilespmem:v3+s25+$0x0], $0xffff  }
0x19d: {  	v47 =	vor.u32 $0x80, v3;
	_ =	sdelay $0x3  }
0x19e: {  	[tilespmem:s7+$0xFFFFFFE0] =	vst v4  }
0x19f: {  	v4 =	vld.idx.msk [tilespmem:v47+s25+$0x0], $0xffff  }
0x1a0: {  	v48 =	vor.u32 $0x100, v3;
	_ =	sdelay $0x3  }
0x1a1: {  	[tilespmem:s10+$0xFFFFFFE0] =	vst v4  }
0x1a2: {  	v4 =	vld.idx.msk [tilespmem:v48+s25+$0x0], $0xffff  }
0x1a3: {  	v3 =	vor.u32 $0x180, v3;
	_ =	sdelay $0x3  }
0x1a4: {  	[tilespmem:s11+$0xFFFFFFE0] =	vst v4  }
0x1a5: {  	v3 =	vld.idx.msk [tilespmem:v3+s25+$0x0], $0xffff;
	_ =	sdelay $0x4  }
0x1a6: {  	[tilespmem:s12+$0xFFFFFFE0] =	vst v3  }
0x1a7: {  	v3 =	vld [tilespmem:s5+$0xFFFFFFF0];
	_ =	sdelay $0x4  }
0x1a8: {  	v49 =	vshll.u32 v3, $0x2  }
0x1a9: {  	v3 =	vand.u32 $0x7F, v3;
	v4 =	vand.u32 $0xFFFFFE00, v49  }
0x1aa: {  	v3 =	vor.u32 v3, v4;
	_ =	sdelay $0x4  }
0x1ab: {  	v4 =	vld.idx.msk [tilespmem:v3+s25+$0x0], $0xffff  }
0x1ac: {  	v50 =	vor.u32 $0x80, v3;
	_ =	sdelay $0x3  }
0x1ad: {  	[tilespmem:s7+$0xFFFFFFF0] =	vst v4  }
0x1ae: {  	v4 =	vld.idx.msk [tilespmem:v50+s25+$0x0], $0xffff  }
0x1af: {  	v51 =	vor.u32 $0x100, v3;
	_ =	sdelay $0x3  }
0x1b0: {  	[tilespmem:s10+$0xFFFFFFF0] =	vst v4  }
0x1b1: {  	v4 =	vld.idx.msk [tilespmem:v51+s25+$0x0], $0xffff  }
0x1b2: {  	v3 =	vor.u32 $0x180, v3;
	_ =	sdelay $0x3  }
0x1b3: {  	[tilespmem:s11+$0xFFFFFFF0] =	vst v4  }
0x1b4: {  	v3 =	vld.idx.msk [tilespmem:v3+s25+$0x0], $0xffff;
	_ =	sdelay $0x4  }
0x1b5: {  	[tilespmem:s12+$0xFFFFFFF0] =	vst v3  }
0x1b6: {  	v3 =	vld [tilespmem:s5+$0x0];
	_ =	sdelay $0x4  }
0x1b7: {  	v52 =	vshll.u32 v3, $0x2  }
0x1b8: {  	v3 =	vand.u32 $0x7F, v3;
	v4 =	vand.u32 $0xFFFFFE00, v52  }
0x1b9: {  	v3 =	vor.u32 v3, v4;
	_ =	sdelay $0x4  }
0x1ba: {  	v4 =	vld.idx.msk [tilespmem:v3+s25+$0x0], $0xffff  }
0x1bb: {  	v53 =	vor.u32 $0x80, v3;
	_ =	sdelay $0x3  }
0x1bc: {  	[tilespmem:s7+$0x0] =	vst v4  }
0x1bd: {  	v4 =	vld.idx.msk [tilespmem:v53+s25+$0x0], $0xffff  }
0x1be: {  	v54 =	vor.u32 $0x100, v3;
	_ =	sdelay $0x3  }
0x1bf: {  	[tilespmem:s10+$0x0] =	vst v4  }
0x1c0: {  	v4 =	vld.idx.msk [tilespmem:v54+s25+$0x0], $0xffff  }
0x1c1: {  	v3 =	vor.u32 $0x180, v3;
	_ =	sdelay $0x3  }
0x1c2: {  	[tilespmem:s11+$0x0] =	vst v4  }
0x1c3: {  	v3 =	vld.idx.msk [tilespmem:v3+s25+$0x0], $0xffff;
	_ =	sdelay $0x4  }
0x1c4: {  	[tilespmem:s12+$0x0] =	vst v3  }
0x1c5: {  	v3 =	vld [tilespmem:s5+$0x10];
	_ =	sdelay $0x4  }
0x1c6: {  	v55 =	vshll.u32 v3, $0x2  }
0x1c7: {  	v3 =	vand.u32 $0x7F, v3;
	v4 =	vand.u32 $0xFFFFFE00, v55  }
0x1c8: {  	v3 =	vor.u32 v3, v4;
	_ =	sdelay $0x4  }
0x1c9: {  	v4 =	vld.idx.msk [tilespmem:v3+s25+$0x0], $0xffff  }
0x1ca: {  	v56 =	vor.u32 $0x80, v3;
	_ =	sdelay $0x3  }
0x1cb: {  	[tilespmem:s7+$0x10] =	vst v4  }
0x1cc: {  	v4 =	vld.idx.msk [tilespmem:v56+s25+$0x0], $0xffff  }
0x1cd: {  	v57 =	vor.u32 $0x100, v3;
	_ =	sdelay $0x3  }
0x1ce: {  	[tilespmem:s10+$0x10] =	vst v4  }
0x1cf: {  	v4 =	vld.idx.msk [tilespmem:v57+s25+$0x0], $0xffff  }
0x1d0: {  	v3 =	vor.u32 $0x180, v3;
	_ =	sdelay $0x3  }
0x1d1: {  	[tilespmem:s11+$0x10] =	vst v4  }
0x1d2: {  	v3 =	vld.idx.msk [tilespmem:v3+s25+$0x0], $0xffff;
	_ =	sdelay $0x4  }
0x1d3: {  	[tilespmem:s12+$0x10] =	vst v3  }
0x1d4: {  	v3 =	vld [tilespmem:s5+$0x20];
	_ =	sdelay $0x4  }
0x1d5: {  	v58 =	vshll.u32 v3, $0x2  }
0x1d6: {  	v3 =	vand.u32 $0x7F, v3;
	v4 =	vand.u32 $0xFFFFFE00, v58  }
0x1d7: {  	v3 =	vor.u32 v3, v4;
	_ =	sdelay $0x4  }
0x1d8: {  	v4 =	vld.idx.msk [tilespmem:v3+s25+$0x0], $0xffff  }
0x1d9: {  	v59 =	vor.u32 $0x80, v3;
	_ =	sdelay $0x3  }
0x1da: {  	[tilespmem:s7+$0x20] =	vst v4  }
0x1db: {  	v4 =	vld.idx.msk [tilespmem:v59+s25+$0x0], $0xffff  }
0x1dc: {  	v60 =	vor.u32 $0x100, v3;
	_ =	sdelay $0x3  }
0x1dd: {  	[tilespmem:s10+$0x20] =	vst v4  }
0x1de: {  	v4 =	vld.idx.msk [tilespmem:v60+s25+$0x0], $0xffff  }
0x1df: {  	v3 =	vor.u32 $0x180, v3;
	_ =	sdelay $0x3  }
0x1e0: {  	[tilespmem:s11+$0x20] =	vst v4  }
0x1e1: {  	v3 =	vld.idx.msk [tilespmem:v3+s25+$0x0], $0xffff;
	_ =	sdelay $0x4  }
0x1e2: {  	[tilespmem:s12+$0x20] =	vst v3  }
0x1e3: {  	v3 =	vld [tilespmem:s5+$0x30];
	_ =	sdelay $0x4  }
0x1e4: {  	v61 =	vshll.u32 v3, $0x2  }
0x1e5: {  	v3 =	vand.u32 $0x7F, v3;
	v4 =	vand.u32 $0xFFFFFE00, v61  }
0x1e6: {  	v3 =	vor.u32 v3, v4;
	_ =	sdelay $0x4  }
0x1e7: {  	v4 =	vld.idx.msk [tilespmem:v3+s25+$0x0], $0xffff  }
0x1e8: {  	v62 =	vor.u32 $0x80, v3;
	_ =	sdelay $0x3  }
0x1e9: {  	[tilespmem:s7+$0x30] =	vst v4  }
0x1ea: {  	v4 =	vld.idx.msk [tilespmem:v62+s25+$0x0], $0xffff  }
0x1eb: {  	v63 =	vor.u32 $0x100, v3;
	_ =	sdelay $0x3  }
0x1ec: {  	[tilespmem:s10+$0x30] =	vst v4  }
0x1ed: {  	v4 =	vld.idx.msk [tilespmem:v63+s25+$0x0], $0xffff  }
0x1ee: {  	v3 =	vor.u32 $0x180, v3;
	_ =	sdelay $0x3  }
0x1ef: {  	s0 =	sadd.s32 $0x8, s0;
	[tilespmem:s11+$0x30] =	vst v4  }
0x1f0: {  	p0 =	slt.u32 s0, $0x1F8;
	v3 =	vld.idx.msk [tilespmem:v3+s25+$0x0], $0xffff  }
.Ltmp3:
0x1f1: {  	_ = 	snop;
	(pc) =	sbr.rel @p0 .LBB2_8-.Ltmp3, $3  }
0x1f2: {  	_ =	sdelay $0x1  }
0x1f3: {  	s5 =	sadd.s32 $0x80, s5;
	s7 =	sadd.s32 $0x80, s7  }
0x1f4: {  	s10 =	sadd.s32 $0x80, s10;
	s11 =	sadd.s32 $0x80, s11;
	[tilespmem:s12+$0x30] =	vst v3;
	s12 =	sadd.s32 $0x80, s12  }
0x1f5: {  	[tilespmem:s25], [sflag:$0x2] =	stream.strided.gather [hbm4b:s4+s20], $0x4000, s6, s20, $0x38;
	[tilespmem:$0x17500] =	vst v63  }
0x1f6: {  	s0 =	rddreg [dreg:$0x15]  }
0x1f7: {  	[hbm4b:s0+s3] =	stream.linear.scatter [tilespmem:s14], [sflag:$0x3], $0x2000, $0x38;
	[tilespmem:$0x17500] =	vst v63  }
0x1f8: {  	s13 =	rddreg [dreg:$0x19]  }
0x1f9: {  	[hbm4b:s13+s3] =	stream.linear.scatter [tilespmem:s15], [sflag:$0x3], $0x2000, $0x38;
	[tilespmem:$0x17500] =	vst v63  }
0x1fa: {  	s16 =	rddreg [dreg:$0x1a]  }
0x1fb: {  	[hbm4b:s16+s3] =	stream.linear.scatter [tilespmem:s19], [sflag:$0x3], $0x2000, $0x38;
	[tilespmem:$0x17500] =	vst v63  }
0x1fc: {  	s31 =	rddreg [dreg:$0x1b];
	s0 =	simm.s32 $0x1  }
0x1fd: {  	[hbm4b:s31+s3] =	stream.linear.scatter [tilespmem:s28], [sflag:$0x3], $0x2000, $0x38;
	[tilespmem:$0x17500] =	vst v63  }
.LBB2_10:
0x1fe: {  	_ =	swait.ge [sflag:s26], $0x4000  }
0x1ff: {  	[sflag:s26] =	ssyncset.done $0x0  }
0x200: {  	[sflag:s26] =	ssyncadd.s32 $0xFFFFC000  }
0x201: {  	_ =	swait.ge [sflag:s30], $0x2000  }
0x202: {  	[sflag:s30] =	ssyncset.done $0x0  }
0x203: {  	[sflag:s30] =	ssyncadd.s32 $0xFFFFE000  }
0x204: {  	_ =	swait.ge [sflag:s30], $0x2000  }
0x205: {  	[sflag:s30] =	ssyncset.done $0x0  }
0x206: {  	[sflag:s30] =	ssyncadd.s32 $0xFFFFE000  }
0x207: {  	_ =	swait.ge [sflag:s30], $0x2000  }
0x208: {  	[sflag:s30] =	ssyncset.done $0x0  }
0x209: {  	[sflag:s30] =	ssyncadd.s32 $0xFFFFE000  }
0x20a: {  	s5 =	simm.s32 $0xFFFFFFF8;
	s7 =	simm.s32 $0x33C0;
	_ =	swait.ge [sflag:s30], $0x2000  }
0x20b: {  	s10 =	simm.s32 $0xF540;
	s11 =	simm.s32 $0x11540;
	[sflag:s30] =	ssyncset.done $0x0  }
0x20c: {  	s12 =	simm.s32 $0x13540;
	s13 =	simm.s32 $0x15540;
	[sflag:s30] =	ssyncadd.s32 $0xFFFFE000  }
.LBB2_11:
0x20d: {  	v3 =	vld [tilespmem:s7+$0xFFFFFFC0];
	_ =	sdelay $0x4  }
0x20e: {  	v4 =	vshll.u32 v3, $0x2  }
0x20f: {  	v3 =	vand.u32 $0x7F, v3;
	v4 =	vand.u32 $0xFFFFFE00, v4  }
0x210: {  	v3 =	vor.u32 v3, v4;
	_ =	sdelay $0x4  }
0x211: {  	v4 =	vld.idx.msk [tilespmem:v3+s21+$0x0], $0xffff  }
0x212: {  	v5 =	vor.u32 $0x80, v3;
	_ =	sdelay $0x3  }
0x213: {  	[tilespmem:s10+$0xFFFFFFC0] =	vst v4  }
0x214: {  	v4 =	vld.idx.msk [tilespmem:v5+s21+$0x0], $0xffff  }
0x215: {  	v42 =	vor.u32 $0x100, v3;
	_ =	sdelay $0x3  }
0x216: {  	[tilespmem:s11+$0xFFFFFFC0] =	vst v4  }
0x217: {  	v4 =	vld.idx.msk [tilespmem:v42+s21+$0x0], $0xffff  }
0x218: {  	v3 =	vor.u32 $0x180, v3;
	_ =	sdelay $0x3  }
0x219: {  	[tilespmem:s12+$0xFFFFFFC0] =	vst v4  }
0x21a: {  	v3 =	vld.idx.msk [tilespmem:v3+s21+$0x0], $0xffff;
	_ =	sdelay $0x4  }
0x21b: {  	[tilespmem:s13+$0xFFFFFFC0] =	vst v3  }
0x21c: {  	v3 =	vld [tilespmem:s7+$0xFFFFFFD0];
	_ =	sdelay $0x4  }
0x21d: {  	v43 =	vshll.u32 v3, $0x2  }
0x21e: {  	v3 =	vand.u32 $0x7F, v3;
	v4 =	vand.u32 $0xFFFFFE00, v43  }
0x21f: {  	v3 =	vor.u32 v3, v4;
	_ =	sdelay $0x4  }
0x220: {  	v4 =	vld.idx.msk [tilespmem:v3+s21+$0x0], $0xffff  }
0x221: {  	v44 =	vor.u32 $0x80, v3;
	_ =	sdelay $0x3  }
0x222: {  	[tilespmem:s10+$0xFFFFFFD0] =	vst v4  }
0x223: {  	v4 =	vld.idx.msk [tilespmem:v44+s21+$0x0], $0xffff  }
0x224: {  	v45 =	vor.u32 $0x100, v3;
	_ =	sdelay $0x3  }
0x225: {  	[tilespmem:s11+$0xFFFFFFD0] =	vst v4  }
0x226: {  	v4 =	vld.idx.msk [tilespmem:v45+s21+$0x0], $0xffff  }
0x227: {  	v3 =	vor.u32 $0x180, v3;
	_ =	sdelay $0x3  }
0x228: {  	[tilespmem:s12+$0xFFFFFFD0] =	vst v4  }
0x229: {  	v3 =	vld.idx.msk [tilespmem:v3+s21+$0x0], $0xffff;
	_ =	sdelay $0x4  }
0x22a: {  	[tilespmem:s13+$0xFFFFFFD0] =	vst v3  }
0x22b: {  	v3 =	vld [tilespmem:s7+$0xFFFFFFE0];
	_ =	sdelay $0x4  }
0x22c: {  	v46 =	vshll.u32 v3, $0x2  }
0x22d: {  	v3 =	vand.u32 $0x7F, v3;
	v4 =	vand.u32 $0xFFFFFE00, v46  }
0x22e: {  	v3 =	vor.u32 v3, v4;
	_ =	sdelay $0x4  }
0x22f: {  	v4 =	vld.idx.msk [tilespmem:v3+s21+$0x0], $0xffff  }
0x230: {  	v47 =	vor.u32 $0x80, v3;
	_ =	sdelay $0x3  }
0x231: {  	[tilespmem:s10+$0xFFFFFFE0] =	vst v4  }
0x232: {  	v4 =	vld.idx.msk [tilespmem:v47+s21+$0x0], $0xffff  }
0x233: {  	v48 =	vor.u32 $0x100, v3;
	_ =	sdelay $0x3  }
0x234: {  	[tilespmem:s11+$0xFFFFFFE0] =	vst v4  }
0x235: {  	v4 =	vld.idx.msk [tilespmem:v48+s21+$0x0], $0xffff  }
0x236: {  	v3 =	vor.u32 $0x180, v3;
	_ =	sdelay $0x3  }
0x237: {  	[tilespmem:s12+$0xFFFFFFE0] =	vst v4  }
0x238: {  	v3 =	vld.idx.msk [tilespmem:v3+s21+$0x0], $0xffff;
	_ =	sdelay $0x4  }
0x239: {  	[tilespmem:s13+$0xFFFFFFE0] =	vst v3  }
0x23a: {  	v3 =	vld [tilespmem:s7+$0xFFFFFFF0];
	_ =	sdelay $0x4  }
0x23b: {  	v49 =	vshll.u32 v3, $0x2  }
0x23c: {  	v3 =	vand.u32 $0x7F, v3;
	v4 =	vand.u32 $0xFFFFFE00, v49  }
0x23d: {  	v3 =	vor.u32 v3, v4;
	_ =	sdelay $0x4  }
0x23e: {  	v4 =	vld.idx.msk [tilespmem:v3+s21+$0x0], $0xffff  }
0x23f: {  	v50 =	vor.u32 $0x80, v3;
	_ =	sdelay $0x3  }
0x240: {  	[tilespmem:s10+$0xFFFFFFF0] =	vst v4  }
0x241: {  	v4 =	vld.idx.msk [tilespmem:v50+s21+$0x0], $0xffff  }
0x242: {  	v51 =	vor.u32 $0x100, v3;
	_ =	sdelay $0x3  }
0x243: {  	[tilespmem:s11+$0xFFFFFFF0] =	vst v4  }
0x244: {  	v4 =	vld.idx.msk [tilespmem:v51+s21+$0x0], $0xffff  }
0x245: {  	v3 =	vor.u32 $0x180, v3;
	_ =	sdelay $0x3  }
0x246: {  	[tilespmem:s12+$0xFFFFFFF0] =	vst v4  }
0x247: {  	v3 =	vld.idx.msk [tilespmem:v3+s21+$0x0], $0xffff;
	_ =	sdelay $0x4  }
0x248: {  	[tilespmem:s13+$0xFFFFFFF0] =	vst v3  }
0x249: {  	v3 =	vld [tilespmem:s7+$0x0];
	_ =	sdelay $0x4  }
0x24a: {  	v52 =	vshll.u32 v3, $0x2  }
0x24b: {  	v3 =	vand.u32 $0x7F, v3;
	v4 =	vand.u32 $0xFFFFFE00, v52  }
0x24c: {  	v3 =	vor.u32 v3, v4;
	_ =	sdelay $0x4  }
0x24d: {  	v4 =	vld.idx.msk [tilespmem:v3+s21+$0x0], $0xffff  }
0x24e: {  	v53 =	vor.u32 $0x80, v3;
	_ =	sdelay $0x3  }
0x24f: {  	[tilespmem:s10+$0x0] =	vst v4  }
0x250: {  	v4 =	vld.idx.msk [tilespmem:v53+s21+$0x0], $0xffff  }
0x251: {  	v54 =	vor.u32 $0x100, v3;
	_ =	sdelay $0x3  }
0x252: {  	[tilespmem:s11+$0x0] =	vst v4  }
0x253: {  	v4 =	vld.idx.msk [tilespmem:v54+s21+$0x0], $0xffff  }
0x254: {  	v3 =	vor.u32 $0x180, v3;
	_ =	sdelay $0x3  }
0x255: {  	[tilespmem:s12+$0x0] =	vst v4  }
0x256: {  	v3 =	vld.idx.msk [tilespmem:v3+s21+$0x0], $0xffff;
	_ =	sdelay $0x4  }
0x257: {  	[tilespmem:s13+$0x0] =	vst v3  }
0x258: {  	v3 =	vld [tilespmem:s7+$0x10];
	_ =	sdelay $0x4  }
0x259: {  	v55 =	vshll.u32 v3, $0x2  }
0x25a: {  	v3 =	vand.u32 $0x7F, v3;
	v4 =	vand.u32 $0xFFFFFE00, v55  }
0x25b: {  	v3 =	vor.u32 v3, v4;
	_ =	sdelay $0x4  }
0x25c: {  	v4 =	vld.idx.msk [tilespmem:v3+s21+$0x0], $0xffff  }
0x25d: {  	v56 =	vor.u32 $0x80, v3;
	_ =	sdelay $0x3  }
0x25e: {  	[tilespmem:s10+$0x10] =	vst v4  }
0x25f: {  	v4 =	vld.idx.msk [tilespmem:v56+s21+$0x0], $0xffff  }
0x260: {  	v57 =	vor.u32 $0x100, v3;
	_ =	sdelay $0x3  }
0x261: {  	[tilespmem:s11+$0x10] =	vst v4  }
0x262: {  	v4 =	vld.idx.msk [tilespmem:v57+s21+$0x0], $0xffff  }
0x263: {  	v3 =	vor.u32 $0x180, v3;
	_ =	sdelay $0x3  }
0x264: {  	[tilespmem:s12+$0x10] =	vst v4  }
0x265: {  	v3 =	vld.idx.msk [tilespmem:v3+s21+$0x0], $0xffff;
	_ =	sdelay $0x4  }
0x266: {  	[tilespmem:s13+$0x10] =	vst v3  }
0x267: {  	v3 =	vld [tilespmem:s7+$0x20];
	_ =	sdelay $0x4  }
0x268: {  	v58 =	vshll.u32 v3, $0x2  }
0x269: {  	v3 =	vand.u32 $0x7F, v3;
	v4 =	vand.u32 $0xFFFFFE00, v58  }
0x26a: {  	v3 =	vor.u32 v3, v4;
	_ =	sdelay $0x4  }
0x26b: {  	v4 =	vld.idx.msk [tilespmem:v3+s21+$0x0], $0xffff  }
0x26c: {  	v59 =	vor.u32 $0x80, v3;
	_ =	sdelay $0x3  }
0x26d: {  	[tilespmem:s10+$0x20] =	vst v4  }
0x26e: {  	v4 =	vld.idx.msk [tilespmem:v59+s21+$0x0], $0xffff  }
0x26f: {  	v60 =	vor.u32 $0x100, v3;
	_ =	sdelay $0x3  }
0x270: {  	[tilespmem:s11+$0x20] =	vst v4  }
0x271: {  	v4 =	vld.idx.msk [tilespmem:v60+s21+$0x0], $0xffff  }
0x272: {  	v3 =	vor.u32 $0x180, v3;
	_ =	sdelay $0x3  }
0x273: {  	[tilespmem:s12+$0x20] =	vst v4  }
0x274: {  	v3 =	vld.idx.msk [tilespmem:v3+s21+$0x0], $0xffff;
	_ =	sdelay $0x4  }
0x275: {  	[tilespmem:s13+$0x20] =	vst v3  }
0x276: {  	v3 =	vld [tilespmem:s7+$0x30];
	_ =	sdelay $0x4  }
0x277: {  	v61 =	vshll.u32 v3, $0x2  }
0x278: {  	v3 =	vand.u32 $0x7F, v3;
	v4 =	vand.u32 $0xFFFFFE00, v61  }
0x279: {  	v3 =	vor.u32 v3, v4;
	_ =	sdelay $0x4  }
0x27a: {  	v4 =	vld.idx.msk [tilespmem:v3+s21+$0x0], $0xffff  }
0x27b: {  	v62 =	vor.u32 $0x80, v3;
	_ =	sdelay $0x3  }
0x27c: {  	[tilespmem:s10+$0x30] =	vst v4  }
0x27d: {  	v4 =	vld.idx.msk [tilespmem:v62+s21+$0x0], $0xffff  }
0x27e: {  	v63 =	vor.u32 $0x100, v3;
	_ =	sdelay $0x3  }
0x27f: {  	[tilespmem:s11+$0x30] =	vst v4  }
0x280: {  	v4 =	vld.idx.msk [tilespmem:v63+s21+$0x0], $0xffff  }
0x281: {  	v3 =	vor.u32 $0x180, v3;
	_ =	sdelay $0x3  }
0x282: {  	s5 =	sadd.s32 $0x8, s5;
	[tilespmem:s12+$0x30] =	vst v4  }
0x283: {  	p0 =	slt.u32 s5, $0x1F8;
	v3 =	vld.idx.msk [tilespmem:v3+s21+$0x0], $0xffff  }
.Ltmp4:
0x284: {  	_ = 	snop;
	(pc) =	sbr.rel @p0 .LBB2_11-.Ltmp4, $3  }
0x285: {  	_ =	sdelay $0x1  }
0x286: {  	s7 =	sadd.s32 $0x80, s7;
	s10 =	sadd.s32 $0x80, s10  }
0x287: {  	s11 =	sadd.s32 $0x80, s11;
	s12 =	sadd.s32 $0x80, s12;
	[tilespmem:s13+$0x30] =	vst v3;
	s13 =	sadd.s32 $0x80, s13  }
0x288: {  	s5 =	sshll.u32 s0, $0x1  }
0x289: {  	s5 =	smin.u32 s5, $0xC  }
0x28a: {  	s7 =	sshll.u32 s5, $0xB;
	s5 =	sshll.u32 s0, $0x12  }
0x28b: {  	s10 =	sadd.s32 s7, s1;
	s11 =	sadd.s32 s5, s17  }
0x28c: {  	[tilespmem:s21], [sflag:$0x1] =	stream.strided.gather [hbm4b:s10+s20], $0x4000, s6, s20, $0x38;
	[tilespmem:$0x17500] =	vst v63  }
0x28d: {  	s10 =	sshrl.u32 s11, $0x3  }
0x28e: {  	s12 =	sadd.s32 s5, s18;
	s10 =	sadd.s32 s2, s10  }
0x28f: {  	[hbm4b:s10+s3] =	stream.linear.scatter [tilespmem:s14], [sflag:$0x3], $0x2000, $0x38;
	[tilespmem:$0x17500] =	vst v63  }
0x290: {  	s10 =	sshrl.u32 s12, $0x3  }
0x291: {  	s13 =	sadd.s32 s5, s22;
	s10 =	sadd.s32 s2, s10  }
0x292: {  	[hbm4b:s10+s3] =	stream.linear.scatter [tilespmem:s15], [sflag:$0x3], $0x2000, $0x38;
	[tilespmem:$0x17500] =	vst v63  }
0x293: {  	s10 =	sshrl.u32 s13, $0x3  }
0x294: {  	s16 =	sadd.s32 s5, s23;
	s10 =	sadd.s32 s2, s10  }
0x295: {  	[hbm4b:s10+s3] =	stream.linear.scatter [tilespmem:s19], [sflag:$0x3], $0x2000, $0x38;
	[tilespmem:$0x17500] =	vst v63  }
0x296: {  	s10 =	sshrl.u32 s16, $0x3  }
0x297: {  	s10 =	sadd.s32 s2, s10  }
0x298: {  	[hbm4b:s10+s3] =	stream.linear.scatter [tilespmem:s28], [sflag:$0x3], $0x2000, $0x38;
	[tilespmem:$0x17500] =	vst v63  }
0x299: {  	_ =	swait.ge [sflag:s29], $0x4000  }
0x29a: {  	[sflag:s29] =	ssyncset.done $0x0  }
0x29b: {  	[sflag:s29] =	ssyncadd.s32 $0xFFFFC000  }
0x29c: {  	_ =	swait.ge [sflag:s30], $0x2000  }
0x29d: {  	[sflag:s30] =	ssyncset.done $0x0  }
0x29e: {  	[sflag:s30] =	ssyncadd.s32 $0xFFFFE000  }
0x29f: {  	_ =	swait.ge [sflag:s30], $0x2000  }
0x2a0: {  	[sflag:s30] =	ssyncset.done $0x0  }
0x2a1: {  	[sflag:s30] =	ssyncadd.s32 $0xFFFFE000  }
0x2a2: {  	_ =	swait.ge [sflag:s30], $0x2000  }
0x2a3: {  	[sflag:s30] =	ssyncset.done $0x0  }
0x2a4: {  	[sflag:s30] =	ssyncadd.s32 $0xFFFFE000  }
0x2a5: {  	s31 =	simm.s32 $0x13540;
	s11 =	simm.s32 $0x33C0;
	_ =	swait.ge [sflag:s30], $0x2000  }
0x2a6: {  	s12 =	simm.s32 $0xF540;
	s13 =	simm.s32 $0x11540;
	[sflag:s30] =	ssyncset.done $0x0  }
0x2a7: {  	s16 =	simm.s32 $0x15540;
	s10 =	simm.s32 $0xFFFFFFF8;
	[sflag:s30] =	ssyncadd.s32 $0xFFFFE000  }
.LBB2_13:
0x2a8: {  	v3 =	vld [tilespmem:s11+$0xFFFFFFC0];
	_ =	sdelay $0x4  }
0x2a9: {  	v4 =	vshll.u32 v3, $0x2  }
0x2aa: {  	v3 =	vand.u32 $0x7F, v3;
	v4 =	vand.u32 $0xFFFFFE00, v4  }
0x2ab: {  	v3 =	vor.u32 v3, v4;
	_ =	sdelay $0x4  }
0x2ac: {  	v4 =	vld.idx.msk [tilespmem:v3+s25+$0x0], $0xffff  }
0x2ad: {  	v5 =	vor.u32 $0x80, v3;
	_ =	sdelay $0x3  }
0x2ae: {  	[tilespmem:s12+$0xFFFFFFC0] =	vst v4  }
0x2af: {  	v4 =	vld.idx.msk [tilespmem:v5+s25+$0x0], $0xffff  }
0x2b0: {  	v42 =	vor.u32 $0x100, v3;
	_ =	sdelay $0x3  }
0x2b1: {  	[tilespmem:s13+$0xFFFFFFC0] =	vst v4  }
0x2b2: {  	v4 =	vld.idx.msk [tilespmem:v42+s25+$0x0], $0xffff  }
0x2b3: {  	v3 =	vor.u32 $0x180, v3;
	_ =	sdelay $0x3  }
0x2b4: {  	[tilespmem:s31+$0xFFFFFFC0] =	vst v4  }
0x2b5: {  	v3 =	vld.idx.msk [tilespmem:v3+s25+$0x0], $0xffff;
	_ =	sdelay $0x4  }
0x2b6: {  	[tilespmem:s16+$0xFFFFFFC0] =	vst v3  }
0x2b7: {  	v3 =	vld [tilespmem:s11+$0xFFFFFFD0];
	_ =	sdelay $0x4  }
0x2b8: {  	v43 =	vshll.u32 v3, $0x2  }
0x2b9: {  	v3 =	vand.u32 $0x7F, v3;
	v4 =	vand.u32 $0xFFFFFE00, v43  }
0x2ba: {  	v3 =	vor.u32 v3, v4;
	_ =	sdelay $0x4  }
0x2bb: {  	v4 =	vld.idx.msk [tilespmem:v3+s25+$0x0], $0xffff  }
0x2bc: {  	v44 =	vor.u32 $0x80, v3;
	_ =	sdelay $0x3  }
0x2bd: {  	[tilespmem:s12+$0xFFFFFFD0] =	vst v4  }
0x2be: {  	v4 =	vld.idx.msk [tilespmem:v44+s25+$0x0], $0xffff  }
0x2bf: {  	v45 =	vor.u32 $0x100, v3;
	_ =	sdelay $0x3  }
0x2c0: {  	[tilespmem:s13+$0xFFFFFFD0] =	vst v4  }
0x2c1: {  	v4 =	vld.idx.msk [tilespmem:v45+s25+$0x0], $0xffff  }
0x2c2: {  	v3 =	vor.u32 $0x180, v3;
	_ =	sdelay $0x3  }
0x2c3: {  	[tilespmem:s31+$0xFFFFFFD0] =	vst v4  }
0x2c4: {  	v3 =	vld.idx.msk [tilespmem:v3+s25+$0x0], $0xffff;
	_ =	sdelay $0x4  }
0x2c5: {  	[tilespmem:s16+$0xFFFFFFD0] =	vst v3  }
0x2c6: {  	v3 =	vld [tilespmem:s11+$0xFFFFFFE0];
	_ =	sdelay $0x4  }
0x2c7: {  	v46 =	vshll.u32 v3, $0x2  }
0x2c8: {  	v3 =	vand.u32 $0x7F, v3;
	v4 =	vand.u32 $0xFFFFFE00, v46  }
0x2c9: {  	v3 =	vor.u32 v3, v4;
	_ =	sdelay $0x4  }
0x2ca: {  	v4 =	vld.idx.msk [tilespmem:v3+s25+$0x0], $0xffff  }
0x2cb: {  	v47 =	vor.u32 $0x80, v3;
	_ =	sdelay $0x3  }
0x2cc: {  	[tilespmem:s12+$0xFFFFFFE0] =	vst v4  }
0x2cd: {  	v4 =	vld.idx.msk [tilespmem:v47+s25+$0x0], $0xffff  }
0x2ce: {  	v48 =	vor.u32 $0x100, v3;
	_ =	sdelay $0x3  }
0x2cf: {  	[tilespmem:s13+$0xFFFFFFE0] =	vst v4  }
0x2d0: {  	v4 =	vld.idx.msk [tilespmem:v48+s25+$0x0], $0xffff  }
0x2d1: {  	v3 =	vor.u32 $0x180, v3;
	_ =	sdelay $0x3  }
0x2d2: {  	[tilespmem:s31+$0xFFFFFFE0] =	vst v4  }
0x2d3: {  	v3 =	vld.idx.msk [tilespmem:v3+s25+$0x0], $0xffff;
	_ =	sdelay $0x4  }
0x2d4: {  	[tilespmem:s16+$0xFFFFFFE0] =	vst v3  }
0x2d5: {  	v3 =	vld [tilespmem:s11+$0xFFFFFFF0];
	_ =	sdelay $0x4  }
0x2d6: {  	v49 =	vshll.u32 v3, $0x2  }
0x2d7: {  	v3 =	vand.u32 $0x7F, v3;
	v4 =	vand.u32 $0xFFFFFE00, v49  }
0x2d8: {  	v3 =	vor.u32 v3, v4;
	_ =	sdelay $0x4  }
0x2d9: {  	v4 =	vld.idx.msk [tilespmem:v3+s25+$0x0], $0xffff  }
0x2da: {  	v50 =	vor.u32 $0x80, v3;
	_ =	sdelay $0x3  }
0x2db: {  	[tilespmem:s12+$0xFFFFFFF0] =	vst v4  }
0x2dc: {  	v4 =	vld.idx.msk [tilespmem:v50+s25+$0x0], $0xffff  }
0x2dd: {  	v51 =	vor.u32 $0x100, v3;
	_ =	sdelay $0x3  }
0x2de: {  	[tilespmem:s13+$0xFFFFFFF0] =	vst v4  }
0x2df: {  	v4 =	vld.idx.msk [tilespmem:v51+s25+$0x0], $0xffff  }
0x2e0: {  	v3 =	vor.u32 $0x180, v3;
	_ =	sdelay $0x3  }
0x2e1: {  	[tilespmem:s31+$0xFFFFFFF0] =	vst v4  }
0x2e2: {  	v3 =	vld.idx.msk [tilespmem:v3+s25+$0x0], $0xffff;
	_ =	sdelay $0x4  }
0x2e3: {  	[tilespmem:s16+$0xFFFFFFF0] =	vst v3  }
0x2e4: {  	v3 =	vld [tilespmem:s11+$0x0];
	_ =	sdelay $0x4  }
0x2e5: {  	v52 =	vshll.u32 v3, $0x2  }
0x2e6: {  	v3 =	vand.u32 $0x7F, v3;
	v4 =	vand.u32 $0xFFFFFE00, v52  }
0x2e7: {  	v3 =	vor.u32 v3, v4;
	_ =	sdelay $0x4  }
0x2e8: {  	v4 =	vld.idx.msk [tilespmem:v3+s25+$0x0], $0xffff  }
0x2e9: {  	v53 =	vor.u32 $0x80, v3;
	_ =	sdelay $0x3  }
0x2ea: {  	[tilespmem:s12+$0x0] =	vst v4  }
0x2eb: {  	v4 =	vld.idx.msk [tilespmem:v53+s25+$0x0], $0xffff  }
0x2ec: {  	v54 =	vor.u32 $0x100, v3;
	_ =	sdelay $0x3  }
0x2ed: {  	[tilespmem:s13+$0x0] =	vst v4  }
0x2ee: {  	v4 =	vld.idx.msk [tilespmem:v54+s25+$0x0], $0xffff  }
0x2ef: {  	v3 =	vor.u32 $0x180, v3;
	_ =	sdelay $0x3  }
0x2f0: {  	[tilespmem:s31+$0x0] =	vst v4  }
0x2f1: {  	v3 =	vld.idx.msk [tilespmem:v3+s25+$0x0], $0xffff;
	_ =	sdelay $0x4  }
0x2f2: {  	[tilespmem:s16+$0x0] =	vst v3  }
0x2f3: {  	v3 =	vld [tilespmem:s11+$0x10];
	_ =	sdelay $0x4  }
0x2f4: {  	v55 =	vshll.u32 v3, $0x2  }
0x2f5: {  	v3 =	vand.u32 $0x7F, v3;
	v4 =	vand.u32 $0xFFFFFE00, v55  }
0x2f6: {  	v3 =	vor.u32 v3, v4;
	_ =	sdelay $0x4  }
0x2f7: {  	v4 =	vld.idx.msk [tilespmem:v3+s25+$0x0], $0xffff  }
0x2f8: {  	v56 =	vor.u32 $0x80, v3;
	_ =	sdelay $0x3  }
0x2f9: {  	[tilespmem:s12+$0x10] =	vst v4  }
0x2fa: {  	v4 =	vld.idx.msk [tilespmem:v56+s25+$0x0], $0xffff  }
0x2fb: {  	v57 =	vor.u32 $0x100, v3;
	_ =	sdelay $0x3  }
0x2fc: {  	[tilespmem:s13+$0x10] =	vst v4  }
0x2fd: {  	v4 =	vld.idx.msk [tilespmem:v57+s25+$0x0], $0xffff  }
0x2fe: {  	v3 =	vor.u32 $0x180, v3;
	_ =	sdelay $0x3  }
0x2ff: {  	[tilespmem:s31+$0x10] =	vst v4  }
0x300: {  	v3 =	vld.idx.msk [tilespmem:v3+s25+$0x0], $0xffff;
	_ =	sdelay $0x4  }
0x301: {  	[tilespmem:s16+$0x10] =	vst v3  }
0x302: {  	v3 =	vld [tilespmem:s11+$0x20];
	_ =	sdelay $0x4  }
0x303: {  	v58 =	vshll.u32 v3, $0x2  }
0x304: {  	v3 =	vand.u32 $0x7F, v3;
	v4 =	vand.u32 $0xFFFFFE00, v58  }
0x305: {  	v3 =	vor.u32 v3, v4;
	_ =	sdelay $0x4  }
0x306: {  	v4 =	vld.idx.msk [tilespmem:v3+s25+$0x0], $0xffff  }
0x307: {  	v59 =	vor.u32 $0x80, v3;
	_ =	sdelay $0x3  }
0x308: {  	[tilespmem:s12+$0x20] =	vst v4  }
0x309: {  	v4 =	vld.idx.msk [tilespmem:v59+s25+$0x0], $0xffff  }
0x30a: {  	v60 =	vor.u32 $0x100, v3;
	_ =	sdelay $0x3  }
0x30b: {  	[tilespmem:s13+$0x20] =	vst v4  }
0x30c: {  	v4 =	vld.idx.msk [tilespmem:v60+s25+$0x0], $0xffff  }
0x30d: {  	v3 =	vor.u32 $0x180, v3;
	_ =	sdelay $0x3  }
0x30e: {  	[tilespmem:s31+$0x20] =	vst v4  }
0x30f: {  	v3 =	vld.idx.msk [tilespmem:v3+s25+$0x0], $0xffff;
	_ =	sdelay $0x4  }
0x310: {  	[tilespmem:s16+$0x20] =	vst v3  }
0x311: {  	v3 =	vld [tilespmem:s11+$0x30];
	_ =	sdelay $0x4  }
0x312: {  	v61 =	vshll.u32 v3, $0x2  }
0x313: {  	v3 =	vand.u32 $0x7F, v3;
	v4 =	vand.u32 $0xFFFFFE00, v61  }
0x314: {  	v3 =	vor.u32 v3, v4;
	_ =	sdelay $0x4  }
0x315: {  	v4 =	vld.idx.msk [tilespmem:v3+s25+$0x0], $0xffff  }
0x316: {  	v62 =	vor.u32 $0x80, v3;
	_ =	sdelay $0x3  }
0x317: {  	[tilespmem:s12+$0x30] =	vst v4  }
0x318: {  	v4 =	vld.idx.msk [tilespmem:v62+s25+$0x0], $0xffff  }
0x319: {  	v63 =	vor.u32 $0x100, v3;
	_ =	sdelay $0x3  }
0x31a: {  	[tilespmem:s13+$0x30] =	vst v4  }
0x31b: {  	v4 =	vld.idx.msk [tilespmem:v63+s25+$0x0], $0xffff  }
0x31c: {  	v3 =	vor.u32 $0x180, v3;
	_ =	sdelay $0x3  }
0x31d: {  	s10 =	sadd.s32 $0x8, s10;
	[tilespmem:s31+$0x30] =	vst v4  }
0x31e: {  	p0 =	slt.u32 s10, $0x1F8;
	v3 =	vld.idx.msk [tilespmem:v3+s25+$0x0], $0xffff  }
.Ltmp5:
0x31f: {  	_ = 	snop;
	(pc) =	sbr.rel @p0 .LBB2_13-.Ltmp5, $3  }
0x320: {  	_ =	sdelay $0x1  }
0x321: {  	s11 =	sadd.s32 $0x80, s11;
	s12 =	sadd.s32 $0x80, s12  }
0x322: {  	s13 =	sadd.s32 $0x80, s13;
	s31 =	sadd.s32 $0x80, s31;
	[tilespmem:s16+$0x30] =	vst v3;
	s16 =	sadd.s32 $0x80, s16  }
0x323: {  	s7 =	sadd.s32 s4, s7;
	s11 =	sadd.s32 s5, s24  }
0x324: {  	[tilespmem:s25], [sflag:$0x2] =	stream.strided.gather [hbm4b:s7+s20], $0x4000, s6, s20, $0x38;
	[tilespmem:$0x17500] =	vst v63  }
0x325: {  	s7 =	sshrl.u32 s11, $0x3  }
0x326: {  	s12 =	rddreg [dreg:$0x16];
	s7 =	sadd.s32 s2, s7  }
0x327: {  	[hbm4b:s7+s3] =	stream.linear.scatter [tilespmem:s14], [sflag:$0x3], $0x2000, $0x38;
	[tilespmem:$0x17500] =	vst v63  }
0x328: {  	s7 =	sadd.s32 s5, s12  }
0x329: {  	s7 =	sshrl.u32 s7, $0x3  }
0x32a: {  	s13 =	rddreg [dreg:$0x17];
	s0 =	sadd.s32 $0x1, s0;
	s7 =	sadd.s32 s2, s7  }
0x32b: {  	[hbm4b:s7+s3] =	stream.linear.scatter [tilespmem:s15], [sflag:$0x3], $0x2000, $0x38;
	[tilespmem:$0x17500] =	vst v63  }
0x32c: {  	s16 =	rddreg [dreg:$0x18];
	p0 =	sne.s32 s0, $0x8;
	s7 =	sadd.s32 s5, s13  }
.Ltmp6:
0x32d: {  	s31 =	sadd.s32 s5, s16;
	s7 =	sshrl.u32 s7, $0x3;
	(pc) =	sbr.rel @p0 .LBB2_10-.Ltmp6, $4  }
0x32e: {  	s5 =	sshrl.u32 s31, $0x3;
	s7 =	sadd.s32 s2, s7  }
0x32f: {  	[hbm4b:s7+s3] =	stream.linear.scatter [tilespmem:s19], [sflag:$0x3], $0x2000, $0x38;
	[tilespmem:$0x17500] =	vst v63  }
0x330: {  	s5 =	sadd.s32 s2, s5  }
0x331: {  	[hbm4b:s5+s3] =	stream.linear.scatter [tilespmem:s28], [sflag:$0x3], $0x2000, $0x38;
	[tilespmem:$0x17500] =	vst v63  }
0x332: {  	_ =	swait.ge [sflag:s30], $0x2000  }
0x333: {  	[sflag:s30] =	ssyncset.done $0x0  }
0x334: {  	[sflag:s30] =	ssyncadd.s32 $0xFFFFE000  }
0x335: {  	_ =	swait.ge [sflag:s30], $0x2000  }
0x336: {  	[sflag:s30] =	ssyncset.done $0x0  }
0x337: {  	[sflag:s30] =	ssyncadd.s32 $0xFFFFE000  }
0x338: {  	_ =	swait.ge [sflag:s30], $0x2000  }
0x339: {  	[sflag:s30] =	ssyncset.done $0x0  }
0x33a: {  	[sflag:s30] =	ssyncadd.s32 $0xFFFFE000  }
0x33b: {  	_ =	swait.ge [sflag:s30], $0x2000  }
0x33c: {  	[sflag:s30] =	ssyncset.done $0x0  }
0x33d: {  	[sflag:s30] =	ssyncadd.s32 $0xFFFFE000  }
0x33e: {  	_ =	swait.ge [sflag:s26], $0x4000  }
0x33f: {  	[sflag:s26] =	ssyncset.done $0x0  }
0x340: {  	[sflag:s26] =	ssyncadd.s32 $0xFFFFC000  }
0x341: {  	_ =	swait.ge [sflag:s29], $0x4000  }
0x342: {  	s5 =	sld [smem:$0x7FD];
	_ =	sdelay $0x2  }
0x343: {  	s0 =	rddreg [dreg:$0x1c];
	s5 =	sadd.s32 $0x1, s5  }
0x344: {  	p0 =	sne.s32 s5, s0  }
.Ltmp7:
0x345: {  	_ = 	snop;
	(pc) =	sbr.rel @p0 .LBB2_1-.Ltmp7, $3  }
0x346: {  	_ =	sdelay $0x1  }
0x347: {  	[sflag:s29] =	ssyncset.done $0x0  }
0x348: {  	[sflag:s29] =	ssyncadd.s32 $0xFFFFC000  }
0x349: {  	_ =	sfence.sel $0x180000  }
0x34a: {  	[bflag:$0x0] =	sbarrier.arrive $0xFFFF  }
0x34b: {  	_ =	strace $0x90000047  }
0x34c: {  	s0 =	stileid.u32;
	[bflag:$0x2] =	sbarrier.arrive $0xFFFF  }
0x34d: {  	p0 =	sne.s32 s0, $0x0;
	s0 =	rddreg [dreg:$0x3]  }
0x34e: {  	s0 =	sadd.s32 @!p0 $0x100000, s0  }
0x34f: {  	[sflag:s0] =	ssyncadd.tile.s32 @!p0 $0x1;
	_ =	shalt  }
.Lfunc_end2:
_tile_overlayer_lowered:
.L_overlay_start_2:
0x350: {  	(tag) =	ssettag $0x2  }
0x351: {  	s0 =	rddreg [dreg:$0x0];
	s2 =	stileid.u32  }
0x352: {  	s1 =	rddreg [dreg:$0x1];
	p0 =	sne.s32 s2, $0x0  }
0x353: {  	s3 =	rddreg [dreg:$0x2];
	[bflag:$0x3] =	sbarrier.arrive $0xFFFF;
	s2 =	simm.s32 @!p0 $0x1C04  }
0x354: {  	[timem:s3], [sflag:s2] =	dma.local @!p0 [hbm:s0], s1  }
0x355: {  	s0 =	simm.s32 @!p0 $0x4  }
0x356: {  	_ =	swait.ge @!p0 [sflag:s0], s1  }
0x357: {  	s1 =	ssub.s32 @!p0 $0x0, s1;
	[sflag:s0] =	ssyncset.done @!p0 $0x0  }
0x358: {  	[sflag:s0] =	ssyncadd.s32 @!p0 s1  }
0x359: {  	[bflag:$0x3] =	sbarrier.arrive $0xFFFF  }
0x35a: {  	_ =	shalt  }

// kernel: sparse-core-data-format-call.cloned.1.call-start
scs
called_computation_lowered:
.L_overlay_start_0:
0x0: {  	s2 =	sld [smem:$0x3FD9]  }
0x1: {  	s3 =	sld [smem:$0x3FFE];
	_ =	sdelay $0x1  }
0x2: {  	s1 =	srdreg.scid  }
0x3: {  	s0 =	sand.u32 $0x1, s1  }
0x4: {  	s18 =	sshll.u32 s0, $0xA;
	s2 =	sadd.s32 s3, s2  }
0x5: {  	s2 =	sadd.s32 s2, s18  }
0x6: {  	[smem:$0x3FC5] =	sst s2  }
0x7: {  	_ = 	snop  }
0x8: {  	s2 =	sld [smem:$0x3FD0];
	(tm) =	ssettm $0x1  }
0x9: {  	s19 =	sld [smem:$0x3FFB];
	_ =	sdelay $0x3  }
0xa: {  	_ =	strace s19  }
0xb: {  	s3 =	sld [smem:$0x3FFC];
	_ =	sdelay $0x3  }
0xc: {  	_ =	strace s3  }
0xd: {  	s3 =	sld [smem:$0x3FFD];
	_ =	sdelay $0x3  }
0xe: {  	_ =	strace s3  }
0xf: {  	_ =	strace $0x8FFFFFFF  }
0x10: {  	s20 =	sld [smem:$0x3FDB];
	_ =	sdelay $0x1  }
0x11: {  	s4 =	simm.s32 $_scs_section_size  }
0x12: {  	s5 =	simm.s32 $_size__tile_overlayer_lowered;
	s6 =	simm.s32 $_tile_overlayer_lowered  }
0x13: {  	s23 =	simm.s32 $0x1BFF;
	s22 =	sshll.u32 s6, $0x1;
	s3 =	sadd.s32 s4, s20  }
0x14: {  	s7 =	simm.s32 $0x0;
	s21 =	sshll.u32 s5, $0x1;
	s5 =	sadd.s32 s22, s3  }
0x15: {  	[timem:s7], [sflag:s23] =	dma.local [hbm:s5], s21  }
0x16: {  	_ =	swait.ge [sflag:s23], s21  }
0x17: {  	s4 =	ssub.s32 $0x0, s21;
	[sflag:s23] =	ssyncset.done $0x0  }
0x18: {  	[sflag:s23] =	ssyncadd.s32 s4;
	_ =	sdelay $0x1  }
0x19: {  	s24 =	simm.s32 $0x1B8B  }
0x1a: {  	_ =	swait.ge [sflag:s24], $0x1  }
0x1b: {  	[sflag:s24] =	ssyncset.done $0x0  }
0x1c: {  	s26 =	simm.s32 $0x1B8E;
	s25 =	sld [smem:$0x3FFE];
	[sflag:s24] =	ssyncadd.s32 $0xFFFFFFFF  }
0x1d: {  	s27 =	simm.s32 $execute0_lowered;
	[smem:$0x3FD2] =	sst s26  }
0x1e: {  	s5 =	sshll.u32 s27, $0x1;
	_ =	strace $0x80000049;
	[dreg:$0x1] =	wrdreg $0xFFFFFFFF  }
0x1f: {  	s28 =	simm.s32 $_size_execute0_lowered;
	s3 =	sadd.s32 s3, s5;
	[dreg:$0x0] =	wrdreg $0x0  }
0x20: {  	s5 =	sshll.u32 s28, $0x1;
	[dreg:$0x2] =	wrdreg s3  }
0x21: {  	[dreg:$0x3] =	wrdreg s5  }
0x22: {  	[dreg:$0x4] =	wrdreg $0xC0  }
0x23: {  	_ =	task [dreg:s7], $0x5FFFF  }
0x24: {  	[dreg:$0x1] =	wrdreg $0xFFFFFFFF  }
0x25: {  	[dreg:$0x0] =	wrdreg $0x60  }
0x26: {  	[dreg:$0x2] =	wrdreg s25  }
0x27: {  	[dreg:$0x3] =	wrdreg s2  }
0x28: {  	[dreg:$0x4] =	wrdreg $0x9  }
0x29: {  	_ =	task.clear_ibuf [dreg:s7], $0x5FFFF;
	_ =	strace $0x90000049  }
0x2a: {  	s29 =	simm.s32 $0x9;
	_ =	strace $0x8000004B  }
0x2b: {  	_ =	swait.ge [sflag:s29], $0x1  }
0x2c: {  	[sflag:s29] =	ssyncadd.s32 $0xFFFFFFFF  }
0x2d: {  	_ =	strace $0x9000004B  }
0x2e: {  	_ =	sfence  }
0x2f: {  	s30 =	sld [smem:$0x0];
	_ =	sdelay $0x2  }
0x30: {  	s31 =	sshll.u32 s1, $0xD;
	s1 =	sshrl.u32 s1, $0x2  }
0x31: {  	s3 =	sand.u32 $0x4000, s31;
	s1 =	sadd.s32 s1, s30  }
0x32: {  	s0 =	sor.u32 s3, s0;
	s1 =	sshll.u32 s1, $0x11  }
0x33: {  	s0 =	sor.u32 s1, s0  }
0x34: {  	s0 =	sadd.s32 $0x8F2B, s0  }
0x35: {  	[sflag:s0] =	ssyncadd.remote.s32 $0x1  }
0x36: {  	_ =	sfence.sel $0xFFFF  }
0x37: {  	[dreg:$0x0] =	wrdreg $0xFFFFFFFF;
	(pc) =	sbr.abs _section_cstart, $3  }
0x38: {  	[dreg:$0x1] =	wrdreg $0xFFFFFFFF  }
0x39: {  	_ =	task.clear_ibuf [dreg:s7], $0x2FFFF;
	_ =	strace $0x9FFFFFFF  }
0x3a: {  	(tm) =	ssettm $0x7FFFFFFF  }
0x3b: {  	_ =	shalt  }
tec
execute0_lowered:
.L_overlay_start_1:
0x0: {  	(tag) =	ssettag $0x1  }
0x1: {  	s0 =	stileid.u32;
	s1 =	srdreg.scid  }
0x2: {  	s5 =	rddreg [dreg:$0x0];
	s2 =	sshll.u32 s0, $0x4;
	s1 =	sshll.u32 s1, $0x8  }
0x3: {  	s3 =	rddreg [dreg:$0x1];
	s6 =	simm.s32 $0x1;
	s1 =	sor.u32 s2, s1  }
0x4: {  	s8 =	simm.s32 $0x2;
	s14 =	simm.s32 $0x0;
	s2 =	sand.u32 $0x180, s1  }
0x5: {  	s9 =	simm.s32 $0x2000;
	s15 =	simm.s32 $0x0;
	s4 =	ssub.s32 $0x400, s2  }
0x6: {  	s16 =	simm.s32 $0x0;
	s11 =	simm.s32 $0x0;
	s31 =	sand.u32 $0x180, s4  }
0x7: {  	s13 =	simm.s32 $0x0;
	s7 =	sand.u32 $0x7, s0;
	p0 =	sne.s32 s31, $0x0  }
.Ltmp0:
0x8: {  	s4 =	sshrl.u32 s4, $0x9;
	s6 =	simm.s32 @!p0 $0x0;
	(pc) =	sbr.rel .LBB1_1-.Ltmp0, $4  }
0x9: {  	s1 =	rddreg [dreg:$0x2];
	_ =	strace $0x8000004A;
	s6 =	sadd.s32 s6, s4  }
0xa: {  	s4 =	sadd.s32 $0x800, s5;
	s5 =	simm.s32 $0x1;
	s6 =	smul.u32 $0x43, s6  }
0xb: {  	s12 =	smov.u32 s7;
	s10 =	smov.u32 s2;
	[sflag:s5] =	ssyncpa.u1 $0x0  }
0xc: {  	p0 =	por $0x0, $0x0;
	[sflag:s8] =	ssyncpa.u1 $0x0;
	s8 =	sadd.s32 $0x1, s6  }
.LBB1_4:
0xd: {  	s16 =	smul.u32 $0x43000, s16;
	_ =	sdelay $0x1  }
0xe: {  	s19 =	sand.u32 $0xF80, s14;
	s15 =	sshll.u32 s15, $0xC;
	s16 =	sadd.s32 s3, s16  }
0xf: {  	s20 =	sshrl.u32 s14, $0x3;
	s30 =	sand.u32 $0x7, s14;
	s15 =	sadd.s32 s15, s16  }
0x10: {  	s31 =	sand.u32 $0xF, s20;
	s14 =	sshll.u32 s30, $0x12;
	s15 =	sadd.s32 s19, s15  }
0x11: {  	[tilespmem:s18+$0x0 ss:$0x81] =	vst.msk $0xffff, v0;
	s14 =	sor.u32 $0x400, s14;
	s15 =	sadd.s32 s31, s15  }
0x12: {  	[hbm4b:s15+s14] =	stream.strided.scatter [tilespmem:s17], [sflag:$0x2], $0x1000, s9, s14, $0x20;
	[tilespmem:$0x4040] =	vst v63  }
.LBB1_5:
0x13: {  	s17 =	sadd.s32 $0x200, s10  }
0x14: {  	s14 =	simm.s32 $0x1;
	p2 =	sgt.s32 s17, $0x3FF  }
0x15: {  	s14 =	simm.s32 @!p2 $0x0  }
0x16: {  	s18 =	sadd.s32 s14, s11  }
0x17: {  	s20 =	smov.u32 s12;
	s14 =	sadd.s32 $0x8, s12;
	p3 =	sgt.s32 s18, $0x42  }
0x18: {  	s20 =	smov.u32 @p3 s14  }
0x19: {  	p1 =	slt.u32 s13, $0x2;
	s17 =	smov.u32 @p2 s2;
	p2 =	sgt.s32 s20, $0x7  }
0x1a: {  	s19 =	simm.s32 @!p1 $0x2;
	s20 =	smov.u32 @p2 s7;
	p2 =	sne.s32 s13, s8  }
.Ltmp1:
0x1b: {  	_ =	swait.ge @!p1 [sflag:s19], $0x1000;
	(pc) =	sbr.rel @!p2 .LBB1_6-.Ltmp1, $4  }
0x1c: {  	s15 =	smov.u32 s11;
	[sflag:s19] =	ssyncset.done @!p1 $0x0  }
0x1d: {  	s16 =	smov.u32 s12;
	p0 =	por !p0, !p0;
	[sflag:s19] =	ssyncadd.s32 @!p1 $0xFFFFF000  }
0x1e: {  	s18 =	simm.s32 @p3 $0x0;
	s14 =	smov.u32 s10;
	s10 =	smov.u32 s17  }
0x1f: {  	s11 =	smov.u32 s18;
	s13 =	sadd.s32 $0x1, s13;
	s12 =	smov.u32 s20  }
.LBB1_1:
0x20: {  	p1 =	sge.u32 s13, s6  }
0x21: {  	s18 =	smul.u32 @!p1 $0x10C000, s12  }
0x22: {  	s31 =	sadd.s32 $0xFFFFFFFF, s13;
	s17 =	sxor.u32 @!p1 $0xFFFFFFFF, s13;
	s19 =	sshll.u32 @!p1 s11, $0xE  }
0x23: {  	s20 =	sshll.u32 @!p1 s10, $0x4;
	s17 =	sshll.u32 @!p1 s17, $0xC;
	s18 =	sadd.s32 @!p1 s4, s18  }
0x24: {  	s20 =	sand.u32 @!p1 $0x3FF0, s20;
	s17 =	sand.u32 @!p1 $0x1000, s17;
	s18 =	sadd.s32 @!p1 s19, s18  }
0x25: {  	s19 =	simm.s32 @!p1 $0x20;
	s18 =	sadd.s32 @!p1 s20, s18;
	s20 =	simm.s32 @!p1 $0x80  }
0x26: {  	[tilespmem:s17], [sflag:$0x1] =	stream.strided.gather @!p1 [hbm4b:s18+s19], $0x1000, s20, s19, $0x38;
	[tilespmem:$0x4040] =	vst v63  }
0x27: {  	p1 =	sge.u32 s31, s6  }
.Ltmp2:
0x28: {  	_ = 	snop;
	(pc) =	sbr.rel @p1 .LBB1_5-.Ltmp2, $1  }
0x29: {  	_ =	sdelay $0x3  }
0x2a: {  	s17 =	simm.s32 $0x1  }
0x2b: {  	_ =	swait.ge [sflag:s5], $0x1000;
	s17 =	simm.s32 @!p0 $0x0  }
0x2c: {  	[sflag:s5] =	ssyncset.done $0x0;
	s18 =	sshll.u32 s17, $0xC  }
0x2d: {  	[sflag:s5] =	ssyncadd.s32 $0xFFFFF000;
	s21 =	sor.u32 $0x10, s18  }
0x2e: {  	s17 =	smul.u32 $0x4080, s17;
	v1 =	vld [tilespmem:s21+$0x0]  }
0x2f: {  	s30 =	sand.u32 $0x1, s13;
	v0 =	vld [tilespmem:s21+$0xFFFFFFF0]  }
0x30: {  	s18 =	smul.u32 $0x4080, s30;
	s17 =	sshrl.u32 s17, $0x2  }
0x31: {  	s19 =	sor.u32 $0x2000, s17  }
0x32: {  	s31 =	sshrl.u32 s18, $0x2;
	s18 =	sadd.s32 $0x0, s19  }
0x33: {  	s20 =	simm.s32 $0x4;
	s21 =	sadd.s32 $0x20, s21;
	s17 =	sor.u32 $0x2000, s31;
	[tilespmem:s18+$0x810 ss:$0x81] =	vst.msk $0xffff, v1  }
.LBB1_3:
0x34: {  	v1 =	vld [tilespmem:s21+$0x0];
	p1 =	sne.s32 s20, $0x1FC;
	[tilespmem:s18+$0x0 ss:$0x81] =	vst.msk $0xffff, v0;
	s18 =	smov.u32 s20;
	s20 =	sadd.s32 $0x4, s20  }
.Ltmp3:
0x35: {  	v0 =	vld [tilespmem:s21+$0xFFFFFFF0];
	(pc) =	sbr.rel @p1 .LBB1_3-.Ltmp3, $4  }
0x36: {  	_ = 	snop  }
0x37: {  	s18 =	sshra.s32 s18, $0x2  }
0x38: {  	s18 =	sadd.s32 s18, s19  }
0x39: {  	s21 =	sadd.s32 $0x20, s21;
	[tilespmem:s18+$0x810 ss:$0x81] =	vst.msk $0xffff, v1  }
.Ltmp4:
0x3a: {  	_ = 	snop;
	(pc) =	sbr.rel .LBB1_4-.Ltmp4, $1  }
0x3b: {  	_ =	sdelay $0x3  }
.LBB1_6:
0x3c: {  	_ =	sfence.sel $0x180000  }
0x3d: {  	s2 =	simm.s32 $0x1;
	[bflag:$0x0] =	sbarrier.arrive $0xFFFF  }
0x3e: {  	s31 =	simm.s32 $0x2;
	[sflag:s2] =	ssyncpa.u1 $0x1  }
0x3f: {  	[sflag:s31] =	ssyncpa.u1 $0x1  }
0x40: {  	p0 =	sne.s32 s0, $0x0;
	_ =	strace $0x9000004A  }
0x41: {  	s0 =	sadd.s32 @!p0 $0x100000, s1;
	[bflag:$0x2] =	sbarrier.arrive $0xFFFF  }
0x42: {  	[sflag:s0] =	ssyncadd.tile.s32 @!p0 $0x1;
	_ =	shalt  }
.Lfunc_end1:
_tile_overlayer_lowered:
.L_overlay_start_2:
0x43: {  	(tag) =	ssettag $0x2  }
0x44: {  	s0 =	rddreg [dreg:$0x0];
	s2 =	stileid.u32  }
0x45: {  	s1 =	rddreg [dreg:$0x1];
	p0 =	sne.s32 s2, $0x0  }
0x46: {  	s3 =	rddreg [dreg:$0x2];
	[bflag:$0x3] =	sbarrier.arrive $0xFFFF;
	s2 =	simm.s32 @!p0 $0x1C01  }
0x47: {  	[timem:s3], [sflag:s2] =	dma.local @!p0 [hbm:s0], s1  }
0x48: {  	s0 =	simm.s32 @!p0 $0x1  }
0x49: {  	_ =	swait.ge @!p0 [sflag:s0], s1  }
0x4a: {  	s1 =	ssub.s32 @!p0 $0x0, s1;
	[sflag:s0] =	ssyncset.done @!p0 $0x0  }
0x4b: {  	[sflag:s0] =	ssyncadd.s32 @!p0 s1  }
0x4c: {  	[bflag:$0x3] =	sbarrier.arrive $0xFFFF  }
0x4d: {  	_ =	shalt  }

</sc_bundles>
